<compile_context>
chip_gen: v7x
topology: tpu7x:2x2x1
jax: 0.10.2.dev20260603
libtpu: 0.0.44.dev20260713+nightly
codegen_flags: <defaults>
</compile_context>

<pallas_src>
import jax
import jax.numpy as jnp
from jax import lax
from jax.experimental import pallas as pl
from jax.experimental.pallas import tpu as pltpu
from jax.experimental.pallas import tpu_sc as plsc

_T = 0.3
_L = 128
_NPAD = 20480
_NBLK = _NPAD // _L
_NSUB = 16
_SHARD = _NPAD // _NSUB
_NCH = _SHARD // 16
_G = 8


def _sc_body(x1h, y1h, x2h, y2h, outh,
             x1v, y1v, x2v, y2v, keepv, kblkv,
             kx1b, ky1b, kx2b, ky2b, kab, kib, nkc, pubs):
    sid = lax.axis_index("s")
    cid = lax.axis_index("c")
    iota = lax.broadcasted_iota(jnp.int32, (16,), 0)
    ones16 = jnp.full((16,), 1.0, jnp.float32)
    zero16 = jnp.zeros((16,), jnp.float32)

    pltpu.sync_copy(x1h, x1v.at[pl.ds(0, _NPAD)])
    pltpu.sync_copy(y1h, y1v.at[pl.ds(0, _NPAD)])
    pltpu.sync_copy(x2h, x2v.at[pl.ds(0, _NPAD)])
    pltpu.sync_copy(y2h, y2v.at[pl.ds(0, _NPAD)])

    def init_body(i, c):
        keepv[pl.ds(i * 16, 16)] = ones16
        return c

    lax.fori_loop(0, _NCH, init_body, 0)

    x1v[pl.ds(_NPAD, 16)] = zero16
    y1v[pl.ds(_NPAD, 16)] = zero16
    x2v[pl.ds(_NPAD, 16)] = zero16
    y2v[pl.ds(_NPAD, 16)] = zero16

    def splat(ref, g):
        w = ref[pl.ds(g, 16)]
        return jnp.full((16,), w[0], jnp.float32)

    def blk_body(blk, carry):
        g0 = blk * (_L // 16)
        for j in range(_L // 16):
            gc = g0 + j

            @pl.when(sid == lax.rem(gc, _NSUB))
            def _publish():
                lo = pl.multiple_of((gc // _NSUB) * 16, 16)
                pltpu.sync_copy(keepv.at[pl.ds(lo, 16)],
                                pubs.at[pl.ds(j * 16, 16)])

        plsc.subcore_barrier()
        pltpu.sync_copy(pubs, kblkv.at[pl.ds(0, _L)])

        gblk = blk * _L
        nkc[pl.ds(0, 16)] = jnp.zeros((16,), jnp.int32)

        def sg_body(b, c):
            @pl.when(kblkv[pl.ds(b, 16)][0] > 0.0)
            def _s():
                g = gblk + b
                bx1 = splat(x1v, g)
                by1 = splat(y1v, g)
                bx2 = splat(x2v, g)
                by2 = splat(y2v, g)
                ba = (bx2 - bx1) * (by2 - by1)

                nk = nkc[pl.ds(0, 16)][0]
                off = pl.multiple_of(nk * 16, 16)
                kx1b[pl.ds(off, 16)] = bx1
                ky1b[pl.ds(off, 16)] = by1
                kx2b[pl.ds(off, 16)] = bx2
                ky2b[pl.ds(off, 16)] = by2
                kab[pl.ds(off, 16)] = ba
                kib[pl.ds(off, 16)] = jnp.full((16,), g, jnp.int32)
                nkc[pl.ds(0, 16)] = jnp.full((16,), nk + 1, jnp.int32)

                def ch_body(ch, c2):
                    base = ch * 16
                    gb = gblk + base
                    vx1 = x1v[pl.ds(gb, 16)]
                    vy1 = y1v[pl.ds(gb, 16)]
                    vx2 = x2v[pl.ds(gb, 16)]
                    vy2 = y2v[pl.ds(gb, 16)]
                    va = (vx2 - vx1) * (vy2 - vy1)
                    iw = jnp.maximum(
                        jnp.minimum(bx2, vx2) - jnp.maximum(bx1, vx1), 0.0)
                    ih = jnp.maximum(
                        jnp.minimum(by2, vy2) - jnp.maximum(by1, vy1), 0.0)
                    inter = iw * ih
                    iou = inter / (ba + va - inter)
                    sup = (iou > _T) & ((iota + base) > b)
                    kv = kblkv[pl.ds(base, 16)]
                    kblkv[pl.ds(base, 16)] = jnp.where(sup, 0.0, kv)
                    return c2

                lax.fori_loop(b // 16, _L // 16, ch_body, 0)
            return c

        lax.fori_loop(0, _L, sg_body, 0)

        nk = nkc[pl.ds(0, 16)][0]
        for d in range(_G - 1):
            off = pl.multiple_of((nk + d) * 16, 16)
            kx1b[pl.ds(off, 16)] = zero16
            ky1b[pl.ds(off, 16)] = zero16
            kx2b[pl.ds(off, 16)] = zero16
            ky2b[pl.ds(off, 16)] = zero16
            kab[pl.ds(off, 16)] = zero16
            kib[pl.ds(off, 16)] = jnp.full((16,), _NPAD, jnp.int32)

        lc0 = (blk * (_L // 16) - sid + (_NSUB - 1)) // _NSUB

        def grp_body(it, c):
            sups = []
            for j in range(_G):
                base = pl.multiple_of((it * _G + j) * 16, 16)
                sups.append((kx1b[pl.ds(base, 16)],
                             ky1b[pl.ds(base, 16)],
                             kx2b[pl.ds(base, 16)],
                             ky2b[pl.ds(base, 16)],
                             kab[pl.ds(base, 16)],
                             kib[pl.ds(base, 16)]))

            def lc_body(lc, c2):
                gb = (lc * _NSUB + sid) * 16
                vx1 = x1v[pl.ds(gb, 16)]
                vy1 = y1v[pl.ds(gb, 16)]
                vx2 = x2v[pl.ds(gb, 16)]
                vy2 = y2v[pl.ds(gb, 16)]
                va = (vx2 - vx1) * (vy2 - vy1)
                lanes = iota + gb
                supf = zero16
                for j in range(_G):
                    bx1, by1, bx2, by2, ba, gv = sups[j]
                    iw = jnp.maximum(
                        jnp.minimum(bx2, vx2) - jnp.maximum(bx1, vx1), 0.0)
                    ih = jnp.maximum(
                        jnp.minimum(by2, vy2) - jnp.maximum(by1, vy1), 0.0)
                    inter = iw * ih
                    iou = inter / (ba + va - inter)
                    supf = jnp.maximum(
                        supf,
                        jnp.where((iou > _T) & (lanes > gv), 1.0, 0.0))
                kv = keepv[pl.ds(lc * 16, 16)]
                keepv[pl.ds(lc * 16, 16)] = jnp.where(supf > 0.0, 0.0, kv)
                return c2

            lax.fori_loop(lc0, _NCH, lc_body, 0)
            return c

        lax.fori_loop(0, (nk + _G - 1) // _G, grp_body, 0)

        plsc.subcore_barrier()
        return carry

    lax.fori_loop(0, _NBLK, blk_body, 0)

    @pl.when(cid == 0)
    def _writeout():
        pltpu.sync_copy(keepv, outh.at[pl.ds(sid * _SHARD, _SHARD)])


@jax.jit
def _sc_nms(x1, y1, x2, y2):
    mesh = plsc.VectorSubcoreMesh(core_axis_name="c", subcore_axis_name="s")
    nstage = (_L + _G) * 16
    f = pl.kernel(
        _sc_body,
        mesh=mesh,
        out_type=jax.ShapeDtypeStruct((_NPAD,), jnp.float32),
        scratch_types=[
            pltpu.VMEM((_NPAD + 16,), jnp.float32),
            pltpu.VMEM((_NPAD + 16,), jnp.float32),
            pltpu.VMEM((_NPAD + 16,), jnp.float32),
            pltpu.VMEM((_NPAD + 16,), jnp.float32),
            pltpu.VMEM((_SHARD,), jnp.float32),
            pltpu.VMEM((_L + 16,), jnp.float32),
            pltpu.VMEM((nstage,), jnp.float32),
            pltpu.VMEM((nstage,), jnp.float32),
            pltpu.VMEM((nstage,), jnp.float32),
            pltpu.VMEM((nstage,), jnp.float32),
            pltpu.VMEM((nstage,), jnp.float32),
            pltpu.VMEM((nstage,), jnp.int32),
            pltpu.VMEM((16,), jnp.int32),
            pltpu.VMEM_SHARED((_L,), jnp.float32),
        ],
    )
    return f(x1, y1, x2, y2)


def kernel(boxes, scores):
    n = scores.shape[0]
    order = jnp.argsort(-scores)
    bs = jnp.pad(jnp.take(boxes, order, axis=0), ((0, _NPAD - n), (0, 0)))
    keepf = _sc_nms(bs[:, 0], bs[:, 1], bs[:, 2], bs[:, 3])
    keepf = keepf.reshape(_NSUB, _NCH, 16).transpose(1, 0, 2).reshape(-1)
    keep_sorted = keepf[:n] > 0.0
    keep = jnp.zeros((n,), bool).at[order].set(keep_sorted)
    masked_scores = scores * keep.astype(scores.dtype)
    return masked_scores, keep.astype(jnp.int32)

# --- scband reference (transcript-rebuilt; emitter-appended) ---
"""Pipeline reference for scband-rel-model-73778948211490 (READ-ONLY COPY).

The authoritative reference and input builder live on the scoring server;
editing this copy changes nothing except your own understanding.
"""

import jax, jax.numpy as jnp
import numpy as np

N = 20000
NMS_THRESH = 0.3


def setup_inputs(seed: int = 0) -> dict:
    key = jax.random.key(seed)
    k1, k2, k3 = jax.random.split(key, 3)
    ctr = jax.random.uniform(k1, (N, 2), dtype=jnp.float32) * 1000.0
    wh = jax.random.uniform(k2, (N, 2), dtype=jnp.float32) * 120.0 + 1.0
    boxes = jnp.concatenate([ctr - wh / 2.0, ctr + wh / 2.0], axis=1)
    scores = jax.random.uniform(k3, (N,), dtype=jnp.float32)
    return {"boxes": boxes, "scores": scores}


def _nms_keep(boxes, scores, thresh):
    # Greedy NMS, faithful to apply_nms(scores_ci, boxes_ci, nms_thresh=0.3)
    # used inside LinearizedContext.forward for sgdet inference.
    n = boxes.shape[0]
    order = jnp.argsort(-scores)
    b = jnp.take(boxes, order, axis=0)
    areas = (b[:, 2] - b[:, 0]) * (b[:, 3] - b[:, 1])
    idx = jnp.arange(n)

    def body(i, keep):
        bi = b[i]
        xx1 = jnp.maximum(bi[0], b[:, 0])
        yy1 = jnp.maximum(bi[1], b[:, 1])
        xx2 = jnp.minimum(bi[2], b[:, 2])
        yy2 = jnp.minimum(bi[3], b[:, 3])
        w = jnp.maximum(xx2 - xx1, 0.0)
        h = jnp.maximum(yy2 - yy1, 0.0)
        inter = w * h
        iou = inter / (areas[i] + areas - inter)
        suppress = (iou > thresh) & (idx > i)
        # only an unsuppressed (kept) box suppresses lower-scored boxes
        return jnp.where(keep[i], keep & (~suppress), keep)

    keep_sorted = jax.lax.fori_loop(0, n, body, jnp.ones((n,), dtype=bool))
    # scatter back to original (unsorted) index space, like the torch keep indices
    keep = jnp.zeros((n,), dtype=bool).at[order].set(keep_sorted)
    return keep


@jax.jit
def _nms_forward(boxes, scores):
    keep = _nms_keep(boxes, scores, NMS_THRESH)
    # mirrors nms_mask * probs in LinearizedContext: scores zeroed where suppressed
    masked_scores = scores * keep.astype(scores.dtype)
    return masked_scores, keep


def reference(boxes, scores):
    masked_scores, keep = _nms_forward(boxes, scores)
    return masked_scores, keep.astype(jnp.int32)

if __name__ == "__main__":
    import jax
    _d = setup_inputs()
    print(jax.jit(kernel)(*tuple(_d.values())))

</pallas_src>

<mosaic_0001>
#map = affine_map<(d0, d1) -> (0)>
module attributes {stable_mosaic.version = 14 : i64} {
  func.func @_sc_body(%arg0: i32, %arg1: i32, %arg2: memref<20480xf32, #tpu.memory_space<hbm>>, %arg3: memref<20480xf32, #tpu.memory_space<hbm>>, %arg4: memref<20480xf32, #tpu.memory_space<hbm>>, %arg5: memref<20480xf32, #tpu.memory_space<hbm>>, %arg6: memref<20480xf32, #tpu.memory_space<hbm>>, %arg7: memref<20496xf32, #tpu.memory_space<vmem>>, %arg8: memref<20496xf32, #tpu.memory_space<vmem>>, %arg9: memref<20496xf32, #tpu.memory_space<vmem>>, %arg10: memref<20496xf32, #tpu.memory_space<vmem>>, %arg11: memref<1280xf32, #tpu.memory_space<vmem>>, %arg12: memref<144xf32, #tpu.memory_space<vmem>>, %arg13: memref<2176xf32, #tpu.memory_space<vmem>>, %arg14: memref<2176xf32, #tpu.memory_space<vmem>>, %arg15: memref<2176xf32, #tpu.memory_space<vmem>>, %arg16: memref<2176xf32, #tpu.memory_space<vmem>>, %arg17: memref<2176xf32, #tpu.memory_space<vmem>>, %arg18: memref<2176xi32, #tpu.memory_space<vmem>>, %arg19: memref<16xi32, #tpu.memory_space<vmem>>, %arg20: memref<128xf32, #tpu.memory_space<vmem_shared>>) attributes {dimension_semantics = [#tpu.dimension_semantics<core_parallel>, #tpu.dimension_semantics<subcore_parallel>], iteration_bounds = array<i64: 2, 16>, scalar_prefetch = 0 : i64, scratch_operands = 14 : i64, tpu.core_type = #tpu.core_type<sc_vector_subcore>, window_params = [{transform_indices = #map}, {transform_indices = #map}, {transform_indices = #map}, {transform_indices = #map}, {transform_indices = #map}]} {
    %iota3A = tpu.iota {dimensions = array<i32: 0>} : vector<16xi32>
    %broadcast_in_dim3A = arith.constant 1.000000e+00 : f32
    %broadcast_in_dim3A_0 = vector.broadcast %broadcast_in_dim3A : f32 to vector<16xf32>
    %broadcast_in_dim3A_1 = arith.constant 0.000000e+00 : f32
    %broadcast_in_dim3A_2 = vector.broadcast %broadcast_in_dim3A_1 : f32 to vector<16xf32>
    "tpu.region"() ({
      %run_scoped3A = tpu.sem_alloc : memref<!tpu.dma_semaphore, #tpu.memory_space<semaphore_mem>>
      %dma_start3A = arith.constant 0 : i32
      %dma_start3A_31 = tpu.memref_slice %arg7[%dma_start3A] : memref<20496xf32, #tpu.memory_space<vmem>> -> memref<20480xf32, #tpu.memory_space<vmem>>
      %dma_start3A_32 = arith.constant 0 : i32
      %dma_start3A_33 = tpu.memref_slice %arg7[%dma_start3A_32] : memref<20496xf32, #tpu.memory_space<vmem>> -> memref<20480xf32, #tpu.memory_space<vmem>>
      tpu.enqueue_dma source(%arg2 : memref<20480xf32, #tpu.memory_space<hbm>>) target(%dma_start3A_33 : memref<20480xf32, #tpu.memory_space<vmem>>) target_semaphore(%run_scoped3A : memref<!tpu.dma_semaphore, #tpu.memory_space<semaphore_mem>>)
      %dma_wait3A = arith.constant 0 : i32
      %dma_wait3A_34 = tpu.memref_slice %arg7[%dma_wait3A] : memref<20496xf32, #tpu.memory_space<vmem>> -> memref<20480xf32, #tpu.memory_space<vmem>>
      %dma_wait3A_35 = arith.constant 0 : i32
      %dma_wait3A_36 = tpu.memref_slice %arg7[%dma_wait3A_35] : memref<20496xf32, #tpu.memory_space<vmem>> -> memref<20480xf32, #tpu.memory_space<vmem>>
      tpu.wait_dma2 semaphore(%run_scoped3A : memref<!tpu.dma_semaphore, #tpu.memory_space<semaphore_mem>>) src(%arg2 : memref<20480xf32, #tpu.memory_space<hbm>>) dst(%dma_wait3A_36 : memref<20480xf32, #tpu.memory_space<vmem>>)
      tpu.yield
    }) : () -> ()
    "tpu.region"() ({
      %run_scoped3A = tpu.sem_alloc : memref<!tpu.dma_semaphore, #tpu.memory_space<semaphore_mem>>
      %dma_start3A = arith.constant 0 : i32
      %dma_start3A_31 = tpu.memref_slice %arg8[%dma_start3A] : memref<20496xf32, #tpu.memory_space<vmem>> -> memref<20480xf32, #tpu.memory_space<vmem>>
      %dma_start3A_32 = arith.constant 0 : i32
      %dma_start3A_33 = tpu.memref_slice %arg8[%dma_start3A_32] : memref<20496xf32, #tpu.memory_space<vmem>> -> memref<20480xf32, #tpu.memory_space<vmem>>
      tpu.enqueue_dma source(%arg3 : memref<20480xf32, #tpu.memory_space<hbm>>) target(%dma_start3A_33 : memref<20480xf32, #tpu.memory_space<vmem>>) target_semaphore(%run_scoped3A : memref<!tpu.dma_semaphore, #tpu.memory_space<semaphore_mem>>)
      %dma_wait3A = arith.constant 0 : i32
      %dma_wait3A_34 = tpu.memref_slice %arg8[%dma_wait3A] : memref<20496xf32, #tpu.memory_space<vmem>> -> memref<20480xf32, #tpu.memory_space<vmem>>
      %dma_wait3A_35 = arith.constant 0 : i32
      %dma_wait3A_36 = tpu.memref_slice %arg8[%dma_wait3A_35] : memref<20496xf32, #tpu.memory_space<vmem>> -> memref<20480xf32, #tpu.memory_space<vmem>>
      tpu.wait_dma2 semaphore(%run_scoped3A : memref<!tpu.dma_semaphore, #tpu.memory_space<semaphore_mem>>) src(%arg3 : memref<20480xf32, #tpu.memory_space<hbm>>) dst(%dma_wait3A_36 : memref<20480xf32, #tpu.memory_space<vmem>>)
      tpu.yield
    }) : () -> ()
    "tpu.region"() ({
      %run_scoped3A = tpu.sem_alloc : memref<!tpu.dma_semaphore, #tpu.memory_space<semaphore_mem>>
      %dma_start3A = arith.constant 0 : i32
      %dma_start3A_31 = tpu.memref_slice %arg9[%dma_start3A] : memref<20496xf32, #tpu.memory_space<vmem>> -> memref<20480xf32, #tpu.memory_space<vmem>>
      %dma_start3A_32 = arith.constant 0 : i32
      %dma_start3A_33 = tpu.memref_slice %arg9[%dma_start3A_32] : memref<20496xf32, #tpu.memory_space<vmem>> -> memref<20480xf32, #tpu.memory_space<vmem>>
      tpu.enqueue_dma source(%arg4 : memref<20480xf32, #tpu.memory_space<hbm>>) target(%dma_start3A_33 : memref<20480xf32, #tpu.memory_space<vmem>>) target_semaphore(%run_scoped3A : memref<!tpu.dma_semaphore, #tpu.memory_space<semaphore_mem>>)
      %dma_wait3A = arith.constant 0 : i32
      %dma_wait3A_34 = tpu.memref_slice %arg9[%dma_wait3A] : memref<20496xf32, #tpu.memory_space<vmem>> -> memref<20480xf32, #tpu.memory_space<vmem>>
      %dma_wait3A_35 = arith.constant 0 : i32
      %dma_wait3A_36 = tpu.memref_slice %arg9[%dma_wait3A_35] : memref<20496xf32, #tpu.memory_space<vmem>> -> memref<20480xf32, #tpu.memory_space<vmem>>
      tpu.wait_dma2 semaphore(%run_scoped3A : memref<!tpu.dma_semaphore, #tpu.memory_space<semaphore_mem>>) src(%arg4 : memref<20480xf32, #tpu.memory_space<hbm>>) dst(%dma_wait3A_36 : memref<20480xf32, #tpu.memory_space<vmem>>)
      tpu.yield
    }) : () -> ()
    "tpu.region"() ({
      %run_scoped3A = tpu.sem_alloc : memref<!tpu.dma_semaphore, #tpu.memory_space<semaphore_mem>>
      %dma_start3A = arith.constant 0 : i32
      %dma_start3A_31 = tpu.memref_slice %arg10[%dma_start3A] : memref<20496xf32, #tpu.memory_space<vmem>> -> memref<20480xf32, #tpu.memory_space<vmem>>
      %dma_start3A_32 = arith.constant 0 : i32
      %dma_start3A_33 = tpu.memref_slice %arg10[%dma_start3A_32] : memref<20496xf32, #tpu.memory_space<vmem>> -> memref<20480xf32, #tpu.memory_space<vmem>>
      tpu.enqueue_dma source(%arg5 : memref<20480xf32, #tpu.memory_space<hbm>>) target(%dma_start3A_33 : memref<20480xf32, #tpu.memory_space<vmem>>) target_semaphore(%run_scoped3A : memref<!tpu.dma_semaphore, #tpu.memory_space<semaphore_mem>>)
      %dma_wait3A = arith.constant 0 : i32
      %dma_wait3A_34 = tpu.memref_slice %arg10[%dma_wait3A] : memref<20496xf32, #tpu.memory_space<vmem>> -> memref<20480xf32, #tpu.memory_space<vmem>>
      %dma_wait3A_35 = arith.constant 0 : i32
      %dma_wait3A_36 = tpu.memref_slice %arg10[%dma_wait3A_35] : memref<20496xf32, #tpu.memory_space<vmem>> -> memref<20480xf32, #tpu.memory_space<vmem>>
      tpu.wait_dma2 semaphore(%run_scoped3A : memref<!tpu.dma_semaphore, #tpu.memory_space<semaphore_mem>>) src(%arg5 : memref<20480xf32, #tpu.memory_space<hbm>>) dst(%dma_wait3A_36 : memref<20480xf32, #tpu.memory_space<vmem>>)
      tpu.yield
    }) : () -> ()
    %scan3A = arith.constant 0 : i32
    %scan3A_3 = arith.constant 0 : i32
    %scan3A_4 = arith.constant 80 : i32
    %scan3A_5 = arith.addi %scan3A_3, %scan3A_4 : i32
    %scan3A_6 = arith.constant 1 : i32
    scf.for %scan3A_31 = %scan3A_3 to %scan3A_5 step %scan3A_6  : i32 {
      %mul3A = arith.constant 16 : i32
      %mul3A_32 = arith.muli %scan3A_31, %mul3A : i32
      %swap3A_33 = arith.index_cast %mul3A_32 : i32 to index
      %swap3A_34 = tpu.vector_load %arg11[%swap3A_33] {strides = array<i32>} : memref<1280xf32, #tpu.memory_space<vmem>>, vector<16xf32>,
      %swap3A_35 = vector.shape_cast %swap3A_34 : vector<16xf32> to vector<16xf32>
      %swap3A_36 = vector.shape_cast %broadcast_in_dim3A_0 : vector<16xf32> to vector<16xf32>
      tpu.vector_store %arg11[%swap3A_33], %swap3A_36 {strides = array<i32>} : memref<1280xf32, #tpu.memory_space<vmem>>, vector<16xf32>,
    }
    %scan3A_7 = arith.constant 80 : i32
    %swap3A = arith.constant 20480 : index
    %swap3A_8 = tpu.vector_load %arg7[%swap3A] {strides = array<i32>} : memref<20496xf32, #tpu.memory_space<vmem>>, vector<16xf32>,
    %swap3A_9 = vector.shape_cast %swap3A_8 : vector<16xf32> to vector<16xf32>
    %swap3A_10 = vector.shape_cast %broadcast_in_dim3A_2 : vector<16xf32> to vector<16xf32>
    tpu.vector_store %arg7[%swap3A], %swap3A_10 {strides = array<i32>} : memref<20496xf32, #tpu.memory_space<vmem>>, vector<16xf32>,
    %swap3A_11 = arith.constant 20480 : index
    %swap3A_12 = tpu.vector_load %arg8[%swap3A_11] {strides = array<i32>} : memref<20496xf32, #tpu.memory_space<vmem>>, vector<16xf32>,
    %swap3A_13 = vector.shape_cast %swap3A_12 : vector<16xf32> to vector<16xf32>
    %swap3A_14 = vector.shape_cast %broadcast_in_dim3A_2 : vector<16xf32> to vector<16xf32>
    tpu.vector_store %arg8[%swap3A_11], %swap3A_14 {strides = array<i32>} : memref<20496xf32, #tpu.memory_space<vmem>>, vector<16xf32>,
    %swap3A_15 = arith.constant 20480 : index
    %swap3A_16 = tpu.vector_load %arg9[%swap3A_15] {strides = array<i32>} : memref<20496xf32, #tpu.memory_space<vmem>>, vector<16xf32>,
    %swap3A_17 = vector.shape_cast %swap3A_16 : vector<16xf32> to vector<16xf32>
    %swap3A_18 = vector.shape_cast %broadcast_in_dim3A_2 : vector<16xf32> to vector<16xf32>
    tpu.vector_store %arg9[%swap3A_15], %swap3A_18 {strides = array<i32>} : memref<20496xf32, #tpu.memory_space<vmem>>, vector<16xf32>,
    %swap3A_19 = arith.constant 20480 : index
    %swap3A_20 = tpu.vector_load %arg10[%swap3A_19] {strides = array<i32>} : memref<20496xf32, #tpu.memory_space<vmem>>, vector<16xf32>,
    %swap3A_21 = vector.shape_cast %swap3A_20 : vector<16xf32> to vector<16xf32>
    %swap3A_22 = vector.shape_cast %broadcast_in_dim3A_2 : vector<16xf32> to vector<16xf32>
    tpu.vector_store %arg10[%swap3A_19], %swap3A_22 {strides = array<i32>} : memref<20496xf32, #tpu.memory_space<vmem>>, vector<16xf32>,
    %scan3A_23 = arith.constant 0 : i32
    %scan3A_24 = arith.constant 0 : i32
    %scan3A_25 = arith.constant 160 : i32
    %scan3A_26 = arith.addi %scan3A_24, %scan3A_25 : i32
    %scan3A_27 = arith.constant 1 : i32
    scf.for %scan3A_31 = %scan3A_24 to %scan3A_26 step %scan3A_27  : i32 {
      %mul3A = arith.constant 8 : i32
      %mul3A_32 = arith.muli %scan3A_31, %mul3A : i32
      %add3A = arith.constant 0 : i32
      %add3A_33 = arith.addi %mul3A_32, %add3A : i32
      %rem3A = arith.constant 16 : i32
      %rem3A_34 = arith.remsi %add3A_33, %rem3A : i32
      %eq3A_35 = arith.cmpi eq, %arg1, %rem3A_34 : i32
      %convert_element_type3A_36 = arith.extui %eq3A_35 : i1 to i32
      %cond3A_37 = arith.constant 0 : i32
      %cond3A_38 = arith.cmpi ne, %convert_element_type3A_36, %cond3A_37 : i32
      scf.if %cond3A_38 {
        %jit3A_387 = arith.constant 16 : i32
        %div3A_388 = arith.divsi %add3A_33, %jit3A_387 : i32
        %sign3A_389 = arith.constant 0 : i32
        %sign3A_390 = arith.cmpi sgt, %add3A_33, %sign3A_389 : i32
        %sign3A_391 = arith.extui %sign3A_390 : i1 to i32
        %sign3A_392 = arith.constant 0 : i32
        %sign3A_393 = arith.cmpi slt, %add3A_33, %sign3A_392 : i32
        %sign3A_394 = arith.extui %sign3A_393 : i1 to i32
        %sign3A_395 = arith.subi %sign3A_391, %sign3A_394 : i32
        %sign3A_396 = arith.constant 0 : i32
        %sign3A_397 = arith.cmpi sgt, %jit3A_387, %sign3A_396 : i32
        %sign3A_398 = arith.extui %sign3A_397 : i1 to i32
        %sign3A_399 = arith.constant 0 : i32
        %sign3A_400 = arith.cmpi slt, %jit3A_387, %sign3A_399 : i32
        %sign3A_401 = arith.extui %sign3A_400 : i1 to i32
        %sign3A_402 = arith.subi %sign3A_398, %sign3A_401 : i32
        %ne3A_403 = arith.cmpi ne, %sign3A_395, %sign3A_402 : i32
        %rem3A_404 = arith.remsi %add3A_33, %jit3A_387 : i32
        %ne3A_405 = arith.constant 0 : i32
        %ne3A_406 = arith.cmpi ne, %rem3A_404, %ne3A_405 : i32
        %and3A_407 = arith.andi %ne3A_403, %ne3A_406 : i1
        %sub3A_408 = arith.constant 1 : i32
        %sub3A_409 = arith.subi %div3A_388, %sub3A_408 : i32
        %select_n3A_410 = arith.select %and3A_407, %sub3A_409, %div3A_388 : i32
        %mul3A_411 = arith.constant 16 : i32
        %mul3A_412 = arith.muli %select_n3A_410, %mul3A_411 : i32
        %multiple_of3A_413 = tpu.assume_multiple %mul3A_412, 16 : i32
        "tpu.region"() ({
          %run_scoped3A = tpu.sem_alloc : memref<!tpu.dma_semaphore, #tpu.memory_space<semaphore_mem>>
          %dma_start3A = tpu.memref_slice %arg11[%multiple_of3A_413] : memref<1280xf32, #tpu.memory_space<vmem>> -> memref<16xf32, #tpu.memory_space<vmem>>
          %dma_start3A_414 = arith.constant 0 : i32
          %dma_start3A_415 = tpu.memref_slice %arg20[%dma_start3A_414] : memref<128xf32, #tpu.memory_space<vmem_shared>> -> memref<16xf32, #tpu.memory_space<vmem_shared>>
          %dma_start3A_416 = arith.constant 0 : i32
          %dma_start3A_417 = tpu.memref_slice %arg20[%dma_start3A_416] : memref<128xf32, #tpu.memory_space<vmem_shared>> -> memref<16xf32, #tpu.memory_space<vmem_shared>>
          %dma_start3A_418 = tpu.memref_slice %arg11[%multiple_of3A_413] : memref<1280xf32, #tpu.memory_space<vmem>> -> memref<16xf32, #tpu.memory_space<vmem>>
          tpu.enqueue_dma source(%dma_start3A_418 : memref<16xf32, #tpu.memory_space<vmem>>) target(%dma_start3A_417 : memref<16xf32, #tpu.memory_space<vmem_shared>>) target_semaphore(%run_scoped3A : memref<!tpu.dma_semaphore, #tpu.memory_space<semaphore_mem>>)
          %dma_wait3A = tpu.memref_slice %arg11[%multiple_of3A_413] : memref<1280xf32, #tpu.memory_space<vmem>> -> memref<16xf32, #tpu.memory_space<vmem>>
          %dma_wait3A_419 = arith.constant 0 : i32
          %dma_wait3A_420 = tpu.memref_slice %arg20[%dma_wait3A_419] : memref<128xf32, #tpu.memory_space<vmem_shared>> -> memref<16xf32, #tpu.memory_space<vmem_shared>>
          %dma_wait3A_421 = arith.constant 0 : i32
          %dma_wait3A_422 = tpu.memref_slice %arg20[%dma_wait3A_421] : memref<128xf32, #tpu.memory_space<vmem_shared>> -> memref<16xf32, #tpu.memory_space<vmem_shared>>
          %dma_wait3A_423 = tpu.memref_slice %arg11[%multiple_of3A_413] : memref<1280xf32, #tpu.memory_space<vmem>> -> memref<16xf32, #tpu.memory_space<vmem>>
          tpu.wait_dma2 semaphore(%run_scoped3A : memref<!tpu.dma_semaphore, #tpu.memory_space<semaphore_mem>>) src(%dma_wait3A_423 : memref<16xf32, #tpu.memory_space<vmem>>) dst(%dma_wait3A_422 : memref<16xf32, #tpu.memory_space<vmem_shared>>)
          tpu.yield
        }) : () -> ()
      } else {
      }
      %add3A_39 = arith.constant 1 : i32
      %add3A_40 = arith.addi %mul3A_32, %add3A_39 : i32
      %rem3A_41 = arith.constant 16 : i32
      %rem3A_42 = arith.remsi %add3A_40, %rem3A_41 : i32
      %eq3A_43 = arith.cmpi eq, %arg1, %rem3A_42 : i32
      %convert_element_type3A_44 = arith.extui %eq3A_43 : i1 to i32
      %cond3A_45 = arith.constant 0 : i32
      %cond3A_46 = arith.cmpi ne, %convert_element_type3A_44, %cond3A_45 : i32
      scf.if %cond3A_46 {
        %jit3A_387 = arith.constant 16 : i32
        %div3A_388 = arith.divsi %add3A_40, %jit3A_387 : i32
        %sign3A_389 = arith.constant 0 : i32
        %sign3A_390 = arith.cmpi sgt, %add3A_40, %sign3A_389 : i32
        %sign3A_391 = arith.extui %sign3A_390 : i1 to i32
        %sign3A_392 = arith.constant 0 : i32
        %sign3A_393 = arith.cmpi slt, %add3A_40, %sign3A_392 : i32
        %sign3A_394 = arith.extui %sign3A_393 : i1 to i32
        %sign3A_395 = arith.subi %sign3A_391, %sign3A_394 : i32
        %sign3A_396 = arith.constant 0 : i32
        %sign3A_397 = arith.cmpi sgt, %jit3A_387, %sign3A_396 : i32
        %sign3A_398 = arith.extui %sign3A_397 : i1 to i32
        %sign3A_399 = arith.constant 0 : i32
        %sign3A_400 = arith.cmpi slt, %jit3A_387, %sign3A_399 : i32
        %sign3A_401 = arith.extui %sign3A_400 : i1 to i32
        %sign3A_402 = arith.subi %sign3A_398, %sign3A_401 : i32
        %ne3A_403 = arith.cmpi ne, %sign3A_395, %sign3A_402 : i32
        %rem3A_404 = arith.remsi %add3A_40, %jit3A_387 : i32
        %ne3A_405 = arith.constant 0 : i32
        %ne3A_406 = arith.cmpi ne, %rem3A_404, %ne3A_405 : i32
        %and3A_407 = arith.andi %ne3A_403, %ne3A_406 : i1
        %sub3A_408 = arith.constant 1 : i32
        %sub3A_409 = arith.subi %div3A_388, %sub3A_408 : i32
        %select_n3A_410 = arith.select %and3A_407, %sub3A_409, %div3A_388 : i32
        %mul3A_411 = arith.constant 16 : i32
        %mul3A_412 = arith.muli %select_n3A_410, %mul3A_411 : i32
        %multiple_of3A_413 = tpu.assume_multiple %mul3A_412, 16 : i32
        "tpu.region"() ({
          %run_scoped3A = tpu.sem_alloc : memref<!tpu.dma_semaphore, #tpu.memory_space<semaphore_mem>>
          %dma_start3A = tpu.memref_slice %arg11[%multiple_of3A_413] : memref<1280xf32, #tpu.memory_space<vmem>> -> memref<16xf32, #tpu.memory_space<vmem>>
          %dma_start3A_414 = arith.constant 16 : i32
          %dma_start3A_415 = tpu.memref_slice %arg20[%dma_start3A_414] : memref<128xf32, #tpu.memory_space<vmem_shared>> -> memref<16xf32, #tpu.memory_space<vmem_shared>>
          %dma_start3A_416 = arith.constant 16 : i32
          %dma_start3A_417 = tpu.memref_slice %arg20[%dma_start3A_416] : memref<128xf32, #tpu.memory_space<vmem_shared>> -> memref<16xf32, #tpu.memory_space<vmem_shared>>
          %dma_start3A_418 = tpu.memref_slice %arg11[%multiple_of3A_413] : memref<1280xf32, #tpu.memory_space<vmem>> -> memref<16xf32, #tpu.memory_space<vmem>>
          tpu.enqueue_dma source(%dma_start3A_418 : memref<16xf32, #tpu.memory_space<vmem>>) target(%dma_start3A_417 : memref<16xf32, #tpu.memory_space<vmem_shared>>) target_semaphore(%run_scoped3A : memref<!tpu.dma_semaphore, #tpu.memory_space<semaphore_mem>>)
          %dma_wait3A = tpu.memref_slice %arg11[%multiple_of3A_413] : memref<1280xf32, #tpu.memory_space<vmem>> -> memref<16xf32, #tpu.memory_space<vmem>>
          %dma_wait3A_419 = arith.constant 16 : i32
          %dma_wait3A_420 = tpu.memref_slice %arg20[%dma_wait3A_419] : memref<128xf32, #tpu.memory_space<vmem_shared>> -> memref<16xf32, #tpu.memory_space<vmem_shared>>
          %dma_wait3A_421 = arith.constant 16 : i32
          %dma_wait3A_422 = tpu.memref_slice %arg20[%dma_wait3A_421] : memref<128xf32, #tpu.memory_space<vmem_shared>> -> memref<16xf32, #tpu.memory_space<vmem_shared>>
          %dma_wait3A_423 = tpu.memref_slice %arg11[%multiple_of3A_413] : memref<1280xf32, #tpu.memory_space<vmem>> -> memref<16xf32, #tpu.memory_space<vmem>>
          tpu.wait_dma2 semaphore(%run_scoped3A : memref<!tpu.dma_semaphore, #tpu.memory_space<semaphore_mem>>) src(%dma_wait3A_423 : memref<16xf32, #tpu.memory_space<vmem>>) dst(%dma_wait3A_422 : memref<16xf32, #tpu.memory_space<vmem_shared>>)
          tpu.yield
        }) : () -> ()
      } else {
      }
      %add3A_47 = arith.constant 2 : i32
      %add3A_48 = arith.addi %mul3A_32, %add3A_47 : i32
      %rem3A_49 = arith.constant 16 : i32
      %rem3A_50 = arith.remsi %add3A_48, %rem3A_49 : i32
      %eq3A_51 = arith.cmpi eq, %arg1, %rem3A_50 : i32
      %convert_element_type3A_52 = arith.extui %eq3A_51 : i1 to i32
      %cond3A_53 = arith.constant 0 : i32
      %cond3A_54 = arith.cmpi ne, %convert_element_type3A_52, %cond3A_53 : i32
      scf.if %cond3A_54 {
        %jit3A_387 = arith.constant 16 : i32
        %div3A_388 = arith.divsi %add3A_48, %jit3A_387 : i32
        %sign3A_389 = arith.constant 0 : i32
        %sign3A_390 = arith.cmpi sgt, %add3A_48, %sign3A_389 : i32
        %sign3A_391 = arith.extui %sign3A_390 : i1 to i32
        %sign3A_392 = arith.constant 0 : i32
        %sign3A_393 = arith.cmpi slt, %add3A_48, %sign3A_392 : i32
        %sign3A_394 = arith.extui %sign3A_393 : i1 to i32
        %sign3A_395 = arith.subi %sign3A_391, %sign3A_394 : i32
        %sign3A_396 = arith.constant 0 : i32
        %sign3A_397 = arith.cmpi sgt, %jit3A_387, %sign3A_396 : i32
        %sign3A_398 = arith.extui %sign3A_397 : i1 to i32
        %sign3A_399 = arith.constant 0 : i32
        %sign3A_400 = arith.cmpi slt, %jit3A_387, %sign3A_399 : i32
        %sign3A_401 = arith.extui %sign3A_400 : i1 to i32
        %sign3A_402 = arith.subi %sign3A_398, %sign3A_401 : i32
        %ne3A_403 = arith.cmpi ne, %sign3A_395, %sign3A_402 : i32
        %rem3A_404 = arith.remsi %add3A_48, %jit3A_387 : i32
        %ne3A_405 = arith.constant 0 : i32
        %ne3A_406 = arith.cmpi ne, %rem3A_404, %ne3A_405 : i32
        %and3A_407 = arith.andi %ne3A_403, %ne3A_406 : i1
        %sub3A_408 = arith.constant 1 : i32
        %sub3A_409 = arith.subi %div3A_388, %sub3A_408 : i32
        %select_n3A_410 = arith.select %and3A_407, %sub3A_409, %div3A_388 : i32
        %mul3A_411 = arith.constant 16 : i32
        %mul3A_412 = arith.muli %select_n3A_410, %mul3A_411 : i32
        %multiple_of3A_413 = tpu.assume_multiple %mul3A_412, 16 : i32
        "tpu.region"() ({
          %run_scoped3A = tpu.sem_alloc : memref<!tpu.dma_semaphore, #tpu.memory_space<semaphore_mem>>
          %dma_start3A = tpu.memref_slice %arg11[%multiple_of3A_413] : memref<1280xf32, #tpu.memory_space<vmem>> -> memref<16xf32, #tpu.memory_space<vmem>>
          %dma_start3A_414 = arith.constant 32 : i32
          %dma_start3A_415 = tpu.memref_slice %arg20[%dma_start3A_414] : memref<128xf32, #tpu.memory_space<vmem_shared>> -> memref<16xf32, #tpu.memory_space<vmem_shared>>
          %dma_start3A_416 = arith.constant 32 : i32
          %dma_start3A_417 = tpu.memref_slice %arg20[%dma_start3A_416] : memref<128xf32, #tpu.memory_space<vmem_shared>> -> memref<16xf32, #tpu.memory_space<vmem_shared>>
          %dma_start3A_418 = tpu.memref_slice %arg11[%multiple_of3A_413] : memref<1280xf32, #tpu.memory_space<vmem>> -> memref<16xf32, #tpu.memory_space<vmem>>
          tpu.enqueue_dma source(%dma_start3A_418 : memref<16xf32, #tpu.memory_space<vmem>>) target(%dma_start3A_417 : memref<16xf32, #tpu.memory_space<vmem_shared>>) target_semaphore(%run_scoped3A : memref<!tpu.dma_semaphore, #tpu.memory_space<semaphore_mem>>)
          %dma_wait3A = tpu.memref_slice %arg11[%multiple_of3A_413] : memref<1280xf32, #tpu.memory_space<vmem>> -> memref<16xf32, #tpu.memory_space<vmem>>
          %dma_wait3A_419 = arith.constant 32 : i32
          %dma_wait3A_420 = tpu.memref_slice %arg20[%dma_wait3A_419] : memref<128xf32, #tpu.memory_space<vmem_shared>> -> memref<16xf32, #tpu.memory_space<vmem_shared>>
          %dma_wait3A_421 = arith.constant 32 : i32
          %dma_wait3A_422 = tpu.memref_slice %arg20[%dma_wait3A_421] : memref<128xf32, #tpu.memory_space<vmem_shared>> -> memref<16xf32, #tpu.memory_space<vmem_shared>>
          %dma_wait3A_423 = tpu.memref_slice %arg11[%multiple_of3A_413] : memref<1280xf32, #tpu.memory_space<vmem>> -> memref<16xf32, #tpu.memory_space<vmem>>
          tpu.wait_dma2 semaphore(%run_scoped3A : memref<!tpu.dma_semaphore, #tpu.memory_space<semaphore_mem>>) src(%dma_wait3A_423 : memref<16xf32, #tpu.memory_space<vmem>>) dst(%dma_wait3A_422 : memref<16xf32, #tpu.memory_space<vmem_shared>>)
          tpu.yield
        }) : () -> ()
      } else {
      }
      %add3A_55 = arith.constant 3 : i32
      %add3A_56 = arith.addi %mul3A_32, %add3A_55 : i32
      %rem3A_57 = arith.constant 16 : i32
      %rem3A_58 = arith.remsi %add3A_56, %rem3A_57 : i32
      %eq3A_59 = arith.cmpi eq, %arg1, %rem3A_58 : i32
      %convert_element_type3A_60 = arith.extui %eq3A_59 : i1 to i32
      %cond3A_61 = arith.constant 0 : i32
      %cond3A_62 = arith.cmpi ne, %convert_element_type3A_60, %cond3A_61 : i32
      scf.if %cond3A_62 {
        %jit3A_387 = arith.constant 16 : i32
        %div3A_388 = arith.divsi %add3A_56, %jit3A_387 : i32
        %sign3A_389 = arith.constant 0 : i32
        %sign3A_390 = arith.cmpi sgt, %add3A_56, %sign3A_389 : i32
        %sign3A_391 = arith.extui %sign3A_390 : i1 to i32
        %sign3A_392 = arith.constant 0 : i32
        %sign3A_393 = arith.cmpi slt, %add3A_56, %sign3A_392 : i32
        %sign3A_394 = arith.extui %sign3A_393 : i1 to i32
        %sign3A_395 = arith.subi %sign3A_391, %sign3A_394 : i32
        %sign3A_396 = arith.constant 0 : i32
        %sign3A_397 = arith.cmpi sgt, %jit3A_387, %sign3A_396 : i32
        %sign3A_398 = arith.extui %sign3A_397 : i1 to i32
        %sign3A_399 = arith.constant 0 : i32
        %sign3A_400 = arith.cmpi slt, %jit3A_387, %sign3A_399 : i32
        %sign3A_401 = arith.extui %sign3A_400 : i1 to i32
        %sign3A_402 = arith.subi %sign3A_398, %sign3A_401 : i32
        %ne3A_403 = arith.cmpi ne, %sign3A_395, %sign3A_402 : i32
        %rem3A_404 = arith.remsi %add3A_56, %jit3A_387 : i32
        %ne3A_405 = arith.constant 0 : i32
        %ne3A_406 = arith.cmpi ne, %rem3A_404, %ne3A_405 : i32
        %and3A_407 = arith.andi %ne3A_403, %ne3A_406 : i1
        %sub3A_408 = arith.constant 1 : i32
        %sub3A_409 = arith.subi %div3A_388, %sub3A_408 : i32
        %select_n3A_410 = arith.select %and3A_407, %sub3A_409, %div3A_388 : i32
        %mul3A_411 = arith.constant 16 : i32
        %mul3A_412 = arith.muli %select_n3A_410, %mul3A_411 : i32
        %multiple_of3A_413 = tpu.assume_multiple %mul3A_412, 16 : i32
        "tpu.region"() ({
          %run_scoped3A = tpu.sem_alloc : memref<!tpu.dma_semaphore, #tpu.memory_space<semaphore_mem>>
          %dma_start3A = tpu.memref_slice %arg11[%multiple_of3A_413] : memref<1280xf32, #tpu.memory_space<vmem>> -> memref<16xf32, #tpu.memory_space<vmem>>
          %dma_start3A_414 = arith.constant 48 : i32
          %dma_start3A_415 = tpu.memref_slice %arg20[%dma_start3A_414] : memref<128xf32, #tpu.memory_space<vmem_shared>> -> memref<16xf32, #tpu.memory_space<vmem_shared>>
          %dma_start3A_416 = arith.constant 48 : i32
          %dma_start3A_417 = tpu.memref_slice %arg20[%dma_start3A_416] : memref<128xf32, #tpu.memory_space<vmem_shared>> -> memref<16xf32, #tpu.memory_space<vmem_shared>>
          %dma_start3A_418 = tpu.memref_slice %arg11[%multiple_of3A_413] : memref<1280xf32, #tpu.memory_space<vmem>> -> memref<16xf32, #tpu.memory_space<vmem>>
          tpu.enqueue_dma source(%dma_start3A_418 : memref<16xf32, #tpu.memory_space<vmem>>) target(%dma_start3A_417 : memref<16xf32, #tpu.memory_space<vmem_shared>>) target_semaphore(%run_scoped3A : memref<!tpu.dma_semaphore, #tpu.memory_space<semaphore_mem>>)
          %dma_wait3A = tpu.memref_slice %arg11[%multiple_of3A_413] : memref<1280xf32, #tpu.memory_space<vmem>> -> memref<16xf32, #tpu.memory_space<vmem>>
          %dma_wait3A_419 = arith.constant 48 : i32
          %dma_wait3A_420 = tpu.memref_slice %arg20[%dma_wait3A_419] : memref<128xf32, #tpu.memory_space<vmem_shared>> -> memref<16xf32, #tpu.memory_space<vmem_shared>>
          %dma_wait3A_421 = arith.constant 48 : i32
          %dma_wait3A_422 = tpu.memref_slice %arg20[%dma_wait3A_421] : memref<128xf32, #tpu.memory_space<vmem_shared>> -> memref<16xf32, #tpu.memory_space<vmem_shared>>
          %dma_wait3A_423 = tpu.memref_slice %arg11[%multiple_of3A_413] : memref<1280xf32, #tpu.memory_space<vmem>> -> memref<16xf32, #tpu.memory_space<vmem>>
          tpu.wait_dma2 semaphore(%run_scoped3A : memref<!tpu.dma_semaphore, #tpu.memory_space<semaphore_mem>>) src(%dma_wait3A_423 : memref<16xf32, #tpu.memory_space<vmem>>) dst(%dma_wait3A_422 : memref<16xf32, #tpu.memory_space<vmem_shared>>)
          tpu.yield
        }) : () -> ()
      } else {
      }
      %add3A_63 = arith.constant 4 : i32
      %add3A_64 = arith.addi %mul3A_32, %add3A_63 : i32
      %rem3A_65 = arith.constant 16 : i32
      %rem3A_66 = arith.remsi %add3A_64, %rem3A_65 : i32
      %eq3A_67 = arith.cmpi eq, %arg1, %rem3A_66 : i32
      %convert_element_type3A_68 = arith.extui %eq3A_67 : i1 to i32
      %cond3A_69 = arith.constant 0 : i32
      %cond3A_70 = arith.cmpi ne, %convert_element_type3A_68, %cond3A_69 : i32
      scf.if %cond3A_70 {
        %jit3A_387 = arith.constant 16 : i32
        %div3A_388 = arith.divsi %add3A_64, %jit3A_387 : i32
        %sign3A_389 = arith.constant 0 : i32
        %sign3A_390 = arith.cmpi sgt, %add3A_64, %sign3A_389 : i32
        %sign3A_391 = arith.extui %sign3A_390 : i1 to i32
        %sign3A_392 = arith.constant 0 : i32
        %sign3A_393 = arith.cmpi slt, %add3A_64, %sign3A_392 : i32
        %sign3A_394 = arith.extui %sign3A_393 : i1 to i32
        %sign3A_395 = arith.subi %sign3A_391, %sign3A_394 : i32
        %sign3A_396 = arith.constant 0 : i32
        %sign3A_397 = arith.cmpi sgt, %jit3A_387, %sign3A_396 : i32
        %sign3A_398 = arith.extui %sign3A_397 : i1 to i32
        %sign3A_399 = arith.constant 0 : i32
        %sign3A_400 = arith.cmpi slt, %jit3A_387, %sign3A_399 : i32
        %sign3A_401 = arith.extui %sign3A_400 : i1 to i32
        %sign3A_402 = arith.subi %sign3A_398, %sign3A_401 : i32
        %ne3A_403 = arith.cmpi ne, %sign3A_395, %sign3A_402 : i32
        %rem3A_404 = arith.remsi %add3A_64, %jit3A_387 : i32
        %ne3A_405 = arith.constant 0 : i32
        %ne3A_406 = arith.cmpi ne, %rem3A_404, %ne3A_405 : i32
        %and3A_407 = arith.andi %ne3A_403, %ne3A_406 : i1
        %sub3A_408 = arith.constant 1 : i32
        %sub3A_409 = arith.subi %div3A_388, %sub3A_408 : i32
        %select_n3A_410 = arith.select %and3A_407, %sub3A_409, %div3A_388 : i32
        %mul3A_411 = arith.constant 16 : i32
        %mul3A_412 = arith.muli %select_n3A_410, %mul3A_411 : i32
        %multiple_of3A_413 = tpu.assume_multiple %mul3A_412, 16 : i32
        "tpu.region"() ({
          %run_scoped3A = tpu.sem_alloc : memref<!tpu.dma_semaphore, #tpu.memory_space<semaphore_mem>>
          %dma_start3A = tpu.memref_slice %arg11[%multiple_of3A_413] : memref<1280xf32, #tpu.memory_space<vmem>> -> memref<16xf32, #tpu.memory_space<vmem>>
          %dma_start3A_414 = arith.constant 64 : i32
          %dma_start3A_415 = tpu.memref_slice %arg20[%dma_start3A_414] : memref<128xf32, #tpu.memory_space<vmem_shared>> -> memref<16xf32, #tpu.memory_space<vmem_shared>>
          %dma_start3A_416 = arith.constant 64 : i32
          %dma_start3A_417 = tpu.memref_slice %arg20[%dma_start3A_416] : memref<128xf32, #tpu.memory_space<vmem_shared>> -> memref<16xf32, #tpu.memory_space<vmem_shared>>
          %dma_start3A_418 = tpu.memref_slice %arg11[%multiple_of3A_413] : memref<1280xf32, #tpu.memory_space<vmem>> -> memref<16xf32, #tpu.memory_space<vmem>>
          tpu.enqueue_dma source(%dma_start3A_418 : memref<16xf32, #tpu.memory_space<vmem>>) target(%dma_start3A_417 : memref<16xf32, #tpu.memory_space<vmem_shared>>) target_semaphore(%run_scoped3A : memref<!tpu.dma_semaphore, #tpu.memory_space<semaphore_mem>>)
          %dma_wait3A = tpu.memref_slice %arg11[%multiple_of3A_413] : memref<1280xf32, #tpu.memory_space<vmem>> -> memref<16xf32, #tpu.memory_space<vmem>>
          %dma_wait3A_419 = arith.constant 64 : i32
          %dma_wait3A_420 = tpu.memref_slice %arg20[%dma_wait3A_419] : memref<128xf32, #tpu.memory_space<vmem_shared>> -> memref<16xf32, #tpu.memory_space<vmem_shared>>
          %dma_wait3A_421 = arith.constant 64 : i32
          %dma_wait3A_422 = tpu.memref_slice %arg20[%dma_wait3A_421] : memref<128xf32, #tpu.memory_space<vmem_shared>> -> memref<16xf32, #tpu.memory_space<vmem_shared>>
          %dma_wait3A_423 = tpu.memref_slice %arg11[%multiple_of3A_413] : memref<1280xf32, #tpu.memory_space<vmem>> -> memref<16xf32, #tpu.memory_space<vmem>>
          tpu.wait_dma2 semaphore(%run_scoped3A : memref<!tpu.dma_semaphore, #tpu.memory_space<semaphore_mem>>) src(%dma_wait3A_423 : memref<16xf32, #tpu.memory_space<vmem>>) dst(%dma_wait3A_422 : memref<16xf32, #tpu.memory_space<vmem_shared>>)
          tpu.yield
        }) : () -> ()
      } else {
      }
      %add3A_71 = arith.constant 5 : i32
      %add3A_72 = arith.addi %mul3A_32, %add3A_71 : i32
      %rem3A_73 = arith.constant 16 : i32
      %rem3A_74 = arith.remsi %add3A_72, %rem3A_73 : i32
      %eq3A_75 = arith.cmpi eq, %arg1, %rem3A_74 : i32
      %convert_element_type3A_76 = arith.extui %eq3A_75 : i1 to i32
      %cond3A_77 = arith.constant 0 : i32
      %cond3A_78 = arith.cmpi ne, %convert_element_type3A_76, %cond3A_77 : i32
      scf.if %cond3A_78 {
        %jit3A_387 = arith.constant 16 : i32
        %div3A_388 = arith.divsi %add3A_72, %jit3A_387 : i32
        %sign3A_389 = arith.constant 0 : i32
        %sign3A_390 = arith.cmpi sgt, %add3A_72, %sign3A_389 : i32
        %sign3A_391 = arith.extui %sign3A_390 : i1 to i32
        %sign3A_392 = arith.constant 0 : i32
        %sign3A_393 = arith.cmpi slt, %add3A_72, %sign3A_392 : i32
        %sign3A_394 = arith.extui %sign3A_393 : i1 to i32
        %sign3A_395 = arith.subi %sign3A_391, %sign3A_394 : i32
        %sign3A_396 = arith.constant 0 : i32
        %sign3A_397 = arith.cmpi sgt, %jit3A_387, %sign3A_396 : i32
        %sign3A_398 = arith.extui %sign3A_397 : i1 to i32
        %sign3A_399 = arith.constant 0 : i32
        %sign3A_400 = arith.cmpi slt, %jit3A_387, %sign3A_399 : i32
        %sign3A_401 = arith.extui %sign3A_400 : i1 to i32
        %sign3A_402 = arith.subi %sign3A_398, %sign3A_401 : i32
        %ne3A_403 = arith.cmpi ne, %sign3A_395, %sign3A_402 : i32
        %rem3A_404 = arith.remsi %add3A_72, %jit3A_387 : i32
        %ne3A_405 = arith.constant 0 : i32
        %ne3A_406 = arith.cmpi ne, %rem3A_404, %ne3A_405 : i32
        %and3A_407 = arith.andi %ne3A_403, %ne3A_406 : i1
        %sub3A_408 = arith.constant 1 : i32
        %sub3A_409 = arith.subi %div3A_388, %sub3A_408 : i32
        %select_n3A_410 = arith.select %and3A_407, %sub3A_409, %div3A_388 : i32
        %mul3A_411 = arith.constant 16 : i32
        %mul3A_412 = arith.muli %select_n3A_410, %mul3A_411 : i32
        %multiple_of3A_413 = tpu.assume_multiple %mul3A_412, 16 : i32
        "tpu.region"() ({
          %run_scoped3A = tpu.sem_alloc : memref<!tpu.dma_semaphore, #tpu.memory_space<semaphore_mem>>
          %dma_start3A = tpu.memref_slice %arg11[%multiple_of3A_413] : memref<1280xf32, #tpu.memory_space<vmem>> -> memref<16xf32, #tpu.memory_space<vmem>>
          %dma_start3A_414 = arith.constant 80 : i32
          %dma_start3A_415 = tpu.memref_slice %arg20[%dma_start3A_414] : memref<128xf32, #tpu.memory_space<vmem_shared>> -> memref<16xf32, #tpu.memory_space<vmem_shared>>
          %dma_start3A_416 = arith.constant 80 : i32
          %dma_start3A_417 = tpu.memref_slice %arg20[%dma_start3A_416] : memref<128xf32, #tpu.memory_space<vmem_shared>> -> memref<16xf32, #tpu.memory_space<vmem_shared>>
          %dma_start3A_418 = tpu.memref_slice %arg11[%multiple_of3A_413] : memref<1280xf32, #tpu.memory_space<vmem>> -> memref<16xf32, #tpu.memory_space<vmem>>
          tpu.enqueue_dma source(%dma_start3A_418 : memref<16xf32, #tpu.memory_space<vmem>>) target(%dma_start3A_417 : memref<16xf32, #tpu.memory_space<vmem_shared>>) target_semaphore(%run_scoped3A : memref<!tpu.dma_semaphore, #tpu.memory_space<semaphore_mem>>)
          %dma_wait3A = tpu.memref_slice %arg11[%multiple_of3A_413] : memref<1280xf32, #tpu.memory_space<vmem>> -> memref<16xf32, #tpu.memory_space<vmem>>
          %dma_wait3A_419 = arith.constant 80 : i32
          %dma_wait3A_420 = tpu.memref_slice %arg20[%dma_wait3A_419] : memref<128xf32, #tpu.memory_space<vmem_shared>> -> memref<16xf32, #tpu.memory_space<vmem_shared>>
          %dma_wait3A_421 = arith.constant 80 : i32
          %dma_wait3A_422 = tpu.memref_slice %arg20[%dma_wait3A_421] : memref<128xf32, #tpu.memory_space<vmem_shared>> -> memref<16xf32, #tpu.memory_space<vmem_shared>>
          %dma_wait3A_423 = tpu.memref_slice %arg11[%multiple_of3A_413] : memref<1280xf32, #tpu.memory_space<vmem>> -> memref<16xf32, #tpu.memory_space<vmem>>
          tpu.wait_dma2 semaphore(%run_scoped3A : memref<!tpu.dma_semaphore, #tpu.memory_space<semaphore_mem>>) src(%dma_wait3A_423 : memref<16xf32, #tpu.memory_space<vmem>>) dst(%dma_wait3A_422 : memref<16xf32, #tpu.memory_space<vmem_shared>>)
          tpu.yield
        }) : () -> ()
      } else {
      }
      %add3A_79 = arith.constant 6 : i32
      %add3A_80 = arith.addi %mul3A_32, %add3A_79 : i32
      %rem3A_81 = arith.constant 16 : i32
      %rem3A_82 = arith.remsi %add3A_80, %rem3A_81 : i32
      %eq3A_83 = arith.cmpi eq, %arg1, %rem3A_82 : i32
      %convert_element_type3A_84 = arith.extui %eq3A_83 : i1 to i32
      %cond3A_85 = arith.constant 0 : i32
      %cond3A_86 = arith.cmpi ne, %convert_element_type3A_84, %cond3A_85 : i32
      scf.if %cond3A_86 {
        %jit3A_387 = arith.constant 16 : i32
        %div3A_388 = arith.divsi %add3A_80, %jit3A_387 : i32
        %sign3A_389 = arith.constant 0 : i32
        %sign3A_390 = arith.cmpi sgt, %add3A_80, %sign3A_389 : i32
        %sign3A_391 = arith.extui %sign3A_390 : i1 to i32
        %sign3A_392 = arith.constant 0 : i32
        %sign3A_393 = arith.cmpi slt, %add3A_80, %sign3A_392 : i32
        %sign3A_394 = arith.extui %sign3A_393 : i1 to i32
        %sign3A_395 = arith.subi %sign3A_391, %sign3A_394 : i32
        %sign3A_396 = arith.constant 0 : i32
        %sign3A_397 = arith.cmpi sgt, %jit3A_387, %sign3A_396 : i32
        %sign3A_398 = arith.extui %sign3A_397 : i1 to i32
        %sign3A_399 = arith.constant 0 : i32
        %sign3A_400 = arith.cmpi slt, %jit3A_387, %sign3A_399 : i32
        %sign3A_401 = arith.extui %sign3A_400 : i1 to i32
        %sign3A_402 = arith.subi %sign3A_398, %sign3A_401 : i32
        %ne3A_403 = arith.cmpi ne, %sign3A_395, %sign3A_402 : i32
        %rem3A_404 = arith.remsi %add3A_80, %jit3A_387 : i32
        %ne3A_405 = arith.constant 0 : i32
        %ne3A_406 = arith.cmpi ne, %rem3A_404, %ne3A_405 : i32
        %and3A_407 = arith.andi %ne3A_403, %ne3A_406 : i1
        %sub3A_408 = arith.constant 1 : i32
        %sub3A_409 = arith.subi %div3A_388, %sub3A_408 : i32
        %select_n3A_410 = arith.select %and3A_407, %sub3A_409, %div3A_388 : i32
        %mul3A_411 = arith.constant 16 : i32
        %mul3A_412 = arith.muli %select_n3A_410, %mul3A_411 : i32
        %multiple_of3A_413 = tpu.assume_multiple %mul3A_412, 16 : i32
        "tpu.region"() ({
          %run_scoped3A = tpu.sem_alloc : memref<!tpu.dma_semaphore, #tpu.memory_space<semaphore_mem>>
          %dma_start3A = tpu.memref_slice %arg11[%multiple_of3A_413] : memref<1280xf32, #tpu.memory_space<vmem>> -> memref<16xf32, #tpu.memory_space<vmem>>
          %dma_start3A_414 = arith.constant 96 : i32
          %dma_start3A_415 = tpu.memref_slice %arg20[%dma_start3A_414] : memref<128xf32, #tpu.memory_space<vmem_shared>> -> memref<16xf32, #tpu.memory_space<vmem_shared>>
          %dma_start3A_416 = arith.constant 96 : i32
          %dma_start3A_417 = tpu.memref_slice %arg20[%dma_start3A_416] : memref<128xf32, #tpu.memory_space<vmem_shared>> -> memref<16xf32, #tpu.memory_space<vmem_shared>>
          %dma_start3A_418 = tpu.memref_slice %arg11[%multiple_of3A_413] : memref<1280xf32, #tpu.memory_space<vmem>> -> memref<16xf32, #tpu.memory_space<vmem>>
          tpu.enqueue_dma source(%dma_start3A_418 : memref<16xf32, #tpu.memory_space<vmem>>) target(%dma_start3A_417 : memref<16xf32, #tpu.memory_space<vmem_shared>>) target_semaphore(%run_scoped3A : memref<!tpu.dma_semaphore, #tpu.memory_space<semaphore_mem>>)
          %dma_wait3A = tpu.memref_slice %arg11[%multiple_of3A_413] : memref<1280xf32, #tpu.memory_space<vmem>> -> memref<16xf32, #tpu.memory_space<vmem>>
          %dma_wait3A_419 = arith.constant 96 : i32
          %dma_wait3A_420 = tpu.memref_slice %arg20[%dma_wait3A_419] : memref<128xf32, #tpu.memory_space<vmem_shared>> -> memref<16xf32, #tpu.memory_space<vmem_shared>>
          %dma_wait3A_421 = arith.constant 96 : i32
          %dma_wait3A_422 = tpu.memref_slice %arg20[%dma_wait3A_421] : memref<128xf32, #tpu.memory_space<vmem_shared>> -> memref<16xf32, #tpu.memory_space<vmem_shared>>
          %dma_wait3A_423 = tpu.memref_slice %arg11[%multiple_of3A_413] : memref<1280xf32, #tpu.memory_space<vmem>> -> memref<16xf32, #tpu.memory_space<vmem>>
          tpu.wait_dma2 semaphore(%run_scoped3A : memref<!tpu.dma_semaphore, #tpu.memory_space<semaphore_mem>>) src(%dma_wait3A_423 : memref<16xf32, #tpu.memory_space<vmem>>) dst(%dma_wait3A_422 : memref<16xf32, #tpu.memory_space<vmem_shared>>)
          tpu.yield
        }) : () -> ()
      } else {
      }
      %add3A_87 = arith.constant 7 : i32
      %add3A_88 = arith.addi %mul3A_32, %add3A_87 : i32
      %rem3A_89 = arith.constant 16 : i32
      %rem3A_90 = arith.remsi %add3A_88, %rem3A_89 : i32
      %eq3A_91 = arith.cmpi eq, %arg1, %rem3A_90 : i32
      %convert_element_type3A_92 = arith.extui %eq3A_91 : i1 to i32
      %cond3A_93 = arith.constant 0 : i32
      %cond3A_94 = arith.cmpi ne, %convert_element_type3A_92, %cond3A_93 : i32
      scf.if %cond3A_94 {
        %jit3A_387 = arith.constant 16 : i32
        %div3A_388 = arith.divsi %add3A_88, %jit3A_387 : i32
        %sign3A_389 = arith.constant 0 : i32
        %sign3A_390 = arith.cmpi sgt, %add3A_88, %sign3A_389 : i32
        %sign3A_391 = arith.extui %sign3A_390 : i1 to i32
        %sign3A_392 = arith.constant 0 : i32
        %sign3A_393 = arith.cmpi slt, %add3A_88, %sign3A_392 : i32
        %sign3A_394 = arith.extui %sign3A_393 : i1 to i32
        %sign3A_395 = arith.subi %sign3A_391, %sign3A_394 : i32
        %sign3A_396 = arith.constant 0 : i32
        %sign3A_397 = arith.cmpi sgt, %jit3A_387, %sign3A_396 : i32
        %sign3A_398 = arith.extui %sign3A_397 : i1 to i32
        %sign3A_399 = arith.constant 0 : i32
        %sign3A_400 = arith.cmpi slt, %jit3A_387, %sign3A_399 : i32
        %sign3A_401 = arith.extui %sign3A_400 : i1 to i32
        %sign3A_402 = arith.subi %sign3A_398, %sign3A_401 : i32
        %ne3A_403 = arith.cmpi ne, %sign3A_395, %sign3A_402 : i32
        %rem3A_404 = arith.remsi %add3A_88, %jit3A_387 : i32
        %ne3A_405 = arith.constant 0 : i32
        %ne3A_406 = arith.cmpi ne, %rem3A_404, %ne3A_405 : i32
        %and3A_407 = arith.andi %ne3A_403, %ne3A_406 : i1
        %sub3A_408 = arith.constant 1 : i32
        %sub3A_409 = arith.subi %div3A_388, %sub3A_408 : i32
        %select_n3A_410 = arith.select %and3A_407, %sub3A_409, %div3A_388 : i32
        %mul3A_411 = arith.constant 16 : i32
        %mul3A_412 = arith.muli %select_n3A_410, %mul3A_411 : i32
        %multiple_of3A_413 = tpu.assume_multiple %mul3A_412, 16 : i32
        "tpu.region"() ({
          %run_scoped3A = tpu.sem_alloc : memref<!tpu.dma_semaphore, #tpu.memory_space<semaphore_mem>>
          %dma_start3A = tpu.memref_slice %arg11[%multiple_of3A_413] : memref<1280xf32, #tpu.memory_space<vmem>> -> memref<16xf32, #tpu.memory_space<vmem>>
          %dma_start3A_414 = arith.constant 112 : i32
          %dma_start3A_415 = tpu.memref_slice %arg20[%dma_start3A_414] : memref<128xf32, #tpu.memory_space<vmem_shared>> -> memref<16xf32, #tpu.memory_space<vmem_shared>>
          %dma_start3A_416 = arith.constant 112 : i32
          %dma_start3A_417 = tpu.memref_slice %arg20[%dma_start3A_416] : memref<128xf32, #tpu.memory_space<vmem_shared>> -> memref<16xf32, #tpu.memory_space<vmem_shared>>
          %dma_start3A_418 = tpu.memref_slice %arg11[%multiple_of3A_413] : memref<1280xf32, #tpu.memory_space<vmem>> -> memref<16xf32, #tpu.memory_space<vmem>>
          tpu.enqueue_dma source(%dma_start3A_418 : memref<16xf32, #tpu.memory_space<vmem>>) target(%dma_start3A_417 : memref<16xf32, #tpu.memory_space<vmem_shared>>) target_semaphore(%run_scoped3A : memref<!tpu.dma_semaphore, #tpu.memory_space<semaphore_mem>>)
          %dma_wait3A = tpu.memref_slice %arg11[%multiple_of3A_413] : memref<1280xf32, #tpu.memory_space<vmem>> -> memref<16xf32, #tpu.memory_space<vmem>>
          %dma_wait3A_419 = arith.constant 112 : i32
          %dma_wait3A_420 = tpu.memref_slice %arg20[%dma_wait3A_419] : memref<128xf32, #tpu.memory_space<vmem_shared>> -> memref<16xf32, #tpu.memory_space<vmem_shared>>
          %dma_wait3A_421 = arith.constant 112 : i32
          %dma_wait3A_422 = tpu.memref_slice %arg20[%dma_wait3A_421] : memref<128xf32, #tpu.memory_space<vmem_shared>> -> memref<16xf32, #tpu.memory_space<vmem_shared>>
          %dma_wait3A_423 = tpu.memref_slice %arg11[%multiple_of3A_413] : memref<1280xf32, #tpu.memory_space<vmem>> -> memref<16xf32, #tpu.memory_space<vmem>>
          tpu.wait_dma2 semaphore(%run_scoped3A : memref<!tpu.dma_semaphore, #tpu.memory_space<semaphore_mem>>) src(%dma_wait3A_423 : memref<16xf32, #tpu.memory_space<vmem>>) dst(%dma_wait3A_422 : memref<16xf32, #tpu.memory_space<vmem_shared>>)
          tpu.yield
        }) : () -> ()
      } else {
      }
      %barrier3A = arith.constant 0 : index
      tpu.barrier barrier_id(%barrier3A)
      "tpu.region"() ({
        %run_scoped3A = tpu.sem_alloc : memref<!tpu.dma_semaphore, #tpu.memory_space<semaphore_mem>>
        %dma_start3A = arith.constant 0 : i32
        %dma_start3A_387 = tpu.memref_slice %arg12[%dma_start3A] : memref<144xf32, #tpu.memory_space<vmem>> -> memref<128xf32, #tpu.memory_space<vmem>>
        %dma_start3A_388 = arith.constant 0 : i32
        %dma_start3A_389 = tpu.memref_slice %arg12[%dma_start3A_388] : memref<144xf32, #tpu.memory_space<vmem>> -> memref<128xf32, #tpu.memory_space<vmem>>
        tpu.enqueue_dma source(%arg20 : memref<128xf32, #tpu.memory_space<vmem_shared>>) target(%dma_start3A_389 : memref<128xf32, #tpu.memory_space<vmem>>) target_semaphore(%run_scoped3A : memref<!tpu.dma_semaphore, #tpu.memory_space<semaphore_mem>>)
        %dma_wait3A = arith.constant 0 : i32
        %dma_wait3A_390 = tpu.memref_slice %arg12[%dma_wait3A] : memref<144xf32, #tpu.memory_space<vmem>> -> memref<128xf32, #tpu.memory_space<vmem>>
        %dma_wait3A_391 = arith.constant 0 : i32
        %dma_wait3A_392 = tpu.memref_slice %arg12[%dma_wait3A_391] : memref<144xf32, #tpu.memory_space<vmem>> -> memref<128xf32, #tpu.memory_space<vmem>>
        tpu.wait_dma2 semaphore(%run_scoped3A : memref<!tpu.dma_semaphore, #tpu.memory_space<semaphore_mem>>) src(%arg20 : memref<128xf32, #tpu.memory_space<vmem_shared>>) dst(%dma_wait3A_392 : memref<128xf32, #tpu.memory_space<vmem>>)
        tpu.yield
      }) : () -> ()
      %mul3A_95 = arith.constant 128 : i32
      %mul3A_96 = arith.muli %scan3A_31, %mul3A_95 : i32
      %broadcast_in_dim3A_97 = arith.constant 0 : i32
      %broadcast_in_dim3A_98 = vector.broadcast %broadcast_in_dim3A_97 : i32 to vector<16xi32>
      %swap3A_99 = arith.constant 0 : index
      %swap3A_100 = tpu.vector_load %arg19[%swap3A_99] {strides = array<i32>} : memref<16xi32, #tpu.memory_space<vmem>>, vector<16xi32>,
      %swap3A_101 = vector.shape_cast %swap3A_100 : vector<16xi32> to vector<16xi32>
      %swap3A_102 = vector.shape_cast %broadcast_in_dim3A_98 : vector<16xi32> to vector<16xi32>
      tpu.vector_store %arg19[%swap3A_99], %swap3A_102 {strides = array<i32>} : memref<16xi32, #tpu.memory_space<vmem>>, vector<16xi32>,
      %scan3A_103 = arith.constant 0 : i32
      %scan3A_104 = arith.constant 0 : i32
      %scan3A_105 = arith.constant 128 : i32
      %scan3A_106 = arith.addi %scan3A_104, %scan3A_105 : i32
      %scan3A_107 = arith.constant 1 : i32
      scf.for %scan3A_387 = %scan3A_104 to %scan3A_106 step %scan3A_107  : i32 {
        %get3A_388 = arith.index_cast %scan3A_387 : i32 to index
        %get3A_389 = tpu.vector_load %arg12[%get3A_388] {strides = array<i32>} : memref<144xf32, #tpu.memory_space<vmem>>, vector<16xf32>,
        %get3A_390 = vector.shape_cast %get3A_389 : vector<16xf32> to vector<16xf32>
        %slice3A_391 = vector.extract_strided_slice %get3A_390 {offsets = [0], sizes = [1], strides = [1]} : vector<16xf32> to vector<1xf32>
        %squeeze3A_392 = vector.extract %slice3A_391[0] : f32 from vector<1xf32>
        %gt3A = arith.constant 0.000000e+00 : f32
        %gt3A_393 = arith.cmpf ogt, %squeeze3A_392, %gt3A : f32
        %convert_element_type3A_394 = arith.extui %gt3A_393 : i1 to i32
        %cond3A_395 = arith.constant 0 : i32
        %cond3A_396 = arith.cmpi ne, %convert_element_type3A_394, %cond3A_395 : i32
        scf.if %cond3A_396 {
          %add3A_397 = arith.addi %mul3A_96, %scan3A_387 : i32
          %get3A_398 = arith.index_cast %add3A_397 : i32 to index
          %get3A_399 = tpu.vector_load %arg7[%get3A_398] {strides = array<i32>} : memref<20496xf32, #tpu.memory_space<vmem>>, vector<16xf32>,
          %get3A_400 = vector.shape_cast %get3A_399 : vector<16xf32> to vector<16xf32>
          %slice3A_401 = vector.extract_strided_slice %get3A_400 {offsets = [0], sizes = [1], strides = [1]} : vector<16xf32> to vector<1xf32>
          %squeeze3A_402 = vector.extract %slice3A_401[0] : f32 from vector<1xf32>
          %broadcast_in_dim3A_403 = vector.broadcast %squeeze3A_402 : f32 to vector<16xf32>
          %get3A_404 = arith.index_cast %add3A_397 : i32 to index
          %get3A_405 = tpu.vector_load %arg8[%get3A_404] {strides = array<i32>} : memref<20496xf32, #tpu.memory_space<vmem>>, vector<16xf32>,
          %get3A_406 = vector.shape_cast %get3A_405 : vector<16xf32> to vector<16xf32>
          %slice3A_407 = vector.extract_strided_slice %get3A_406 {offsets = [0], sizes = [1], strides = [1]} : vector<16xf32> to vector<1xf32>
          %squeeze3A_408 = vector.extract %slice3A_407[0] : f32 from vector<1xf32>
          %broadcast_in_dim3A_409 = vector.broadcast %squeeze3A_408 : f32 to vector<16xf32>
          %get3A_410 = arith.index_cast %add3A_397 : i32 to index
          %get3A_411 = tpu.vector_load %arg9[%get3A_410] {strides = array<i32>} : memref<20496xf32, #tpu.memory_space<vmem>>, vector<16xf32>,
          %get3A_412 = vector.shape_cast %get3A_411 : vector<16xf32> to vector<16xf32>
          %slice3A_413 = vector.extract_strided_slice %get3A_412 {offsets = [0], sizes = [1], strides = [1]} : vector<16xf32> to vector<1xf32>
          %squeeze3A_414 = vector.extract %slice3A_413[0] : f32 from vector<1xf32>
          %broadcast_in_dim3A_415 = vector.broadcast %squeeze3A_414 : f32 to vector<16xf32>
          %get3A_416 = arith.index_cast %add3A_397 : i32 to index
          %get3A_417 = tpu.vector_load %arg10[%get3A_416] {strides = array<i32>} : memref<20496xf32, #tpu.memory_space<vmem>>, vector<16xf32>,
          %get3A_418 = vector.shape_cast %get3A_417 : vector<16xf32> to vector<16xf32>
          %slice3A_419 = vector.extract_strided_slice %get3A_418 {offsets = [0], sizes = [1], strides = [1]} : vector<16xf32> to vector<1xf32>
          %squeeze3A_420 = vector.extract %slice3A_419[0] : f32 from vector<1xf32>
          %broadcast_in_dim3A_421 = vector.broadcast %squeeze3A_420 : f32 to vector<16xf32>
          %sub3A_422 = arith.subf %broadcast_in_dim3A_415, %broadcast_in_dim3A_403 : vector<16xf32>
          %sub3A_423 = arith.subf %broadcast_in_dim3A_421, %broadcast_in_dim3A_409 : vector<16xf32>
          %mul3A_424 = arith.mulf %sub3A_422, %sub3A_423 : vector<16xf32>
          %get3A_425 = arith.constant 0 : index
          %get3A_426 = tpu.vector_load %arg19[%get3A_425] {strides = array<i32>} : memref<16xi32, #tpu.memory_space<vmem>>, vector<16xi32>,
          %get3A_427 = vector.shape_cast %get3A_426 : vector<16xi32> to vector<16xi32>
          %slice3A_428 = vector.extract_strided_slice %get3A_427 {offsets = [0], sizes = [1], strides = [1]} : vector<16xi32> to vector<1xi32>
          %squeeze3A_429 = vector.extract %slice3A_428[0] : i32 from vector<1xi32>
          %mul3A_430 = arith.constant 16 : i32
          %mul3A_431 = arith.muli %squeeze3A_429, %mul3A_430 : i32
          %multiple_of3A_432 = tpu.assume_multiple %mul3A_431, 16 : i32
          %swap3A_433 = arith.index_cast %multiple_of3A_432 : i32 to index
          %swap3A_434 = tpu.vector_load %arg13[%swap3A_433] {strides = array<i32>} : memref<2176xf32, #tpu.memory_space<vmem>>, vector<16xf32>,
          %swap3A_435 = vector.shape_cast %swap3A_434 : vector<16xf32> to vector<16xf32>
          %swap3A_436 = vector.shape_cast %broadcast_in_dim3A_403 : vector<16xf32> to vector<16xf32>
          tpu.vector_store %arg13[%swap3A_433], %swap3A_436 {strides = array<i32>} : memref<2176xf32, #tpu.memory_space<vmem>>, vector<16xf32>,
          %swap3A_437 = arith.index_cast %multiple_of3A_432 : i32 to index
          %swap3A_438 = tpu.vector_load %arg14[%swap3A_437] {strides = array<i32>} : memref<2176xf32, #tpu.memory_space<vmem>>, vector<16xf32>,
          %swap3A_439 = vector.shape_cast %swap3A_438 : vector<16xf32> to vector<16xf32>
          %swap3A_440 = vector.shape_cast %broadcast_in_dim3A_409 : vector<16xf32> to vector<16xf32>
          tpu.vector_store %arg14[%swap3A_437], %swap3A_440 {strides = array<i32>} : memref<2176xf32, #tpu.memory_space<vmem>>, vector<16xf32>,
          %swap3A_441 = arith.index_cast %multiple_of3A_432 : i32 to index
          %swap3A_442 = tpu.vector_load %arg15[%swap3A_441] {strides = array<i32>} : memref<2176xf32, #tpu.memory_space<vmem>>, vector<16xf32>,
          %swap3A_443 = vector.shape_cast %swap3A_442 : vector<16xf32> to vector<16xf32>
          %swap3A_444 = vector.shape_cast %broadcast_in_dim3A_415 : vector<16xf32> to vector<16xf32>
          tpu.vector_store %arg15[%swap3A_441], %swap3A_444 {strides = array<i32>} : memref<2176xf32, #tpu.memory_space<vmem>>, vector<16xf32>,
          %swap3A_445 = arith.index_cast %multiple_of3A_432 : i32 to index
          %swap3A_446 = tpu.vector_load %arg16[%swap3A_445] {strides = array<i32>} : memref<2176xf32, #tpu.memory_space<vmem>>, vector<16xf32>,
          %swap3A_447 = vector.shape_cast %swap3A_446 : vector<16xf32> to vector<16xf32>
          %swap3A_448 = vector.shape_cast %broadcast_in_dim3A_421 : vector<16xf32> to vector<16xf32>
          tpu.vector_store %arg16[%swap3A_445], %swap3A_448 {strides = array<i32>} : memref<2176xf32, #tpu.memory_space<vmem>>, vector<16xf32>,
          %swap3A_449 = arith.index_cast %multiple_of3A_432 : i32 to index
          %swap3A_450 = tpu.vector_load %arg17[%swap3A_449] {strides = array<i32>} : memref<2176xf32, #tpu.memory_space<vmem>>, vector<16xf32>,
          %swap3A_451 = vector.shape_cast %swap3A_450 : vector<16xf32> to vector<16xf32>
          %swap3A_452 = vector.shape_cast %mul3A_424 : vector<16xf32> to vector<16xf32>
          tpu.vector_store %arg17[%swap3A_449], %swap3A_452 {strides = array<i32>} : memref<2176xf32, #tpu.memory_space<vmem>>, vector<16xf32>,
          %broadcast_in_dim3A_453 = vector.broadcast %add3A_397 : i32 to vector<16xi32>
          %swap3A_454 = arith.index_cast %multiple_of3A_432 : i32 to index
          %swap3A_455 = tpu.vector_load %arg18[%swap3A_454] {strides = array<i32>} : memref<2176xi32, #tpu.memory_space<vmem>>, vector<16xi32>,
          %swap3A_456 = vector.shape_cast %swap3A_455 : vector<16xi32> to vector<16xi32>
          %swap3A_457 = vector.shape_cast %broadcast_in_dim3A_453 : vector<16xi32> to vector<16xi32>
          tpu.vector_store %arg18[%swap3A_454], %swap3A_457 {strides = array<i32>} : memref<2176xi32, #tpu.memory_space<vmem>>, vector<16xi32>,
          %add3A_458 = arith.constant 1 : i32
          %add3A_459 = arith.addi %squeeze3A_429, %add3A_458 : i32
          %broadcast_in_dim3A_460 = vector.broadcast %add3A_459 : i32 to vector<16xi32>
          %swap3A_461 = arith.constant 0 : index
          %swap3A_462 = tpu.vector_load %arg19[%swap3A_461] {strides = array<i32>} : memref<16xi32, #tpu.memory_space<vmem>>, vector<16xi32>,
          %swap3A_463 = vector.shape_cast %swap3A_462 : vector<16xi32> to vector<16xi32>
          %swap3A_464 = vector.shape_cast %broadcast_in_dim3A_460 : vector<16xi32> to vector<16xi32>
          tpu.vector_store %arg19[%swap3A_461], %swap3A_464 {strides = array<i32>} : memref<16xi32, #tpu.memory_space<vmem>>, vector<16xi32>,
          %jit3A_465 = arith.constant 16 : i32
          %div3A_466 = arith.divsi %scan3A_387, %jit3A_465 : i32
          %sign3A_467 = arith.constant 0 : i32
          %sign3A_468 = arith.cmpi sgt, %scan3A_387, %sign3A_467 : i32
          %sign3A_469 = arith.extui %sign3A_468 : i1 to i32
          %sign3A_470 = arith.constant 0 : i32
          %sign3A_471 = arith.cmpi slt, %scan3A_387, %sign3A_470 : i32
          %sign3A_472 = arith.extui %sign3A_471 : i1 to i32
          %sign3A_473 = arith.subi %sign3A_469, %sign3A_472 : i32
          %sign3A_474 = arith.constant 0 : i32
          %sign3A_475 = arith.cmpi sgt, %jit3A_465, %sign3A_474 : i32
          %sign3A_476 = arith.extui %sign3A_475 : i1 to i32
          %sign3A_477 = arith.constant 0 : i32
          %sign3A_478 = arith.cmpi slt, %jit3A_465, %sign3A_477 : i32
          %sign3A_479 = arith.extui %sign3A_478 : i1 to i32
          %sign3A_480 = arith.subi %sign3A_476, %sign3A_479 : i32
          %ne3A_481 = arith.cmpi ne, %sign3A_473, %sign3A_480 : i32
          %rem3A_482 = arith.remsi %scan3A_387, %jit3A_465 : i32
          %ne3A_483 = arith.constant 0 : i32
          %ne3A_484 = arith.cmpi ne, %rem3A_482, %ne3A_483 : i32
          %and3A_485 = arith.andi %ne3A_481, %ne3A_484 : i1
          %sub3A_486 = arith.constant 1 : i32
          %sub3A_487 = arith.subi %div3A_466, %sub3A_486 : i32
          %select_n3A_488 = arith.select %and3A_485, %sub3A_487, %div3A_466 : i32
          %while3A_489 = arith.constant 0 : i32
          %while3A_490 = arith.constant 8 : i32
          %while3A_491 = arith.subi %while3A_490, %select_n3A_488 : i32
          %while3A_492 = arith.addi %select_n3A_488, %while3A_491 : i32
          %while3A_493 = arith.constant 1 : i32
          %while3A_494 = arith.divsi %while3A_491, %while3A_493 : i32
          %while3A_495 = arith.muli %while3A_494, %while3A_493 : i32
          %while3A_496 = arith.addi %select_n3A_488, %while3A_495 : i32
          %while3A_497 = arith.constant 1 : i32
          scf.for %while3A_499 = %select_n3A_488 to %while3A_496 step %while3A_497  : i32 {
            %mul3A_500 = arith.constant 16 : i32
            %mul3A_501 = arith.muli %while3A_499, %mul3A_500 : i32
            %add3A_502 = arith.addi %mul3A_96, %mul3A_501 : i32
            %get3A_503 = arith.index_cast %add3A_502 : i32 to index
            %get3A_504 = tpu.vector_load %arg7[%get3A_503] {strides = array<i32>} : memref<20496xf32, #tpu.memory_space<vmem>>, vector<16xf32>,
            %get3A_505 = vector.shape_cast %get3A_504 : vector<16xf32> to vector<16xf32>
            %get3A_506 = arith.index_cast %add3A_502 : i32 to index
            %get3A_507 = tpu.vector_load %arg8[%get3A_506] {strides = array<i32>} : memref<20496xf32, #tpu.memory_space<vmem>>, vector<16xf32>,
            %get3A_508 = vector.shape_cast %get3A_507 : vector<16xf32> to vector<16xf32>
            %get3A_509 = arith.index_cast %add3A_502 : i32 to index
            %get3A_510 = tpu.vector_load %arg9[%get3A_509] {strides = array<i32>} : memref<20496xf32, #tpu.memory_space<vmem>>, vector<16xf32>,
            %get3A_511 = vector.shape_cast %get3A_510 : vector<16xf32> to vector<16xf32>
            %get3A_512 = arith.index_cast %add3A_502 : i32 to index
            %get3A_513 = tpu.vector_load %arg10[%get3A_512] {strides = array<i32>} : memref<20496xf32, #tpu.memory_space<vmem>>, vector<16xf32>,
            %get3A_514 = vector.shape_cast %get3A_513 : vector<16xf32> to vector<16xf32>
            %sub3A_515 = arith.subf %get3A_511, %get3A_505 : vector<16xf32>
            %sub3A_516 = arith.subf %get3A_514, %get3A_508 : vector<16xf32>
            %mul3A_517 = arith.mulf %sub3A_515, %sub3A_516 : vector<16xf32>
            %min3A = arith.minimumf %broadcast_in_dim3A_415, %get3A_511 : vector<16xf32>
            %max3A = arith.maximumf %broadcast_in_dim3A_403, %get3A_505 : vector<16xf32>
            %sub3A_518 = arith.subf %min3A, %max3A : vector<16xf32>
            %max3A_519 = arith.constant 0.000000e+00 : f32
            %max3A_520 = vector.broadcast %max3A_519 : f32 to vector<16xf32>
            %max3A_521 = arith.maximumf %sub3A_518, %max3A_520 : vector<16xf32>
            %min3A_522 = arith.minimumf %broadcast_in_dim3A_421, %get3A_514 : vector<16xf32>
            %max3A_523 = arith.maximumf %broadcast_in_dim3A_409, %get3A_508 : vector<16xf32>
            %sub3A_524 = arith.subf %min3A_522, %max3A_523 : vector<16xf32>
            %max3A_525 = arith.constant 0.000000e+00 : f32
            %max3A_526 = vector.broadcast %max3A_525 : f32 to vector<16xf32>
            %max3A_527 = arith.maximumf %sub3A_524, %max3A_526 : vector<16xf32>
            %mul3A_528 = arith.mulf %max3A_521, %max3A_527 : vector<16xf32>
            %add3A_529 = arith.addf %mul3A_424, %mul3A_517 : vector<16xf32>
            %sub3A_530 = arith.subf %add3A_529, %mul3A_528 : vector<16xf32>
            %div3A_531 = arith.divf %mul3A_528, %sub3A_530 : vector<16xf32>
            %gt3A_532 = arith.constant 3.000000e-01 : f32
            %gt3A_533 = vector.broadcast %gt3A_532 : f32 to vector<16xf32>
            %gt3A_534 = arith.cmpf ogt, %div3A_531, %gt3A_533 : vector<16xf32>
            %add3A_535 = vector.broadcast %mul3A_501 : i32 to vector<16xi32>
            %add3A_536 = arith.addi %iota3A, %add3A_535 : vector<16xi32>
            %gt3A_537 = vector.broadcast %scan3A_387 : i32 to vector<16xi32>
            %gt3A_538 = arith.cmpi sgt, %add3A_536, %gt3A_537 : vector<16xi32>
            %and3A_539 = arith.andi %gt3A_534, %gt3A_538 : vector<16xi1>
            %get3A_540 = arith.index_cast %mul3A_501 : i32 to index
            %get3A_541 = tpu.vector_load %arg12[%get3A_540] {strides = array<i32>} : memref<144xf32, #tpu.memory_space<vmem>>, vector<16xf32>,
            %get3A_542 = vector.shape_cast %get3A_541 : vector<16xf32> to vector<16xf32>
            %jit3A_543 = arith.constant 0.000000e+00 : f32
            %broadcast_in_dim3A_544 = vector.broadcast %jit3A_543 : f32 to vector<16xf32>
            %select_n3A_545 = arith.select %and3A_539, %broadcast_in_dim3A_544, %get3A_542 : vector<16xi1>, vector<16xf32>
            %swap3A_546 = arith.index_cast %mul3A_501 : i32 to index
            %swap3A_547 = tpu.vector_load %arg12[%swap3A_546] {strides = array<i32>} : memref<144xf32, #tpu.memory_space<vmem>>, vector<16xf32>,
            %swap3A_548 = vector.shape_cast %swap3A_547 : vector<16xf32> to vector<16xf32>
            %swap3A_549 = vector.shape_cast %select_n3A_545 : vector<16xf32> to vector<16xf32>
            tpu.vector_store %arg12[%swap3A_546], %swap3A_549 {strides = array<i32>} : memref<144xf32, #tpu.memory_space<vmem>>, vector<16xf32>,
          }
          %while3A_498 = arith.constant 1 : i32
          scf.for %while3A_499 = %while3A_496 to %while3A_492 step %while3A_498  : i32 {
            %mul3A_500 = arith.constant 16 : i32
            %mul3A_501 = arith.muli %while3A_499, %mul3A_500 : i32
            %add3A_502 = arith.addi %mul3A_96, %mul3A_501 : i32
            %get3A_503 = arith.index_cast %add3A_502 : i32 to index
            %get3A_504 = tpu.vector_load %arg7[%get3A_503] {strides = array<i32>} : memref<20496xf32, #tpu.memory_space<vmem>>, vector<16xf32>,
            %get3A_505 = vector.shape_cast %get3A_504 : vector<16xf32> to vector<16xf32>
            %get3A_506 = arith.index_cast %add3A_502 : i32 to index
            %get3A_507 = tpu.vector_load %arg8[%get3A_506] {strides = array<i32>} : memref<20496xf32, #tpu.memory_space<vmem>>, vector<16xf32>,
            %get3A_508 = vector.shape_cast %get3A_507 : vector<16xf32> to vector<16xf32>
            %get3A_509 = arith.index_cast %add3A_502 : i32 to index
            %get3A_510 = tpu.vector_load %arg9[%get3A_509] {strides = array<i32>} : memref<20496xf32, #tpu.memory_space<vmem>>, vector<16xf32>,
            %get3A_511 = vector.shape_cast %get3A_510 : vector<16xf32> to vector<16xf32>
            %get3A_512 = arith.index_cast %add3A_502 : i32 to index
            %get3A_513 = tpu.vector_load %arg10[%get3A_512] {strides = array<i32>} : memref<20496xf32, #tpu.memory_space<vmem>>, vector<16xf32>,
            %get3A_514 = vector.shape_cast %get3A_513 : vector<16xf32> to vector<16xf32>
            %sub3A_515 = arith.subf %get3A_511, %get3A_505 : vector<16xf32>
            %sub3A_516 = arith.subf %get3A_514, %get3A_508 : vector<16xf32>
            %mul3A_517 = arith.mulf %sub3A_515, %sub3A_516 : vector<16xf32>
            %min3A = arith.minimumf %broadcast_in_dim3A_415, %get3A_511 : vector<16xf32>
            %max3A = arith.maximumf %broadcast_in_dim3A_403, %get3A_505 : vector<16xf32>
            %sub3A_518 = arith.subf %min3A, %max3A : vector<16xf32>
            %max3A_519 = arith.constant 0.000000e+00 : f32
            %max3A_520 = vector.broadcast %max3A_519 : f32 to vector<16xf32>
            %max3A_521 = arith.maximumf %sub3A_518, %max3A_520 : vector<16xf32>
            %min3A_522 = arith.minimumf %broadcast_in_dim3A_421, %get3A_514 : vector<16xf32>
            %max3A_523 = arith.maximumf %broadcast_in_dim3A_409, %get3A_508 : vector<16xf32>
            %sub3A_524 = arith.subf %min3A_522, %max3A_523 : vector<16xf32>
            %max3A_525 = arith.constant 0.000000e+00 : f32
            %max3A_526 = vector.broadcast %max3A_525 : f32 to vector<16xf32>
            %max3A_527 = arith.maximumf %sub3A_524, %max3A_526 : vector<16xf32>
            %mul3A_528 = arith.mulf %max3A_521, %max3A_527 : vector<16xf32>
            %add3A_529 = arith.addf %mul3A_424, %mul3A_517 : vector<16xf32>
            %sub3A_530 = arith.subf %add3A_529, %mul3A_528 : vector<16xf32>
            %div3A_531 = arith.divf %mul3A_528, %sub3A_530 : vector<16xf32>
            %gt3A_532 = arith.constant 3.000000e-01 : f32
            %gt3A_533 = vector.broadcast %gt3A_532 : f32 to vector<16xf32>
            %gt3A_534 = arith.cmpf ogt, %div3A_531, %gt3A_533 : vector<16xf32>
            %add3A_535 = vector.broadcast %mul3A_501 : i32 to vector<16xi32>
            %add3A_536 = arith.addi %iota3A, %add3A_535 : vector<16xi32>
            %gt3A_537 = vector.broadcast %scan3A_387 : i32 to vector<16xi32>
            %gt3A_538 = arith.cmpi sgt, %add3A_536, %gt3A_537 : vector<16xi32>
            %and3A_539 = arith.andi %gt3A_534, %gt3A_538 : vector<16xi1>
            %get3A_540 = arith.index_cast %mul3A_501 : i32 to index
            %get3A_541 = tpu.vector_load %arg12[%get3A_540] {strides = array<i32>} : memref<144xf32, #tpu.memory_space<vmem>>, vector<16xf32>,
            %get3A_542 = vector.shape_cast %get3A_541 : vector<16xf32> to vector<16xf32>
            %jit3A_543 = arith.constant 0.000000e+00 : f32
            %broadcast_in_dim3A_544 = vector.broadcast %jit3A_543 : f32 to vector<16xf32>
            %select_n3A_545 = arith.select %and3A_539, %broadcast_in_dim3A_544, %get3A_542 : vector<16xi1>, vector<16xf32>
            %swap3A_546 = arith.index_cast %mul3A_501 : i32 to index
            %swap3A_547 = tpu.vector_load %arg12[%swap3A_546] {strides = array<i32>} : memref<144xf32, #tpu.memory_space<vmem>>, vector<16xf32>,
            %swap3A_548 = vector.shape_cast %swap3A_547 : vector<16xf32> to vector<16xf32>
            %swap3A_549 = vector.shape_cast %select_n3A_545 : vector<16xf32> to vector<16xf32>
            tpu.vector_store %arg12[%swap3A_546], %swap3A_549 {strides = array<i32>} : memref<144xf32, #tpu.memory_space<vmem>>, vector<16xf32>,
          }
        } else {
        }
      }
      %scan3A_108 = arith.constant 128 : i32
      %get3A = arith.constant 0 : index
      %get3A_109 = tpu.vector_load %arg19[%get3A] {strides = array<i32>} : memref<16xi32, #tpu.memory_space<vmem>>, vector<16xi32>,
      %get3A_110 = vector.shape_cast %get3A_109 : vector<16xi32> to vector<16xi32>
      %slice3A = vector.extract_strided_slice %get3A_110 {offsets = [0], sizes = [1], strides = [1]} : vector<16xi32> to vector<1xi32>
      %squeeze3A = vector.extract %slice3A[0] : i32 from vector<1xi32>
      %add3A_111 = arith.constant 0 : i32
      %add3A_112 = arith.addi %squeeze3A, %add3A_111 : i32
      %mul3A_113 = arith.constant 16 : i32
      %mul3A_114 = arith.muli %add3A_112, %mul3A_113 : i32
      %multiple_of3A = tpu.assume_multiple %mul3A_114, 16 : i32
      %swap3A_115 = arith.index_cast %multiple_of3A : i32 to index
      %swap3A_116 = tpu.vector_load %arg13[%swap3A_115] {strides = array<i32>} : memref<2176xf32, #tpu.memory_space<vmem>>, vector<16xf32>,
      %swap3A_117 = vector.shape_cast %swap3A_116 : vector<16xf32> to vector<16xf32>
      %swap3A_118 = vector.shape_cast %broadcast_in_dim3A_2 : vector<16xf32> to vector<16xf32>
      tpu.vector_store %arg13[%swap3A_115], %swap3A_118 {strides = array<i32>} : memref<2176xf32, #tpu.memory_space<vmem>>, vector<16xf32>,
      %swap3A_119 = arith.index_cast %multiple_of3A : i32 to index
      %swap3A_120 = tpu.vector_load %arg14[%swap3A_119] {strides = array<i32>} : memref<2176xf32, #tpu.memory_space<vmem>>, vector<16xf32>,
      %swap3A_121 = vector.shape_cast %swap3A_120 : vector<16xf32> to vector<16xf32>
      %swap3A_122 = vector.shape_cast %broadcast_in_dim3A_2 : vector<16xf32> to vector<16xf32>
      tpu.vector_store %arg14[%swap3A_119], %swap3A_122 {strides = array<i32>} : memref<2176xf32, #tpu.memory_space<vmem>>, vector<16xf32>,
      %swap3A_123 = arith.index_cast %multiple_of3A : i32 to index
      %swap3A_124 = tpu.vector_load %arg15[%swap3A_123] {strides = array<i32>} : memref<2176xf32, #tpu.memory_space<vmem>>, vector<16xf32>,
      %swap3A_125 = vector.shape_cast %swap3A_124 : vector<16xf32> to vector<16xf32>
      %swap3A_126 = vector.shape_cast %broadcast_in_dim3A_2 : vector<16xf32> to vector<16xf32>
      tpu.vector_store %arg15[%swap3A_123], %swap3A_126 {strides = array<i32>} : memref<2176xf32, #tpu.memory_space<vmem>>, vector<16xf32>,
      %swap3A_127 = arith.index_cast %multiple_of3A : i32 to index
      %swap3A_128 = tpu.vector_load %arg16[%swap3A_127] {strides = array<i32>} : memref<2176xf32, #tpu.memory_space<vmem>>, vector<16xf32>,
      %swap3A_129 = vector.shape_cast %swap3A_128 : vector<16xf32> to vector<16xf32>
      %swap3A_130 = vector.shape_cast %broadcast_in_dim3A_2 : vector<16xf32> to vector<16xf32>
      tpu.vector_store %arg16[%swap3A_127], %swap3A_130 {strides = array<i32>} : memref<2176xf32, #tpu.memory_space<vmem>>, vector<16xf32>,
      %swap3A_131 = arith.index_cast %multiple_of3A : i32 to index
      %swap3A_132 = tpu.vector_load %arg17[%swap3A_131] {strides = array<i32>} : memref<2176xf32, #tpu.memory_space<vmem>>, vector<16xf32>,
      %swap3A_133 = vector.shape_cast %swap3A_132 : vector<16xf32> to vector<16xf32>
      %swap3A_134 = vector.shape_cast %broadcast_in_dim3A_2 : vector<16xf32> to vector<16xf32>
      tpu.vector_store %arg17[%swap3A_131], %swap3A_134 {strides = array<i32>} : memref<2176xf32, #tpu.memory_space<vmem>>, vector<16xf32>,
      %broadcast_in_dim3A_135 = arith.constant 20480 : i32
      %broadcast_in_dim3A_136 = vector.broadcast %broadcast_in_dim3A_135 : i32 to vector<16xi32>
      %swap3A_137 = arith.index_cast %multiple_of3A : i32 to index
      %swap3A_138 = tpu.vector_load %arg18[%swap3A_137] {strides = array<i32>} : memref<2176xi32, #tpu.memory_space<vmem>>, vector<16xi32>,
      %swap3A_139 = vector.shape_cast %swap3A_138 : vector<16xi32> to vector<16xi32>
      %swap3A_140 = vector.shape_cast %broadcast_in_dim3A_136 : vector<16xi32> to vector<16xi32>
      tpu.vector_store %arg18[%swap3A_137], %swap3A_140 {strides = array<i32>} : memref<2176xi32, #tpu.memory_space<vmem>>, vector<16xi32>,
      %add3A_141 = arith.constant 1 : i32
      %add3A_142 = arith.addi %squeeze3A, %add3A_141 : i32
      %mul3A_143 = arith.constant 16 : i32
      %mul3A_144 = arith.muli %add3A_142, %mul3A_143 : i32
      %multiple_of3A_145 = tpu.assume_multiple %mul3A_144, 16 : i32
      %swap3A_146 = arith.index_cast %multiple_of3A_145 : i32 to index
      %swap3A_147 = tpu.vector_load %arg13[%swap3A_146] {strides = array<i32>} : memref<2176xf32, #tpu.memory_space<vmem>>, vector<16xf32>,
      %swap3A_148 = vector.shape_cast %swap3A_147 : vector<16xf32> to vector<16xf32>
      %swap3A_149 = vector.shape_cast %broadcast_in_dim3A_2 : vector<16xf32> to vector<16xf32>
      tpu.vector_store %arg13[%swap3A_146], %swap3A_149 {strides = array<i32>} : memref<2176xf32, #tpu.memory_space<vmem>>, vector<16xf32>,
      %swap3A_150 = arith.index_cast %multiple_of3A_145 : i32 to index
      %swap3A_151 = tpu.vector_load %arg14[%swap3A_150] {strides = array<i32>} : memref<2176xf32, #tpu.memory_space<vmem>>, vector<16xf32>,
      %swap3A_152 = vector.shape_cast %swap3A_151 : vector<16xf32> to vector<16xf32>
      %swap3A_153 = vector.shape_cast %broadcast_in_dim3A_2 : vector<16xf32> to vector<16xf32>
      tpu.vector_store %arg14[%swap3A_150], %swap3A_153 {strides = array<i32>} : memref<2176xf32, #tpu.memory_space<vmem>>, vector<16xf32>,
      %swap3A_154 = arith.index_cast %multiple_of3A_145 : i32 to index
      %swap3A_155 = tpu.vector_load %arg15[%swap3A_154] {strides = array<i32>} : memref<2176xf32, #tpu.memory_space<vmem>>, vector<16xf32>,
      %swap3A_156 = vector.shape_cast %swap3A_155 : vector<16xf32> to vector<16xf32>
      %swap3A_157 = vector.shape_cast %broadcast_in_dim3A_2 : vector<16xf32> to vector<16xf32>
      tpu.vector_store %arg15[%swap3A_154], %swap3A_157 {strides = array<i32>} : memref<2176xf32, #tpu.memory_space<vmem>>, vector<16xf32>,
      %swap3A_158 = arith.index_cast %multiple_of3A_145 : i32 to index
      %swap3A_159 = tpu.vector_load %arg16[%swap3A_158] {strides = array<i32>} : memref<2176xf32, #tpu.memory_space<vmem>>, vector<16xf32>,
      %swap3A_160 = vector.shape_cast %swap3A_159 : vector<16xf32> to vector<16xf32>
      %swap3A_161 = vector.shape_cast %broadcast_in_dim3A_2 : vector<16xf32> to vector<16xf32>
      tpu.vector_store %arg16[%swap3A_158], %swap3A_161 {strides = array<i32>} : memref<2176xf32, #tpu.memory_space<vmem>>, vector<16xf32>,
      %swap3A_162 = arith.index_cast %multiple_of3A_145 : i32 to index
      %swap3A_163 = tpu.vector_load %arg17[%swap3A_162] {strides = array<i32>} : memref<2176xf32, #tpu.memory_space<vmem>>, vector<16xf32>,
      %swap3A_164 = vector.shape_cast %swap3A_163 : vector<16xf32> to vector<16xf32>
      %swap3A_165 = vector.shape_cast %broadcast_in_dim3A_2 : vector<16xf32> to vector<16xf32>
      tpu.vector_store %arg17[%swap3A_162], %swap3A_165 {strides = array<i32>} : memref<2176xf32, #tpu.memory_space<vmem>>, vector<16xf32>,
      %broadcast_in_dim3A_166 = arith.constant 20480 : i32
      %broadcast_in_dim3A_167 = vector.broadcast %broadcast_in_dim3A_166 : i32 to vector<16xi32>
      %swap3A_168 = arith.index_cast %multiple_of3A_145 : i32 to index
      %swap3A_169 = tpu.vector_load %arg18[%swap3A_168] {strides = array<i32>} : memref<2176xi32, #tpu.memory_space<vmem>>, vector<16xi32>,
      %swap3A_170 = vector.shape_cast %swap3A_169 : vector<16xi32> to vector<16xi32>
      %swap3A_171 = vector.shape_cast %broadcast_in_dim3A_167 : vector<16xi32> to vector<16xi32>
      tpu.vector_store %arg18[%swap3A_168], %swap3A_171 {strides = array<i32>} : memref<2176xi32, #tpu.memory_space<vmem>>, vector<16xi32>,
      %add3A_172 = arith.constant 2 : i32
      %add3A_173 = arith.addi %squeeze3A, %add3A_172 : i32
      %mul3A_174 = arith.constant 16 : i32
      %mul3A_175 = arith.muli %add3A_173, %mul3A_174 : i32
      %multiple_of3A_176 = tpu.assume_multiple %mul3A_175, 16 : i32
      %swap3A_177 = arith.index_cast %multiple_of3A_176 : i32 to index
      %swap3A_178 = tpu.vector_load %arg13[%swap3A_177] {strides = array<i32>} : memref<2176xf32, #tpu.memory_space<vmem>>, vector<16xf32>,
      %swap3A_179 = vector.shape_cast %swap3A_178 : vector<16xf32> to vector<16xf32>
      %swap3A_180 = vector.shape_cast %broadcast_in_dim3A_2 : vector<16xf32> to vector<16xf32>
      tpu.vector_store %arg13[%swap3A_177], %swap3A_180 {strides = array<i32>} : memref<2176xf32, #tpu.memory_space<vmem>>, vector<16xf32>,
      %swap3A_181 = arith.index_cast %multiple_of3A_176 : i32 to index
      %swap3A_182 = tpu.vector_load %arg14[%swap3A_181] {strides = array<i32>} : memref<2176xf32, #tpu.memory_space<vmem>>, vector<16xf32>,
      %swap3A_183 = vector.shape_cast %swap3A_182 : vector<16xf32> to vector<16xf32>
      %swap3A_184 = vector.shape_cast %broadcast_in_dim3A_2 : vector<16xf32> to vector<16xf32>
      tpu.vector_store %arg14[%swap3A_181], %swap3A_184 {strides = array<i32>} : memref<2176xf32, #tpu.memory_space<vmem>>, vector<16xf32>,
      %swap3A_185 = arith.index_cast %multiple_of3A_176 : i32 to index
      %swap3A_186 = tpu.vector_load %arg15[%swap3A_185] {strides = array<i32>} : memref<2176xf32, #tpu.memory_space<vmem>>, vector<16xf32>,
      %swap3A_187 = vector.shape_cast %swap3A_186 : vector<16xf32> to vector<16xf32>
      %swap3A_188 = vector.shape_cast %broadcast_in_dim3A_2 : vector<16xf32> to vector<16xf32>
      tpu.vector_store %arg15[%swap3A_185], %swap3A_188 {strides = array<i32>} : memref<2176xf32, #tpu.memory_space<vmem>>, vector<16xf32>,
      %swap3A_189 = arith.index_cast %multiple_of3A_176 : i32 to index
      %swap3A_190 = tpu.vector_load %arg16[%swap3A_189] {strides = array<i32>} : memref<2176xf32, #tpu.memory_space<vmem>>, vector<16xf32>,
      %swap3A_191 = vector.shape_cast %swap3A_190 : vector<16xf32> to vector<16xf32>
      %swap3A_192 = vector.shape_cast %broadcast_in_dim3A_2 : vector<16xf32> to vector<16xf32>
      tpu.vector_store %arg16[%swap3A_189], %swap3A_192 {strides = array<i32>} : memref<2176xf32, #tpu.memory_space<vmem>>, vector<16xf32>,
      %swap3A_193 = arith.index_cast %multiple_of3A_176 : i32 to index
      %swap3A_194 = tpu.vector_load %arg17[%swap3A_193] {strides = array<i32>} : memref<2176xf32, #tpu.memory_space<vmem>>, vector<16xf32>,
      %swap3A_195 = vector.shape_cast %swap3A_194 : vector<16xf32> to vector<16xf32>
      %swap3A_196 = vector.shape_cast %broadcast_in_dim3A_2 : vector<16xf32> to vector<16xf32>
      tpu.vector_store %arg17[%swap3A_193], %swap3A_196 {strides = array<i32>} : memref<2176xf32, #tpu.memory_space<vmem>>, vector<16xf32>,
      %broadcast_in_dim3A_197 = arith.constant 20480 : i32
      %broadcast_in_dim3A_198 = vector.broadcast %broadcast_in_dim3A_197 : i32 to vector<16xi32>
      %swap3A_199 = arith.index_cast %multiple_of3A_176 : i32 to index
      %swap3A_200 = tpu.vector_load %arg18[%swap3A_199] {strides = array<i32>} : memref<2176xi32, #tpu.memory_space<vmem>>, vector<16xi32>,
      %swap3A_201 = vector.shape_cast %swap3A_200 : vector<16xi32> to vector<16xi32>
      %swap3A_202 = vector.shape_cast %broadcast_in_dim3A_198 : vector<16xi32> to vector<16xi32>
      tpu.vector_store %arg18[%swap3A_199], %swap3A_202 {strides = array<i32>} : memref<2176xi32, #tpu.memory_space<vmem>>, vector<16xi32>,
      %add3A_203 = arith.constant 3 : i32
      %add3A_204 = arith.addi %squeeze3A, %add3A_203 : i32
      %mul3A_205 = arith.constant 16 : i32
      %mul3A_206 = arith.muli %add3A_204, %mul3A_205 : i32
      %multiple_of3A_207 = tpu.assume_multiple %mul3A_206, 16 : i32
      %swap3A_208 = arith.index_cast %multiple_of3A_207 : i32 to index
      %swap3A_209 = tpu.vector_load %arg13[%swap3A_208] {strides = array<i32>} : memref<2176xf32, #tpu.memory_space<vmem>>, vector<16xf32>,
      %swap3A_210 = vector.shape_cast %swap3A_209 : vector<16xf32> to vector<16xf32>
      %swap3A_211 = vector.shape_cast %broadcast_in_dim3A_2 : vector<16xf32> to vector<16xf32>
      tpu.vector_store %arg13[%swap3A_208], %swap3A_211 {strides = array<i32>} : memref<2176xf32, #tpu.memory_space<vmem>>, vector<16xf32>,
      %swap3A_212 = arith.index_cast %multiple_of3A_207 : i32 to index
      %swap3A_213 = tpu.vector_load %arg14[%swap3A_212] {strides = array<i32>} : memref<2176xf32, #tpu.memory_space<vmem>>, vector<16xf32>,
      %swap3A_214 = vector.shape_cast %swap3A_213 : vector<16xf32> to vector<16xf32>
      %swap3A_215 = vector.shape_cast %broadcast_in_dim3A_2 : vector<16xf32> to vector<16xf32>
      tpu.vector_store %arg14[%swap3A_212], %swap3A_215 {strides = array<i32>} : memref<2176xf32, #tpu.memory_space<vmem>>, vector<16xf32>,
      %swap3A_216 = arith.index_cast %multiple_of3A_207 : i32 to index
      %swap3A_217 = tpu.vector_load %arg15[%swap3A_216] {strides = array<i32>} : memref<2176xf32, #tpu.memory_space<vmem>>, vector<16xf32>,
      %swap3A_218 = vector.shape_cast %swap3A_217 : vector<16xf32> to vector<16xf32>
      %swap3A_219 = vector.shape_cast %broadcast_in_dim3A_2 : vector<16xf32> to vector<16xf32>
      tpu.vector_store %arg15[%swap3A_216], %swap3A_219 {strides = array<i32>} : memref<2176xf32, #tpu.memory_space<vmem>>, vector<16xf32>,
      %swap3A_220 = arith.index_cast %multiple_of3A_207 : i32 to index
      %swap3A_221 = tpu.vector_load %arg16[%swap3A_220] {strides = array<i32>} : memref<2176xf32, #tpu.memory_space<vmem>>, vector<16xf32>,
      %swap3A_222 = vector.shape_cast %swap3A_221 : vector<16xf32> to vector<16xf32>
      %swap3A_223 = vector.shape_cast %broadcast_in_dim3A_2 : vector<16xf32> to vector<16xf32>
      tpu.vector_store %arg16[%swap3A_220], %swap3A_223 {strides = array<i32>} : memref<2176xf32, #tpu.memory_space<vmem>>, vector<16xf32>,
      %swap3A_224 = arith.index_cast %multiple_of3A_207 : i32 to index
      %swap3A_225 = tpu.vector_load %arg17[%swap3A_224] {strides = array<i32>} : memref<2176xf32, #tpu.memory_space<vmem>>, vector<16xf32>,
      %swap3A_226 = vector.shape_cast %swap3A_225 : vector<16xf32> to vector<16xf32>
      %swap3A_227 = vector.shape_cast %broadcast_in_dim3A_2 : vector<16xf32> to vector<16xf32>
      tpu.vector_store %arg17[%swap3A_224], %swap3A_227 {strides = array<i32>} : memref<2176xf32, #tpu.memory_space<vmem>>, vector<16xf32>,
      %broadcast_in_dim3A_228 = arith.constant 20480 : i32
      %broadcast_in_dim3A_229 = vector.broadcast %broadcast_in_dim3A_228 : i32 to vector<16xi32>
      %swap3A_230 = arith.index_cast %multiple_of3A_207 : i32 to index
      %swap3A_231 = tpu.vector_load %arg18[%swap3A_230] {strides = array<i32>} : memref<2176xi32, #tpu.memory_space<vmem>>, vector<16xi32>,
      %swap3A_232 = vector.shape_cast %swap3A_231 : vector<16xi32> to vector<16xi32>
      %swap3A_233 = vector.shape_cast %broadcast_in_dim3A_229 : vector<16xi32> to vector<16xi32>
      tpu.vector_store %arg18[%swap3A_230], %swap3A_233 {strides = array<i32>} : memref<2176xi32, #tpu.memory_space<vmem>>, vector<16xi32>,
      %add3A_234 = arith.constant 4 : i32
      %add3A_235 = arith.addi %squeeze3A, %add3A_234 : i32
      %mul3A_236 = arith.constant 16 : i32
      %mul3A_237 = arith.muli %add3A_235, %mul3A_236 : i32
      %multiple_of3A_238 = tpu.assume_multiple %mul3A_237, 16 : i32
      %swap3A_239 = arith.index_cast %multiple_of3A_238 : i32 to index
      %swap3A_240 = tpu.vector_load %arg13[%swap3A_239] {strides = array<i32>} : memref<2176xf32, #tpu.memory_space<vmem>>, vector<16xf32>,
      %swap3A_241 = vector.shape_cast %swap3A_240 : vector<16xf32> to vector<16xf32>
      %swap3A_242 = vector.shape_cast %broadcast_in_dim3A_2 : vector<16xf32> to vector<16xf32>
      tpu.vector_store %arg13[%swap3A_239], %swap3A_242 {strides = array<i32>} : memref<2176xf32, #tpu.memory_space<vmem>>, vector<16xf32>,
      %swap3A_243 = arith.index_cast %multiple_of3A_238 : i32 to index
      %swap3A_244 = tpu.vector_load %arg14[%swap3A_243] {strides = array<i32>} : memref<2176xf32, #tpu.memory_space<vmem>>, vector<16xf32>,
      %swap3A_245 = vector.shape_cast %swap3A_244 : vector<16xf32> to vector<16xf32>
      %swap3A_246 = vector.shape_cast %broadcast_in_dim3A_2 : vector<16xf32> to vector<16xf32>
      tpu.vector_store %arg14[%swap3A_243], %swap3A_246 {strides = array<i32>} : memref<2176xf32, #tpu.memory_space<vmem>>, vector<16xf32>,
      %swap3A_247 = arith.index_cast %multiple_of3A_238 : i32 to index
      %swap3A_248 = tpu.vector_load %arg15[%swap3A_247] {strides = array<i32>} : memref<2176xf32, #tpu.memory_space<vmem>>, vector<16xf32>,
      %swap3A_249 = vector.shape_cast %swap3A_248 : vector<16xf32> to vector<16xf32>
      %swap3A_250 = vector.shape_cast %broadcast_in_dim3A_2 : vector<16xf32> to vector<16xf32>
      tpu.vector_store %arg15[%swap3A_247], %swap3A_250 {strides = array<i32>} : memref<2176xf32, #tpu.memory_space<vmem>>, vector<16xf32>,
      %swap3A_251 = arith.index_cast %multiple_of3A_238 : i32 to index
      %swap3A_252 = tpu.vector_load %arg16[%swap3A_251] {strides = array<i32>} : memref<2176xf32, #tpu.memory_space<vmem>>, vector<16xf32>,
      %swap3A_253 = vector.shape_cast %swap3A_252 : vector<16xf32> to vector<16xf32>
      %swap3A_254 = vector.shape_cast %broadcast_in_dim3A_2 : vector<16xf32> to vector<16xf32>
      tpu.vector_store %arg16[%swap3A_251], %swap3A_254 {strides = array<i32>} : memref<2176xf32, #tpu.memory_space<vmem>>, vector<16xf32>,
      %swap3A_255 = arith.index_cast %multiple_of3A_238 : i32 to index
      %swap3A_256 = tpu.vector_load %arg17[%swap3A_255] {strides = array<i32>} : memref<2176xf32, #tpu.memory_space<vmem>>, vector<16xf32>,
      %swap3A_257 = vector.shape_cast %swap3A_256 : vector<16xf32> to vector<16xf32>
      %swap3A_258 = vector.shape_cast %broadcast_in_dim3A_2 : vector<16xf32> to vector<16xf32>
      tpu.vector_store %arg17[%swap3A_255], %swap3A_258 {strides = array<i32>} : memref<2176xf32, #tpu.memory_space<vmem>>, vector<16xf32>,
      %broadcast_in_dim3A_259 = arith.constant 20480 : i32
      %broadcast_in_dim3A_260 = vector.broadcast %broadcast_in_dim3A_259 : i32 to vector<16xi32>
      %swap3A_261 = arith.index_cast %multiple_of3A_238 : i32 to index
      %swap3A_262 = tpu.vector_load %arg18[%swap3A_261] {strides = array<i32>} : memref<2176xi32, #tpu.memory_space<vmem>>, vector<16xi32>,
      %swap3A_263 = vector.shape_cast %swap3A_262 : vector<16xi32> to vector<16xi32>
      %swap3A_264 = vector.shape_cast %broadcast_in_dim3A_260 : vector<16xi32> to vector<16xi32>
      tpu.vector_store %arg18[%swap3A_261], %swap3A_264 {strides = array<i32>} : memref<2176xi32, #tpu.memory_space<vmem>>, vector<16xi32>,
      %add3A_265 = arith.constant 5 : i32
      %add3A_266 = arith.addi %squeeze3A, %add3A_265 : i32
      %mul3A_267 = arith.constant 16 : i32
      %mul3A_268 = arith.muli %add3A_266, %mul3A_267 : i32
      %multiple_of3A_269 = tpu.assume_multiple %mul3A_268, 16 : i32
      %swap3A_270 = arith.index_cast %multiple_of3A_269 : i32 to index
      %swap3A_271 = tpu.vector_load %arg13[%swap3A_270] {strides = array<i32>} : memref<2176xf32, #tpu.memory_space<vmem>>, vector<16xf32>,
      %swap3A_272 = vector.shape_cast %swap3A_271 : vector<16xf32> to vector<16xf32>
      %swap3A_273 = vector.shape_cast %broadcast_in_dim3A_2 : vector<16xf32> to vector<16xf32>
      tpu.vector_store %arg13[%swap3A_270], %swap3A_273 {strides = array<i32>} : memref<2176xf32, #tpu.memory_space<vmem>>, vector<16xf32>,
      %swap3A_274 = arith.index_cast %multiple_of3A_269 : i32 to index
      %swap3A_275 = tpu.vector_load %arg14[%swap3A_274] {strides = array<i32>} : memref<2176xf32, #tpu.memory_space<vmem>>, vector<16xf32>,
      %swap3A_276 = vector.shape_cast %swap3A_275 : vector<16xf32> to vector<16xf32>
      %swap3A_277 = vector.shape_cast %broadcast_in_dim3A_2 : vector<16xf32> to vector<16xf32>
      tpu.vector_store %arg14[%swap3A_274], %swap3A_277 {strides = array<i32>} : memref<2176xf32, #tpu.memory_space<vmem>>, vector<16xf32>,
      %swap3A_278 = arith.index_cast %multiple_of3A_269 : i32 to index
      %swap3A_279 = tpu.vector_load %arg15[%swap3A_278] {strides = array<i32>} : memref<2176xf32, #tpu.memory_space<vmem>>, vector<16xf32>,
      %swap3A_280 = vector.shape_cast %swap3A_279 : vector<16xf32> to vector<16xf32>
      %swap3A_281 = vector.shape_cast %broadcast_in_dim3A_2 : vector<16xf32> to vector<16xf32>
      tpu.vector_store %arg15[%swap3A_278], %swap3A_281 {strides = array<i32>} : memref<2176xf32, #tpu.memory_space<vmem>>, vector<16xf32>,
      %swap3A_282 = arith.index_cast %multiple_of3A_269 : i32 to index
      %swap3A_283 = tpu.vector_load %arg16[%swap3A_282] {strides = array<i32>} : memref<2176xf32, #tpu.memory_space<vmem>>, vector<16xf32>,
      %swap3A_284 = vector.shape_cast %swap3A_283 : vector<16xf32> to vector<16xf32>
      %swap3A_285 = vector.shape_cast %broadcast_in_dim3A_2 : vector<16xf32> to vector<16xf32>
      tpu.vector_store %arg16[%swap3A_282], %swap3A_285 {strides = array<i32>} : memref<2176xf32, #tpu.memory_space<vmem>>, vector<16xf32>,
      %swap3A_286 = arith.index_cast %multiple_of3A_269 : i32 to index
      %swap3A_287 = tpu.vector_load %arg17[%swap3A_286] {strides = array<i32>} : memref<2176xf32, #tpu.memory_space<vmem>>, vector<16xf32>,
      %swap3A_288 = vector.shape_cast %swap3A_287 : vector<16xf32> to vector<16xf32>
      %swap3A_289 = vector.shape_cast %broadcast_in_dim3A_2 : vector<16xf32> to vector<16xf32>
      tpu.vector_store %arg17[%swap3A_286], %swap3A_289 {strides = array<i32>} : memref<2176xf32, #tpu.memory_space<vmem>>, vector<16xf32>,
      %broadcast_in_dim3A_290 = arith.constant 20480 : i32
      %broadcast_in_dim3A_291 = vector.broadcast %broadcast_in_dim3A_290 : i32 to vector<16xi32>
      %swap3A_292 = arith.index_cast %multiple_of3A_269 : i32 to index
      %swap3A_293 = tpu.vector_load %arg18[%swap3A_292] {strides = array<i32>} : memref<2176xi32, #tpu.memory_space<vmem>>, vector<16xi32>,
      %swap3A_294 = vector.shape_cast %swap3A_293 : vector<16xi32> to vector<16xi32>
      %swap3A_295 = vector.shape_cast %broadcast_in_dim3A_291 : vector<16xi32> to vector<16xi32>
      tpu.vector_store %arg18[%swap3A_292], %swap3A_295 {strides = array<i32>} : memref<2176xi32, #tpu.memory_space<vmem>>, vector<16xi32>,
      %add3A_296 = arith.constant 6 : i32
      %add3A_297 = arith.addi %squeeze3A, %add3A_296 : i32
      %mul3A_298 = arith.constant 16 : i32
      %mul3A_299 = arith.muli %add3A_297, %mul3A_298 : i32
      %multiple_of3A_300 = tpu.assume_multiple %mul3A_299, 16 : i32
      %swap3A_301 = arith.index_cast %multiple_of3A_300 : i32 to index
      %swap3A_302 = tpu.vector_load %arg13[%swap3A_301] {strides = array<i32>} : memref<2176xf32, #tpu.memory_space<vmem>>, vector<16xf32>,
      %swap3A_303 = vector.shape_cast %swap3A_302 : vector<16xf32> to vector<16xf32>
      %swap3A_304 = vector.shape_cast %broadcast_in_dim3A_2 : vector<16xf32> to vector<16xf32>
      tpu.vector_store %arg13[%swap3A_301], %swap3A_304 {strides = array<i32>} : memref<2176xf32, #tpu.memory_space<vmem>>, vector<16xf32>,
      %swap3A_305 = arith.index_cast %multiple_of3A_300 : i32 to index
      %swap3A_306 = tpu.vector_load %arg14[%swap3A_305] {strides = array<i32>} : memref<2176xf32, #tpu.memory_space<vmem>>, vector<16xf32>,
      %swap3A_307 = vector.shape_cast %swap3A_306 : vector<16xf32> to vector<16xf32>
      %swap3A_308 = vector.shape_cast %broadcast_in_dim3A_2 : vector<16xf32> to vector<16xf32>
      tpu.vector_store %arg14[%swap3A_305], %swap3A_308 {strides = array<i32>} : memref<2176xf32, #tpu.memory_space<vmem>>, vector<16xf32>,
      %swap3A_309 = arith.index_cast %multiple_of3A_300 : i32 to index
      %swap3A_310 = tpu.vector_load %arg15[%swap3A_309] {strides = array<i32>} : memref<2176xf32, #tpu.memory_space<vmem>>, vector<16xf32>,
      %swap3A_311 = vector.shape_cast %swap3A_310 : vector<16xf32> to vector<16xf32>
      %swap3A_312 = vector.shape_cast %broadcast_in_dim3A_2 : vector<16xf32> to vector<16xf32>
      tpu.vector_store %arg15[%swap3A_309], %swap3A_312 {strides = array<i32>} : memref<2176xf32, #tpu.memory_space<vmem>>, vector<16xf32>,
      %swap3A_313 = arith.index_cast %multiple_of3A_300 : i32 to index
      %swap3A_314 = tpu.vector_load %arg16[%swap3A_313] {strides = array<i32>} : memref<2176xf32, #tpu.memory_space<vmem>>, vector<16xf32>,
      %swap3A_315 = vector.shape_cast %swap3A_314 : vector<16xf32> to vector<16xf32>
      %swap3A_316 = vector.shape_cast %broadcast_in_dim3A_2 : vector<16xf32> to vector<16xf32>
      tpu.vector_store %arg16[%swap3A_313], %swap3A_316 {strides = array<i32>} : memref<2176xf32, #tpu.memory_space<vmem>>, vector<16xf32>,
      %swap3A_317 = arith.index_cast %multiple_of3A_300 : i32 to index
      %swap3A_318 = tpu.vector_load %arg17[%swap3A_317] {strides = array<i32>} : memref<2176xf32, #tpu.memory_space<vmem>>, vector<16xf32>,
      %swap3A_319 = vector.shape_cast %swap3A_318 : vector<16xf32> to vector<16xf32>
      %swap3A_320 = vector.shape_cast %broadcast_in_dim3A_2 : vector<16xf32> to vector<16xf32>
      tpu.vector_store %arg17[%swap3A_317], %swap3A_320 {strides = array<i32>} : memref<2176xf32, #tpu.memory_space<vmem>>, vector<16xf32>,
      %broadcast_in_dim3A_321 = arith.constant 20480 : i32
      %broadcast_in_dim3A_322 = vector.broadcast %broadcast_in_dim3A_321 : i32 to vector<16xi32>
      %swap3A_323 = arith.index_cast %multiple_of3A_300 : i32 to index
      %swap3A_324 = tpu.vector_load %arg18[%swap3A_323] {strides = array<i32>} : memref<2176xi32, #tpu.memory_space<vmem>>, vector<16xi32>,
      %swap3A_325 = vector.shape_cast %swap3A_324 : vector<16xi32> to vector<16xi32>
      %swap3A_326 = vector.shape_cast %broadcast_in_dim3A_322 : vector<16xi32> to vector<16xi32>
      tpu.vector_store %arg18[%swap3A_323], %swap3A_326 {strides = array<i32>} : memref<2176xi32, #tpu.memory_space<vmem>>, vector<16xi32>,
      %mul3A_327 = arith.constant 8 : i32
      %mul3A_328 = arith.muli %scan3A_31, %mul3A_327 : i32
      %sub3A = arith.subi %mul3A_328, %arg1 : i32
      %add3A_329 = arith.constant 15 : i32
      %add3A_330 = arith.addi %sub3A, %add3A_329 : i32
      %jit3A = arith.constant 16 : i32
      %div3A = arith.divsi %add3A_330, %jit3A : i32
      %sign3A = arith.constant 0 : i32
      %sign3A_331 = arith.cmpi sgt, %add3A_330, %sign3A : i32
      %sign3A_332 = arith.extui %sign3A_331 : i1 to i32
      %sign3A_333 = arith.constant 0 : i32
      %sign3A_334 = arith.cmpi slt, %add3A_330, %sign3A_333 : i32
      %sign3A_335 = arith.extui %sign3A_334 : i1 to i32
      %sign3A_336 = arith.subi %sign3A_332, %sign3A_335 : i32
      %sign3A_337 = arith.constant 0 : i32
      %sign3A_338 = arith.cmpi sgt, %jit3A, %sign3A_337 : i32
      %sign3A_339 = arith.extui %sign3A_338 : i1 to i32
      %sign3A_340 = arith.constant 0 : i32
      %sign3A_341 = arith.cmpi slt, %jit3A, %sign3A_340 : i32
      %sign3A_342 = arith.extui %sign3A_341 : i1 to i32
      %sign3A_343 = arith.subi %sign3A_339, %sign3A_342 : i32
      %ne3A = arith.cmpi ne, %sign3A_336, %sign3A_343 : i32
      %rem3A_344 = arith.remsi %add3A_330, %jit3A : i32
      %ne3A_345 = arith.constant 0 : i32
      %ne3A_346 = arith.cmpi ne, %rem3A_344, %ne3A_345 : i32
      %and3A = arith.andi %ne3A, %ne3A_346 : i1
      %sub3A_347 = arith.constant 1 : i32
      %sub3A_348 = arith.subi %div3A, %sub3A_347 : i32
      %select_n3A = arith.select %and3A, %sub3A_348, %div3A : i32
      %add3A_349 = arith.constant 8 : i32
      %add3A_350 = arith.addi %squeeze3A, %add3A_349 : i32
      %sub3A_351 = arith.constant 1 : i32
      %sub3A_352 = arith.subi %add3A_350, %sub3A_351 : i32
      %jit3A_353 = arith.constant 8 : i32
      %div3A_354 = arith.divsi %sub3A_352, %jit3A_353 : i32
      %sign3A_355 = arith.constant 0 : i32
      %sign3A_356 = arith.cmpi sgt, %sub3A_352, %sign3A_355 : i32
      %sign3A_357 = arith.extui %sign3A_356 : i1 to i32
      %sign3A_358 = arith.constant 0 : i32
      %sign3A_359 = arith.cmpi slt, %sub3A_352, %sign3A_358 : i32
      %sign3A_360 = arith.extui %sign3A_359 : i1 to i32
      %sign3A_361 = arith.subi %sign3A_357, %sign3A_360 : i32
      %sign3A_362 = arith.constant 0 : i32
      %sign3A_363 = arith.cmpi sgt, %jit3A_353, %sign3A_362 : i32
      %sign3A_364 = arith.extui %sign3A_363 : i1 to i32
      %sign3A_365 = arith.constant 0 : i32
      %sign3A_366 = arith.cmpi slt, %jit3A_353, %sign3A_365 : i32
      %sign3A_367 = arith.extui %sign3A_366 : i1 to i32
      %sign3A_368 = arith.subi %sign3A_364, %sign3A_367 : i32
      %ne3A_369 = arith.cmpi ne, %sign3A_361, %sign3A_368 : i32
      %rem3A_370 = arith.remsi %sub3A_352, %jit3A_353 : i32
      %ne3A_371 = arith.constant 0 : i32
      %ne3A_372 = arith.cmpi ne, %rem3A_370, %ne3A_371 : i32
      %and3A_373 = arith.andi %ne3A_369, %ne3A_372 : i1
      %sub3A_374 = arith.constant 1 : i32
      %sub3A_375 = arith.subi %div3A_354, %sub3A_374 : i32
      %select_n3A_376 = arith.select %and3A_373, %sub3A_375, %div3A_354 : i32
      %while3A = arith.constant 0 : i32
      %while3A_377 = arith.constant 0 : i32
      %while3A_378 = arith.subi %select_n3A_376, %while3A_377 : i32
      %while3A_379 = arith.addi %while3A_377, %while3A_378 : i32
      %while3A_380 = arith.constant 1 : i32
      %while3A_381 = arith.divsi %while3A_378, %while3A_380 : i32
      %while3A_382 = arith.muli %while3A_381, %while3A_380 : i32
      %while3A_383 = arith.addi %while3A_377, %while3A_382 : i32
      %while3A_384 = arith.constant 1 : i32
      scf.for %while3A_387 = %while3A_377 to %while3A_383 step %while3A_384  : i32 {
        %mul3A_388 = arith.constant 8 : i32
        %mul3A_389 = arith.muli %while3A_387, %mul3A_388 : i32
        %add3A_390 = arith.constant 0 : i32
        %add3A_391 = arith.addi %mul3A_389, %add3A_390 : i32
        %mul3A_392 = arith.constant 16 : i32
        %mul3A_393 = arith.muli %add3A_391, %mul3A_392 : i32
        %multiple_of3A_394 = tpu.assume_multiple %mul3A_393, 16 : i32
        %get3A_395 = arith.index_cast %multiple_of3A_394 : i32 to index
        %get3A_396 = tpu.vector_load %arg13[%get3A_395] {strides = array<i32>} : memref<2176xf32, #tpu.memory_space<vmem>>, vector<16xf32>,
        %get3A_397 = vector.shape_cast %get3A_396 : vector<16xf32> to vector<16xf32>
        %get3A_398 = arith.index_cast %multiple_of3A_394 : i32 to index
        %get3A_399 = tpu.vector_load %arg14[%get3A_398] {strides = array<i32>} : memref<2176xf32, #tpu.memory_space<vmem>>, vector<16xf32>,
        %get3A_400 = vector.shape_cast %get3A_399 : vector<16xf32> to vector<16xf32>
        %get3A_401 = arith.index_cast %multiple_of3A_394 : i32 to index
        %get3A_402 = tpu.vector_load %arg15[%get3A_401] {strides = array<i32>} : memref<2176xf32, #tpu.memory_space<vmem>>, vector<16xf32>,
        %get3A_403 = vector.shape_cast %get3A_402 : vector<16xf32> to vector<16xf32>
        %get3A_404 = arith.index_cast %multiple_of3A_394 : i32 to index
        %get3A_405 = tpu.vector_load %arg16[%get3A_404] {strides = array<i32>} : memref<2176xf32, #tpu.memory_space<vmem>>, vector<16xf32>,
        %get3A_406 = vector.shape_cast %get3A_405 : vector<16xf32> to vector<16xf32>
        %get3A_407 = arith.index_cast %multiple_of3A_394 : i32 to index
        %get3A_408 = tpu.vector_load %arg17[%get3A_407] {strides = array<i32>} : memref<2176xf32, #tpu.memory_space<vmem>>, vector<16xf32>,
        %get3A_409 = vector.shape_cast %get3A_408 : vector<16xf32> to vector<16xf32>
        %get3A_410 = arith.index_cast %multiple_of3A_394 : i32 to index
        %get3A_411 = tpu.vector_load %arg18[%get3A_410] {strides = array<i32>} : memref<2176xi32, #tpu.memory_space<vmem>>, vector<16xi32>,
        %get3A_412 = vector.shape_cast %get3A_411 : vector<16xi32> to vector<16xi32>
        %mul3A_413 = arith.constant 8 : i32
        %mul3A_414 = arith.muli %while3A_387, %mul3A_413 : i32
        %add3A_415 = arith.constant 1 : i32
        %add3A_416 = arith.addi %mul3A_414, %add3A_415 : i32
        %mul3A_417 = arith.constant 16 : i32
        %mul3A_418 = arith.muli %add3A_416, %mul3A_417 : i32
        %multiple_of3A_419 = tpu.assume_multiple %mul3A_418, 16 : i32
        %get3A_420 = arith.index_cast %multiple_of3A_419 : i32 to index
        %get3A_421 = tpu.vector_load %arg13[%get3A_420] {strides = array<i32>} : memref<2176xf32, #tpu.memory_space<vmem>>, vector<16xf32>,
        %get3A_422 = vector.shape_cast %get3A_421 : vector<16xf32> to vector<16xf32>
        %get3A_423 = arith.index_cast %multiple_of3A_419 : i32 to index
        %get3A_424 = tpu.vector_load %arg14[%get3A_423] {strides = array<i32>} : memref<2176xf32, #tpu.memory_space<vmem>>, vector<16xf32>,
        %get3A_425 = vector.shape_cast %get3A_424 : vector<16xf32> to vector<16xf32>
        %get3A_426 = arith.index_cast %multiple_of3A_419 : i32 to index
        %get3A_427 = tpu.vector_load %arg15[%get3A_426] {strides = array<i32>} : memref<2176xf32, #tpu.memory_space<vmem>>, vector<16xf32>,
        %get3A_428 = vector.shape_cast %get3A_427 : vector<16xf32> to vector<16xf32>
        %get3A_429 = arith.index_cast %multiple_of3A_419 : i32 to index
        %get3A_430 = tpu.vector_load %arg16[%get3A_429] {strides = array<i32>} : memref<2176xf32, #tpu.memory_space<vmem>>, vector<16xf32>,
        %get3A_431 = vector.shape_cast %get3A_430 : vector<16xf32> to vector<16xf32>
        %get3A_432 = arith.index_cast %multiple_of3A_419 : i32 to index
        %get3A_433 = tpu.vector_load %arg17[%get3A_432] {strides = array<i32>} : memref<2176xf32, #tpu.memory_space<vmem>>, vector<16xf32>,
        %get3A_434 = vector.shape_cast %get3A_433 : vector<16xf32> to vector<16xf32>
        %get3A_435 = arith.index_cast %multiple_of3A_419 : i32 to index
        %get3A_436 = tpu.vector_load %arg18[%get3A_435] {strides = array<i32>} : memref<2176xi32, #tpu.memory_space<vmem>>, vector<16xi32>,
        %get3A_437 = vector.shape_cast %get3A_436 : vector<16xi32> to vector<16xi32>
        %mul3A_438 = arith.constant 8 : i32
        %mul3A_439 = arith.muli %while3A_387, %mul3A_438 : i32
        %add3A_440 = arith.constant 2 : i32
        %add3A_441 = arith.addi %mul3A_439, %add3A_440 : i32
        %mul3A_442 = arith.constant 16 : i32
        %mul3A_443 = arith.muli %add3A_441, %mul3A_442 : i32
        %multiple_of3A_444 = tpu.assume_multiple %mul3A_443, 16 : i32
        %get3A_445 = arith.index_cast %multiple_of3A_444 : i32 to index
        %get3A_446 = tpu.vector_load %arg13[%get3A_445] {strides = array<i32>} : memref<2176xf32, #tpu.memory_space<vmem>>, vector<16xf32>,
        %get3A_447 = vector.shape_cast %get3A_446 : vector<16xf32> to vector<16xf32>
        %get3A_448 = arith.index_cast %multiple_of3A_444 : i32 to index
        %get3A_449 = tpu.vector_load %arg14[%get3A_448] {strides = array<i32>} : memref<2176xf32, #tpu.memory_space<vmem>>, vector<16xf32>,
        %get3A_450 = vector.shape_cast %get3A_449 : vector<16xf32> to vector<16xf32>
        %get3A_451 = arith.index_cast %multiple_of3A_444 : i32 to index
        %get3A_452 = tpu.vector_load %arg15[%get3A_451] {strides = array<i32>} : memref<2176xf32, #tpu.memory_space<vmem>>, vector<16xf32>,
        %get3A_453 = vector.shape_cast %get3A_452 : vector<16xf32> to vector<16xf32>
        %get3A_454 = arith.index_cast %multiple_of3A_444 : i32 to index
        %get3A_455 = tpu.vector_load %arg16[%get3A_454] {strides = array<i32>} : memref<2176xf32, #tpu.memory_space<vmem>>, vector<16xf32>,
        %get3A_456 = vector.shape_cast %get3A_455 : vector<16xf32> to vector<16xf32>
        %get3A_457 = arith.index_cast %multiple_of3A_444 : i32 to index
        %get3A_458 = tpu.vector_load %arg17[%get3A_457] {strides = array<i32>} : memref<2176xf32, #tpu.memory_space<vmem>>, vector<16xf32>,
        %get3A_459 = vector.shape_cast %get3A_458 : vector<16xf32> to vector<16xf32>
        %get3A_460 = arith.index_cast %multiple_of3A_444 : i32 to index
        %get3A_461 = tpu.vector_load %arg18[%get3A_460] {strides = array<i32>} : memref<2176xi32, #tpu.memory_space<vmem>>, vector<16xi32>,
        %get3A_462 = vector.shape_cast %get3A_461 : vector<16xi32> to vector<16xi32>
        %mul3A_463 = arith.constant 8 : i32
        %mul3A_464 = arith.muli %while3A_387, %mul3A_463 : i32
        %add3A_465 = arith.constant 3 : i32
        %add3A_466 = arith.addi %mul3A_464, %add3A_465 : i32
        %mul3A_467 = arith.constant 16 : i32
        %mul3A_468 = arith.muli %add3A_466, %mul3A_467 : i32
        %multiple_of3A_469 = tpu.assume_multiple %mul3A_468, 16 : i32
        %get3A_470 = arith.index_cast %multiple_of3A_469 : i32 to index
        %get3A_471 = tpu.vector_load %arg13[%get3A_470] {strides = array<i32>} : memref<2176xf32, #tpu.memory_space<vmem>>, vector<16xf32>,
        %get3A_472 = vector.shape_cast %get3A_471 : vector<16xf32> to vector<16xf32>
        %get3A_473 = arith.index_cast %multiple_of3A_469 : i32 to index
        %get3A_474 = tpu.vector_load %arg14[%get3A_473] {strides = array<i32>} : memref<2176xf32, #tpu.memory_space<vmem>>, vector<16xf32>,
        %get3A_475 = vector.shape_cast %get3A_474 : vector<16xf32> to vector<16xf32>
        %get3A_476 = arith.index_cast %multiple_of3A_469 : i32 to index
        %get3A_477 = tpu.vector_load %arg15[%get3A_476] {strides = array<i32>} : memref<2176xf32, #tpu.memory_space<vmem>>, vector<16xf32>,
        %get3A_478 = vector.shape_cast %get3A_477 : vector<16xf32> to vector<16xf32>
        %get3A_479 = arith.index_cast %multiple_of3A_469 : i32 to index
        %get3A_480 = tpu.vector_load %arg16[%get3A_479] {strides = array<i32>} : memref<2176xf32, #tpu.memory_space<vmem>>, vector<16xf32>,
        %get3A_481 = vector.shape_cast %get3A_480 : vector<16xf32> to vector<16xf32>
        %get3A_482 = arith.index_cast %multiple_of3A_469 : i32 to index
        %get3A_483 = tpu.vector_load %arg17[%get3A_482] {strides = array<i32>} : memref<2176xf32, #tpu.memory_space<vmem>>, vector<16xf32>,
        %get3A_484 = vector.shape_cast %get3A_483 : vector<16xf32> to vector<16xf32>
        %get3A_485 = arith.index_cast %multiple_of3A_469 : i32 to index
        %get3A_486 = tpu.vector_load %arg18[%get3A_485] {strides = array<i32>} : memref<2176xi32, #tpu.memory_space<vmem>>, vector<16xi32>,
        %get3A_487 = vector.shape_cast %get3A_486 : vector<16xi32> to vector<16xi32>
        %mul3A_488 = arith.constant 8 : i32
        %mul3A_489 = arith.muli %while3A_387, %mul3A_488 : i32
        %add3A_490 = arith.constant 4 : i32
        %add3A_491 = arith.addi %mul3A_489, %add3A_490 : i32
        %mul3A_492 = arith.constant 16 : i32
        %mul3A_493 = arith.muli %add3A_491, %mul3A_492 : i32
        %multiple_of3A_494 = tpu.assume_multiple %mul3A_493, 16 : i32
        %get3A_495 = arith.index_cast %multiple_of3A_494 : i32 to index
        %get3A_496 = tpu.vector_load %arg13[%get3A_495] {strides = array<i32>} : memref<2176xf32, #tpu.memory_space<vmem>>, vector<16xf32>,
        %get3A_497 = vector.shape_cast %get3A_496 : vector<16xf32> to vector<16xf32>
        %get3A_498 = arith.index_cast %multiple_of3A_494 : i32 to index
        %get3A_499 = tpu.vector_load %arg14[%get3A_498] {strides = array<i32>} : memref<2176xf32, #tpu.memory_space<vmem>>, vector<16xf32>,
        %get3A_500 = vector.shape_cast %get3A_499 : vector<16xf32> to vector<16xf32>
        %get3A_501 = arith.index_cast %multiple_of3A_494 : i32 to index
        %get3A_502 = tpu.vector_load %arg15[%get3A_501] {strides = array<i32>} : memref<2176xf32, #tpu.memory_space<vmem>>, vector<16xf32>,
        %get3A_503 = vector.shape_cast %get3A_502 : vector<16xf32> to vector<16xf32>
        %get3A_504 = arith.index_cast %multiple_of3A_494 : i32 to index
        %get3A_505 = tpu.vector_load %arg16[%get3A_504] {strides = array<i32>} : memref<2176xf32, #tpu.memory_space<vmem>>, vector<16xf32>,
        %get3A_506 = vector.shape_cast %get3A_505 : vector<16xf32> to vector<16xf32>
        %get3A_507 = arith.index_cast %multiple_of3A_494 : i32 to index
        %get3A_508 = tpu.vector_load %arg17[%get3A_507] {strides = array<i32>} : memref<2176xf32, #tpu.memory_space<vmem>>, vector<16xf32>,
        %get3A_509 = vector.shape_cast %get3A_508 : vector<16xf32> to vector<16xf32>
        %get3A_510 = arith.index_cast %multiple_of3A_494 : i32 to index
        %get3A_511 = tpu.vector_load %arg18[%get3A_510] {strides = array<i32>} : memref<2176xi32, #tpu.memory_space<vmem>>, vector<16xi32>,
        %get3A_512 = vector.shape_cast %get3A_511 : vector<16xi32> to vector<16xi32>
        %mul3A_513 = arith.constant 8 : i32
        %mul3A_514 = arith.muli %while3A_387, %mul3A_513 : i32
        %add3A_515 = arith.constant 5 : i32
        %add3A_516 = arith.addi %mul3A_514, %add3A_515 : i32
        %mul3A_517 = arith.constant 16 : i32
        %mul3A_518 = arith.muli %add3A_516, %mul3A_517 : i32
        %multiple_of3A_519 = tpu.assume_multiple %mul3A_518, 16 : i32
        %get3A_520 = arith.index_cast %multiple_of3A_519 : i32 to index
        %get3A_521 = tpu.vector_load %arg13[%get3A_520] {strides = array<i32>} : memref<2176xf32, #tpu.memory_space<vmem>>, vector<16xf32>,
        %get3A_522 = vector.shape_cast %get3A_521 : vector<16xf32> to vector<16xf32>
        %get3A_523 = arith.index_cast %multiple_of3A_519 : i32 to index
        %get3A_524 = tpu.vector_load %arg14[%get3A_523] {strides = array<i32>} : memref<2176xf32, #tpu.memory_space<vmem>>, vector<16xf32>,
        %get3A_525 = vector.shape_cast %get3A_524 : vector<16xf32> to vector<16xf32>
        %get3A_526 = arith.index_cast %multiple_of3A_519 : i32 to index
        %get3A_527 = tpu.vector_load %arg15[%get3A_526] {strides = array<i32>} : memref<2176xf32, #tpu.memory_space<vmem>>, vector<16xf32>,
        %get3A_528 = vector.shape_cast %get3A_527 : vector<16xf32> to vector<16xf32>
        %get3A_529 = arith.index_cast %multiple_of3A_519 : i32 to index
        %get3A_530 = tpu.vector_load %arg16[%get3A_529] {strides = array<i32>} : memref<2176xf32, #tpu.memory_space<vmem>>, vector<16xf32>,
        %get3A_531 = vector.shape_cast %get3A_530 : vector<16xf32> to vector<16xf32>
        %get3A_532 = arith.index_cast %multiple_of3A_519 : i32 to index
        %get3A_533 = tpu.vector_load %arg17[%get3A_532] {strides = array<i32>} : memref<2176xf32, #tpu.memory_space<vmem>>, vector<16xf32>,
        %get3A_534 = vector.shape_cast %get3A_533 : vector<16xf32> to vector<16xf32>
        %get3A_535 = arith.index_cast %multiple_of3A_519 : i32 to index
        %get3A_536 = tpu.vector_load %arg18[%get3A_535] {strides = array<i32>} : memref<2176xi32, #tpu.memory_space<vmem>>, vector<16xi32>,
        %get3A_537 = vector.shape_cast %get3A_536 : vector<16xi32> to vector<16xi32>
        %mul3A_538 = arith.constant 8 : i32
        %mul3A_539 = arith.muli %while3A_387, %mul3A_538 : i32
        %add3A_540 = arith.constant 6 : i32
        %add3A_541 = arith.addi %mul3A_539, %add3A_540 : i32
        %mul3A_542 = arith.constant 16 : i32
        %mul3A_543 = arith.muli %add3A_541, %mul3A_542 : i32
        %multiple_of3A_544 = tpu.assume_multiple %mul3A_543, 16 : i32
        %get3A_545 = arith.index_cast %multiple_of3A_544 : i32 to index
        %get3A_546 = tpu.vector_load %arg13[%get3A_545] {strides = array<i32>} : memref<2176xf32, #tpu.memory_space<vmem>>, vector<16xf32>,
        %get3A_547 = vector.shape_cast %get3A_546 : vector<16xf32> to vector<16xf32>
        %get3A_548 = arith.index_cast %multiple_of3A_544 : i32 to index
        %get3A_549 = tpu.vector_load %arg14[%get3A_548] {strides = array<i32>} : memref<2176xf32, #tpu.memory_space<vmem>>, vector<16xf32>,
        %get3A_550 = vector.shape_cast %get3A_549 : vector<16xf32> to vector<16xf32>
        %get3A_551 = arith.index_cast %multiple_of3A_544 : i32 to index
        %get3A_552 = tpu.vector_load %arg15[%get3A_551] {strides = array<i32>} : memref<2176xf32, #tpu.memory_space<vmem>>, vector<16xf32>,
        %get3A_553 = vector.shape_cast %get3A_552 : vector<16xf32> to vector<16xf32>
        %get3A_554 = arith.index_cast %multiple_of3A_544 : i32 to index
        %get3A_555 = tpu.vector_load %arg16[%get3A_554] {strides = array<i32>} : memref<2176xf32, #tpu.memory_space<vmem>>, vector<16xf32>,
        %get3A_556 = vector.shape_cast %get3A_555 : vector<16xf32> to vector<16xf32>
        %get3A_557 = arith.index_cast %multiple_of3A_544 : i32 to index
        %get3A_558 = tpu.vector_load %arg17[%get3A_557] {strides = array<i32>} : memref<2176xf32, #tpu.memory_space<vmem>>, vector<16xf32>,
        %get3A_559 = vector.shape_cast %get3A_558 : vector<16xf32> to vector<16xf32>
        %get3A_560 = arith.index_cast %multiple_of3A_544 : i32 to index
        %get3A_561 = tpu.vector_load %arg18[%get3A_560] {strides = array<i32>} : memref<2176xi32, #tpu.memory_space<vmem>>, vector<16xi32>,
        %get3A_562 = vector.shape_cast %get3A_561 : vector<16xi32> to vector<16xi32>
        %mul3A_563 = arith.constant 8 : i32
        %mul3A_564 = arith.muli %while3A_387, %mul3A_563 : i32
        %add3A_565 = arith.constant 7 : i32
        %add3A_566 = arith.addi %mul3A_564, %add3A_565 : i32
        %mul3A_567 = arith.constant 16 : i32
        %mul3A_568 = arith.muli %add3A_566, %mul3A_567 : i32
        %multiple_of3A_569 = tpu.assume_multiple %mul3A_568, 16 : i32
        %get3A_570 = arith.index_cast %multiple_of3A_569 : i32 to index
        %get3A_571 = tpu.vector_load %arg13[%get3A_570] {strides = array<i32>} : memref<2176xf32, #tpu.memory_space<vmem>>, vector<16xf32>,
        %get3A_572 = vector.shape_cast %get3A_571 : vector<16xf32> to vector<16xf32>
        %get3A_573 = arith.index_cast %multiple_of3A_569 : i32 to index
        %get3A_574 = tpu.vector_load %arg14[%get3A_573] {strides = array<i32>} : memref<2176xf32, #tpu.memory_space<vmem>>, vector<16xf32>,
        %get3A_575 = vector.shape_cast %get3A_574 : vector<16xf32> to vector<16xf32>
        %get3A_576 = arith.index_cast %multiple_of3A_569 : i32 to index
        %get3A_577 = tpu.vector_load %arg15[%get3A_576] {strides = array<i32>} : memref<2176xf32, #tpu.memory_space<vmem>>, vector<16xf32>,
        %get3A_578 = vector.shape_cast %get3A_577 : vector<16xf32> to vector<16xf32>
        %get3A_579 = arith.index_cast %multiple_of3A_569 : i32 to index
        %get3A_580 = tpu.vector_load %arg16[%get3A_579] {strides = array<i32>} : memref<2176xf32, #tpu.memory_space<vmem>>, vector<16xf32>,
        %get3A_581 = vector.shape_cast %get3A_580 : vector<16xf32> to vector<16xf32>
        %get3A_582 = arith.index_cast %multiple_of3A_569 : i32 to index
        %get3A_583 = tpu.vector_load %arg17[%get3A_582] {strides = array<i32>} : memref<2176xf32, #tpu.memory_space<vmem>>, vector<16xf32>,
        %get3A_584 = vector.shape_cast %get3A_583 : vector<16xf32> to vector<16xf32>
        %get3A_585 = arith.index_cast %multiple_of3A_569 : i32 to index
        %get3A_586 = tpu.vector_load %arg18[%get3A_585] {strides = array<i32>} : memref<2176xi32, #tpu.memory_space<vmem>>, vector<16xi32>,
        %get3A_587 = vector.shape_cast %get3A_586 : vector<16xi32> to vector<16xi32>
        %while3A_588 = arith.constant 0 : i32
        %while3A_589 = arith.constant 80 : i32
        %while3A_590 = arith.subi %while3A_589, %select_n3A : i32
        %while3A_591 = arith.addi %select_n3A, %while3A_590 : i32
        %while3A_592 = arith.constant 1 : i32
        %while3A_593 = arith.divsi %while3A_590, %while3A_592 : i32
        %while3A_594 = arith.muli %while3A_593, %while3A_592 : i32
        %while3A_595 = arith.addi %select_n3A, %while3A_594 : i32
        %while3A_596 = arith.constant 1 : i32
        scf.for %while3A_598 = %select_n3A to %while3A_595 step %while3A_596  : i32 {
          %mul3A_599 = arith.constant 16 : i32
          %mul3A_600 = arith.muli %while3A_598, %mul3A_599 : i32
          %add3A_601 = arith.addi %mul3A_600, %arg1 : i32
          %mul3A_602 = arith.constant 16 : i32
          %mul3A_603 = arith.muli %add3A_601, %mul3A_602 : i32
          %get3A_604 = arith.index_cast %mul3A_603 : i32 to index
          %get3A_605 = tpu.vector_load %arg7[%get3A_604] {strides = array<i32>} : memref<20496xf32, #tpu.memory_space<vmem>>, vector<16xf32>,
          %get3A_606 = vector.shape_cast %get3A_605 : vector<16xf32> to vector<16xf32>
          %get3A_607 = arith.index_cast %mul3A_603 : i32 to index
          %get3A_608 = tpu.vector_load %arg8[%get3A_607] {strides = array<i32>} : memref<20496xf32, #tpu.memory_space<vmem>>, vector<16xf32>,
          %get3A_609 = vector.shape_cast %get3A_608 : vector<16xf32> to vector<16xf32>
          %get3A_610 = arith.index_cast %mul3A_603 : i32 to index
          %get3A_611 = tpu.vector_load %arg9[%get3A_610] {strides = array<i32>} : memref<20496xf32, #tpu.memory_space<vmem>>, vector<16xf32>,
          %get3A_612 = vector.shape_cast %get3A_611 : vector<16xf32> to vector<16xf32>
          %get3A_613 = arith.index_cast %mul3A_603 : i32 to index
          %get3A_614 = tpu.vector_load %arg10[%get3A_613] {strides = array<i32>} : memref<20496xf32, #tpu.memory_space<vmem>>, vector<16xf32>,
          %get3A_615 = vector.shape_cast %get3A_614 : vector<16xf32> to vector<16xf32>
          %sub3A_616 = arith.subf %get3A_612, %get3A_606 : vector<16xf32>
          %sub3A_617 = arith.subf %get3A_615, %get3A_609 : vector<16xf32>
          %mul3A_618 = arith.mulf %sub3A_616, %sub3A_617 : vector<16xf32>
          %add3A_619 = vector.broadcast %mul3A_603 : i32 to vector<16xi32>
          %add3A_620 = arith.addi %iota3A, %add3A_619 : vector<16xi32>
          %min3A = arith.minimumf %get3A_403, %get3A_612 : vector<16xf32>
          %max3A = arith.maximumf %get3A_397, %get3A_606 : vector<16xf32>
          %sub3A_621 = arith.subf %min3A, %max3A : vector<16xf32>
          %max3A_622 = arith.constant 0.000000e+00 : f32
          %max3A_623 = vector.broadcast %max3A_622 : f32 to vector<16xf32>
          %max3A_624 = arith.maximumf %sub3A_621, %max3A_623 : vector<16xf32>
          %min3A_625 = arith.minimumf %get3A_406, %get3A_615 : vector<16xf32>
          %max3A_626 = arith.maximumf %get3A_400, %get3A_609 : vector<16xf32>
          %sub3A_627 = arith.subf %min3A_625, %max3A_626 : vector<16xf32>
          %max3A_628 = arith.constant 0.000000e+00 : f32
          %max3A_629 = vector.broadcast %max3A_628 : f32 to vector<16xf32>
          %max3A_630 = arith.maximumf %sub3A_627, %max3A_629 : vector<16xf32>
          %mul3A_631 = arith.mulf %max3A_624, %max3A_630 : vector<16xf32>
          %add3A_632 = arith.addf %get3A_409, %mul3A_618 : vector<16xf32>
          %sub3A_633 = arith.subf %add3A_632, %mul3A_631 : vector<16xf32>
          %div3A_634 = arith.divf %mul3A_631, %sub3A_633 : vector<16xf32>
          %gt3A = arith.constant 3.000000e-01 : f32
          %gt3A_635 = vector.broadcast %gt3A : f32 to vector<16xf32>
          %gt3A_636 = arith.cmpf ogt, %div3A_634, %gt3A_635 : vector<16xf32>
          %gt3A_637 = arith.cmpi sgt, %add3A_620, %get3A_412 : vector<16xi32>
          %and3A_638 = arith.andi %gt3A_636, %gt3A_637 : vector<16xi1>
          %jit3A_639 = arith.constant 1.000000e+00 : f32
          %jit3A_640 = arith.constant 0.000000e+00 : f32
          %broadcast_in_dim3A_641 = vector.broadcast %jit3A_639 : f32 to vector<16xf32>
          %broadcast_in_dim3A_642 = vector.broadcast %jit3A_640 : f32 to vector<16xf32>
          %select_n3A_643 = arith.select %and3A_638, %broadcast_in_dim3A_641, %broadcast_in_dim3A_642 : vector<16xi1>, vector<16xf32>
          %max3A_644 = arith.maximumf %broadcast_in_dim3A_2, %select_n3A_643 : vector<16xf32>
          %min3A_645 = arith.minimumf %get3A_428, %get3A_612 : vector<16xf32>
          %max3A_646 = arith.maximumf %get3A_422, %get3A_606 : vector<16xf32>
          %sub3A_647 = arith.subf %min3A_645, %max3A_646 : vector<16xf32>
          %max3A_648 = arith.constant 0.000000e+00 : f32
          %max3A_649 = vector.broadcast %max3A_648 : f32 to vector<16xf32>
          %max3A_650 = arith.maximumf %sub3A_647, %max3A_649 : vector<16xf32>
          %min3A_651 = arith.minimumf %get3A_431, %get3A_615 : vector<16xf32>
          %max3A_652 = arith.maximumf %get3A_425, %get3A_609 : vector<16xf32>
          %sub3A_653 = arith.subf %min3A_651, %max3A_652 : vector<16xf32>
          %max3A_654 = arith.constant 0.000000e+00 : f32
          %max3A_655 = vector.broadcast %max3A_654 : f32 to vector<16xf32>
          %max3A_656 = arith.maximumf %sub3A_653, %max3A_655 : vector<16xf32>
          %mul3A_657 = arith.mulf %max3A_650, %max3A_656 : vector<16xf32>
          %add3A_658 = arith.addf %get3A_434, %mul3A_618 : vector<16xf32>
          %sub3A_659 = arith.subf %add3A_658, %mul3A_657 : vector<16xf32>
          %div3A_660 = arith.divf %mul3A_657, %sub3A_659 : vector<16xf32>
          %gt3A_661 = arith.constant 3.000000e-01 : f32
          %gt3A_662 = vector.broadcast %gt3A_661 : f32 to vector<16xf32>
          %gt3A_663 = arith.cmpf ogt, %div3A_660, %gt3A_662 : vector<16xf32>
          %gt3A_664 = arith.cmpi sgt, %add3A_620, %get3A_437 : vector<16xi32>
          %and3A_665 = arith.andi %gt3A_663, %gt3A_664 : vector<16xi1>
          %jit3A_666 = arith.constant 1.000000e+00 : f32
          %jit3A_667 = arith.constant 0.000000e+00 : f32
          %broadcast_in_dim3A_668 = vector.broadcast %jit3A_666 : f32 to vector<16xf32>
          %broadcast_in_dim3A_669 = vector.broadcast %jit3A_667 : f32 to vector<16xf32>
          %select_n3A_670 = arith.select %and3A_665, %broadcast_in_dim3A_668, %broadcast_in_dim3A_669 : vector<16xi1>, vector<16xf32>
          %max3A_671 = arith.maximumf %max3A_644, %select_n3A_670 : vector<16xf32>
          %min3A_672 = arith.minimumf %get3A_453, %get3A_612 : vector<16xf32>
          %max3A_673 = arith.maximumf %get3A_447, %get3A_606 : vector<16xf32>
          %sub3A_674 = arith.subf %min3A_672, %max3A_673 : vector<16xf32>
          %max3A_675 = arith.constant 0.000000e+00 : f32
          %max3A_676 = vector.broadcast %max3A_675 : f32 to vector<16xf32>
          %max3A_677 = arith.maximumf %sub3A_674, %max3A_676 : vector<16xf32>
          %min3A_678 = arith.minimumf %get3A_456, %get3A_615 : vector<16xf32>
          %max3A_679 = arith.maximumf %get3A_450, %get3A_609 : vector<16xf32>
          %sub3A_680 = arith.subf %min3A_678, %max3A_679 : vector<16xf32>
          %max3A_681 = arith.constant 0.000000e+00 : f32
          %max3A_682 = vector.broadcast %max3A_681 : f32 to vector<16xf32>
          %max3A_683 = arith.maximumf %sub3A_680, %max3A_682 : vector<16xf32>
          %mul3A_684 = arith.mulf %max3A_677, %max3A_683 : vector<16xf32>
          %add3A_685 = arith.addf %get3A_459, %mul3A_618 : vector<16xf32>
          %sub3A_686 = arith.subf %add3A_685, %mul3A_684 : vector<16xf32>
          %div3A_687 = arith.divf %mul3A_684, %sub3A_686 : vector<16xf32>
          %gt3A_688 = arith.constant 3.000000e-01 : f32
          %gt3A_689 = vector.broadcast %gt3A_688 : f32 to vector<16xf32>
          %gt3A_690 = arith.cmpf ogt, %div3A_687, %gt3A_689 : vector<16xf32>
          %gt3A_691 = arith.cmpi sgt, %add3A_620, %get3A_462 : vector<16xi32>
          %and3A_692 = arith.andi %gt3A_690, %gt3A_691 : vector<16xi1>
          %jit3A_693 = arith.constant 1.000000e+00 : f32
          %jit3A_694 = arith.constant 0.000000e+00 : f32
          %broadcast_in_dim3A_695 = vector.broadcast %jit3A_693 : f32 to vector<16xf32>
          %broadcast_in_dim3A_696 = vector.broadcast %jit3A_694 : f32 to vector<16xf32>
          %select_n3A_697 = arith.select %and3A_692, %broadcast_in_dim3A_695, %broadcast_in_dim3A_696 : vector<16xi1>, vector<16xf32>
          %max3A_698 = arith.maximumf %max3A_671, %select_n3A_697 : vector<16xf32>
          %min3A_699 = arith.minimumf %get3A_478, %get3A_612 : vector<16xf32>
          %max3A_700 = arith.maximumf %get3A_472, %get3A_606 : vector<16xf32>
          %sub3A_701 = arith.subf %min3A_699, %max3A_700 : vector<16xf32>
          %max3A_702 = arith.constant 0.000000e+00 : f32
          %max3A_703 = vector.broadcast %max3A_702 : f32 to vector<16xf32>
          %max3A_704 = arith.maximumf %sub3A_701, %max3A_703 : vector<16xf32>
          %min3A_705 = arith.minimumf %get3A_481, %get3A_615 : vector<16xf32>
          %max3A_706 = arith.maximumf %get3A_475, %get3A_609 : vector<16xf32>
          %sub3A_707 = arith.subf %min3A_705, %max3A_706 : vector<16xf32>
          %max3A_708 = arith.constant 0.000000e+00 : f32
          %max3A_709 = vector.broadcast %max3A_708 : f32 to vector<16xf32>
          %max3A_710 = arith.maximumf %sub3A_707, %max3A_709 : vector<16xf32>
          %mul3A_711 = arith.mulf %max3A_704, %max3A_710 : vector<16xf32>
          %add3A_712 = arith.addf %get3A_484, %mul3A_618 : vector<16xf32>
          %sub3A_713 = arith.subf %add3A_712, %mul3A_711 : vector<16xf32>
          %div3A_714 = arith.divf %mul3A_711, %sub3A_713 : vector<16xf32>
          %gt3A_715 = arith.constant 3.000000e-01 : f32
          %gt3A_716 = vector.broadcast %gt3A_715 : f32 to vector<16xf32>
          %gt3A_717 = arith.cmpf ogt, %div3A_714, %gt3A_716 : vector<16xf32>
          %gt3A_718 = arith.cmpi sgt, %add3A_620, %get3A_487 : vector<16xi32>
          %and3A_719 = arith.andi %gt3A_717, %gt3A_718 : vector<16xi1>
          %jit3A_720 = arith.constant 1.000000e+00 : f32
          %jit3A_721 = arith.constant 0.000000e+00 : f32
          %broadcast_in_dim3A_722 = vector.broadcast %jit3A_720 : f32 to vector<16xf32>
          %broadcast_in_dim3A_723 = vector.broadcast %jit3A_721 : f32 to vector<16xf32>
          %select_n3A_724 = arith.select %and3A_719, %broadcast_in_dim3A_722, %broadcast_in_dim3A_723 : vector<16xi1>, vector<16xf32>
          %max3A_725 = arith.maximumf %max3A_698, %select_n3A_724 : vector<16xf32>
          %min3A_726 = arith.minimumf %get3A_503, %get3A_612 : vector<16xf32>
          %max3A_727 = arith.maximumf %get3A_497, %get3A_606 : vector<16xf32>
          %sub3A_728 = arith.subf %min3A_726, %max3A_727 : vector<16xf32>
          %max3A_729 = arith.constant 0.000000e+00 : f32
          %max3A_730 = vector.broadcast %max3A_729 : f32 to vector<16xf32>
          %max3A_731 = arith.maximumf %sub3A_728, %max3A_730 : vector<16xf32>
          %min3A_732 = arith.minimumf %get3A_506, %get3A_615 : vector<16xf32>
          %max3A_733 = arith.maximumf %get3A_500, %get3A_609 : vector<16xf32>
          %sub3A_734 = arith.subf %min3A_732, %max3A_733 : vector<16xf32>
          %max3A_735 = arith.constant 0.000000e+00 : f32
          %max3A_736 = vector.broadcast %max3A_735 : f32 to vector<16xf32>
          %max3A_737 = arith.maximumf %sub3A_734, %max3A_736 : vector<16xf32>
          %mul3A_738 = arith.mulf %max3A_731, %max3A_737 : vector<16xf32>
          %add3A_739 = arith.addf %get3A_509, %mul3A_618 : vector<16xf32>
          %sub3A_740 = arith.subf %add3A_739, %mul3A_738 : vector<16xf32>
          %div3A_741 = arith.divf %mul3A_738, %sub3A_740 : vector<16xf32>
          %gt3A_742 = arith.constant 3.000000e-01 : f32
          %gt3A_743 = vector.broadcast %gt3A_742 : f32 to vector<16xf32>
          %gt3A_744 = arith.cmpf ogt, %div3A_741, %gt3A_743 : vector<16xf32>
          %gt3A_745 = arith.cmpi sgt, %add3A_620, %get3A_512 : vector<16xi32>
          %and3A_746 = arith.andi %gt3A_744, %gt3A_745 : vector<16xi1>
          %jit3A_747 = arith.constant 1.000000e+00 : f32
          %jit3A_748 = arith.constant 0.000000e+00 : f32
          %broadcast_in_dim3A_749 = vector.broadcast %jit3A_747 : f32 to vector<16xf32>
          %broadcast_in_dim3A_750 = vector.broadcast %jit3A_748 : f32 to vector<16xf32>
          %select_n3A_751 = arith.select %and3A_746, %broadcast_in_dim3A_749, %broadcast_in_dim3A_750 : vector<16xi1>, vector<16xf32>
          %max3A_752 = arith.maximumf %max3A_725, %select_n3A_751 : vector<16xf32>
          %min3A_753 = arith.minimumf %get3A_528, %get3A_612 : vector<16xf32>
          %max3A_754 = arith.maximumf %get3A_522, %get3A_606 : vector<16xf32>
          %sub3A_755 = arith.subf %min3A_753, %max3A_754 : vector<16xf32>
          %max3A_756 = arith.constant 0.000000e+00 : f32
          %max3A_757 = vector.broadcast %max3A_756 : f32 to vector<16xf32>
          %max3A_758 = arith.maximumf %sub3A_755, %max3A_757 : vector<16xf32>
          %min3A_759 = arith.minimumf %get3A_531, %get3A_615 : vector<16xf32>
          %max3A_760 = arith.maximumf %get3A_525, %get3A_609 : vector<16xf32>
          %sub3A_761 = arith.subf %min3A_759, %max3A_760 : vector<16xf32>
          %max3A_762 = arith.constant 0.000000e+00 : f32
          %max3A_763 = vector.broadcast %max3A_762 : f32 to vector<16xf32>
          %max3A_764 = arith.maximumf %sub3A_761, %max3A_763 : vector<16xf32>
          %mul3A_765 = arith.mulf %max3A_758, %max3A_764 : vector<16xf32>
          %add3A_766 = arith.addf %get3A_534, %mul3A_618 : vector<16xf32>
          %sub3A_767 = arith.subf %add3A_766, %mul3A_765 : vector<16xf32>
          %div3A_768 = arith.divf %mul3A_765, %sub3A_767 : vector<16xf32>
          %gt3A_769 = arith.constant 3.000000e-01 : f32
          %gt3A_770 = vector.broadcast %gt3A_769 : f32 to vector<16xf32>
          %gt3A_771 = arith.cmpf ogt, %div3A_768, %gt3A_770 : vector<16xf32>
          %gt3A_772 = arith.cmpi sgt, %add3A_620, %get3A_537 : vector<16xi32>
          %and3A_773 = arith.andi %gt3A_771, %gt3A_772 : vector<16xi1>
          %jit3A_774 = arith.constant 1.000000e+00 : f32
          %jit3A_775 = arith.constant 0.000000e+00 : f32
          %broadcast_in_dim3A_776 = vector.broadcast %jit3A_774 : f32 to vector<16xf32>
          %broadcast_in_dim3A_777 = vector.broadcast %jit3A_775 : f32 to vector<16xf32>
          %select_n3A_778 = arith.select %and3A_773, %broadcast_in_dim3A_776, %broadcast_in_dim3A_777 : vector<16xi1>, vector<16xf32>
          %max3A_779 = arith.maximumf %max3A_752, %select_n3A_778 : vector<16xf32>
          %min3A_780 = arith.minimumf %get3A_553, %get3A_612 : vector<16xf32>
          %max3A_781 = arith.maximumf %get3A_547, %get3A_606 : vector<16xf32>
          %sub3A_782 = arith.subf %min3A_780, %max3A_781 : vector<16xf32>
          %max3A_783 = arith.constant 0.000000e+00 : f32
          %max3A_784 = vector.broadcast %max3A_783 : f32 to vector<16xf32>
          %max3A_785 = arith.maximumf %sub3A_782, %max3A_784 : vector<16xf32>
          %min3A_786 = arith.minimumf %get3A_556, %get3A_615 : vector<16xf32>
          %max3A_787 = arith.maximumf %get3A_550, %get3A_609 : vector<16xf32>
          %sub3A_788 = arith.subf %min3A_786, %max3A_787 : vector<16xf32>
          %max3A_789 = arith.constant 0.000000e+00 : f32
          %max3A_790 = vector.broadcast %max3A_789 : f32 to vector<16xf32>
          %max3A_791 = arith.maximumf %sub3A_788, %max3A_790 : vector<16xf32>
          %mul3A_792 = arith.mulf %max3A_785, %max3A_791 : vector<16xf32>
          %add3A_793 = arith.addf %get3A_559, %mul3A_618 : vector<16xf32>
          %sub3A_794 = arith.subf %add3A_793, %mul3A_792 : vector<16xf32>
          %div3A_795 = arith.divf %mul3A_792, %sub3A_794 : vector<16xf32>
          %gt3A_796 = arith.constant 3.000000e-01 : f32
          %gt3A_797 = vector.broadcast %gt3A_796 : f32 to vector<16xf32>
          %gt3A_798 = arith.cmpf ogt, %div3A_795, %gt3A_797 : vector<16xf32>
          %gt3A_799 = arith.cmpi sgt, %add3A_620, %get3A_562 : vector<16xi32>
          %and3A_800 = arith.andi %gt3A_798, %gt3A_799 : vector<16xi1>
          %jit3A_801 = arith.constant 1.000000e+00 : f32
          %jit3A_802 = arith.constant 0.000000e+00 : f32
          %broadcast_in_dim3A_803 = vector.broadcast %jit3A_801 : f32 to vector<16xf32>
          %broadcast_in_dim3A_804 = vector.broadcast %jit3A_802 : f32 to vector<16xf32>
          %select_n3A_805 = arith.select %and3A_800, %broadcast_in_dim3A_803, %broadcast_in_dim3A_804 : vector<16xi1>, vector<16xf32>
          %max3A_806 = arith.maximumf %max3A_779, %select_n3A_805 : vector<16xf32>
          %min3A_807 = arith.minimumf %get3A_578, %get3A_612 : vector<16xf32>
          %max3A_808 = arith.maximumf %get3A_572, %get3A_606 : vector<16xf32>
          %sub3A_809 = arith.subf %min3A_807, %max3A_808 : vector<16xf32>
          %max3A_810 = arith.constant 0.000000e+00 : f32
          %max3A_811 = vector.broadcast %max3A_810 : f32 to vector<16xf32>
          %max3A_812 = arith.maximumf %sub3A_809, %max3A_811 : vector<16xf32>
          %min3A_813 = arith.minimumf %get3A_581, %get3A_615 : vector<16xf32>
          %max3A_814 = arith.maximumf %get3A_575, %get3A_609 : vector<16xf32>
          %sub3A_815 = arith.subf %min3A_813, %max3A_814 : vector<16xf32>
          %max3A_816 = arith.constant 0.000000e+00 : f32
          %max3A_817 = vector.broadcast %max3A_816 : f32 to vector<16xf32>
          %max3A_818 = arith.maximumf %sub3A_815, %max3A_817 : vector<16xf32>
          %mul3A_819 = arith.mulf %max3A_812, %max3A_818 : vector<16xf32>
          %add3A_820 = arith.addf %get3A_584, %mul3A_618 : vector<16xf32>
          %sub3A_821 = arith.subf %add3A_820, %mul3A_819 : vector<16xf32>
          %div3A_822 = arith.divf %mul3A_819, %sub3A_821 : vector<16xf32>
          %gt3A_823 = arith.constant 3.000000e-01 : f32
          %gt3A_824 = vector.broadcast %gt3A_823 : f32 to vector<16xf32>
          %gt3A_825 = arith.cmpf ogt, %div3A_822, %gt3A_824 : vector<16xf32>
          %gt3A_826 = arith.cmpi sgt, %add3A_620, %get3A_587 : vector<16xi32>
          %and3A_827 = arith.andi %gt3A_825, %gt3A_826 : vector<16xi1>
          %jit3A_828 = arith.constant 1.000000e+00 : f32
          %jit3A_829 = arith.constant 0.000000e+00 : f32
          %broadcast_in_dim3A_830 = vector.broadcast %jit3A_828 : f32 to vector<16xf32>
          %broadcast_in_dim3A_831 = vector.broadcast %jit3A_829 : f32 to vector<16xf32>
          %select_n3A_832 = arith.select %and3A_827, %broadcast_in_dim3A_830, %broadcast_in_dim3A_831 : vector<16xi1>, vector<16xf32>
          %max3A_833 = arith.maximumf %max3A_806, %select_n3A_832 : vector<16xf32>
          %mul3A_834 = arith.constant 16 : i32
          %mul3A_835 = arith.muli %while3A_598, %mul3A_834 : i32
          %get3A_836 = arith.index_cast %mul3A_835 : i32 to index
          %get3A_837 = tpu.vector_load %arg11[%get3A_836] {strides = array<i32>} : memref<1280xf32, #tpu.memory_space<vmem>>, vector<16xf32>,
          %get3A_838 = vector.shape_cast %get3A_837 : vector<16xf32> to vector<16xf32>
          %gt3A_839 = arith.constant 0.000000e+00 : f32
          %gt3A_840 = vector.broadcast %gt3A_839 : f32 to vector<16xf32>
          %gt3A_841 = arith.cmpf ogt, %max3A_833, %gt3A_840 : vector<16xf32>
          %jit3A_842 = arith.constant 0.000000e+00 : f32
          %broadcast_in_dim3A_843 = vector.broadcast %jit3A_842 : f32 to vector<16xf32>
          %select_n3A_844 = arith.select %gt3A_841, %broadcast_in_dim3A_843, %get3A_838 : vector<16xi1>, vector<16xf32>
          %mul3A_845 = arith.constant 16 : i32
          %mul3A_846 = arith.muli %while3A_598, %mul3A_845 : i32
          %swap3A_847 = arith.index_cast %mul3A_846 : i32 to index
          %swap3A_848 = tpu.vector_load %arg11[%swap3A_847] {strides = array<i32>} : memref<1280xf32, #tpu.memory_space<vmem>>, vector<16xf32>,
          %swap3A_849 = vector.shape_cast %swap3A_848 : vector<16xf32> to vector<16xf32>
          %swap3A_850 = vector.shape_cast %select_n3A_844 : vector<16xf32> to vector<16xf32>
          tpu.vector_store %arg11[%swap3A_847], %swap3A_850 {strides = array<i32>} : memref<1280xf32, #tpu.memory_space<vmem>>, vector<16xf32>,
        }
        %while3A_597 = arith.constant 1 : i32
        scf.for %while3A_598 = %while3A_595 to %while3A_591 step %while3A_597  : i32 {
          %mul3A_599 = arith.constant 16 : i32
          %mul3A_600 = arith.muli %while3A_598, %mul3A_599 : i32
          %add3A_601 = arith.addi %mul3A_600, %arg1 : i32
          %mul3A_602 = arith.constant 16 : i32
          %mul3A_603 = arith.muli %add3A_601, %mul3A_602 : i32
          %get3A_604 = arith.index_cast %mul3A_603 : i32 to index
          %get3A_605 = tpu.vector_load %arg7[%get3A_604] {strides = array<i32>} : memref<20496xf32, #tpu.memory_space<vmem>>, vector<16xf32>,
          %get3A_606 = vector.shape_cast %get3A_605 : vector<16xf32> to vector<16xf32>
          %get3A_607 = arith.index_cast %mul3A_603 : i32 to index
          %get3A_608 = tpu.vector_load %arg8[%get3A_607] {strides = array<i32>} : memref<20496xf32, #tpu.memory_space<vmem>>, vector<16xf32>,
          %get3A_609 = vector.shape_cast %get3A_608 : vector<16xf32> to vector<16xf32>
          %get3A_610 = arith.index_cast %mul3A_603 : i32 to index
          %get3A_611 = tpu.vector_load %arg9[%get3A_610] {strides = array<i32>} : memref<20496xf32, #tpu.memory_space<vmem>>, vector<16xf32>,
          %get3A_612 = vector.shape_cast %get3A_611 : vector<16xf32> to vector<16xf32>
          %get3A_613 = arith.index_cast %mul3A_603 : i32 to index
          %get3A_614 = tpu.vector_load %arg10[%get3A_613] {strides = array<i32>} : memref<20496xf32, #tpu.memory_space<vmem>>, vector<16xf32>,
          %get3A_615 = vector.shape_cast %get3A_614 : vector<16xf32> to vector<16xf32>
          %sub3A_616 = arith.subf %get3A_612, %get3A_606 : vector<16xf32>
          %sub3A_617 = arith.subf %get3A_615, %get3A_609 : vector<16xf32>
          %mul3A_618 = arith.mulf %sub3A_616, %sub3A_617 : vector<16xf32>
          %add3A_619 = vector.broadcast %mul3A_603 : i32 to vector<16xi32>
          %add3A_620 = arith.addi %iota3A, %add3A_619 : vector<16xi32>
          %min3A = arith.minimumf %get3A_403, %get3A_612 : vector<16xf32>
          %max3A = arith.maximumf %get3A_397, %get3A_606 : vector<16xf32>
          %sub3A_621 = arith.subf %min3A, %max3A : vector<16xf32>
          %max3A_622 = arith.constant 0.000000e+00 : f32
          %max3A_623 = vector.broadcast %max3A_622 : f32 to vector<16xf32>
          %max3A_624 = arith.maximumf %sub3A_621, %max3A_623 : vector<16xf32>
          %min3A_625 = arith.minimumf %get3A_406, %get3A_615 : vector<16xf32>
          %max3A_626 = arith.maximumf %get3A_400, %get3A_609 : vector<16xf32>
          %sub3A_627 = arith.subf %min3A_625, %max3A_626 : vector<16xf32>
          %max3A_628 = arith.constant 0.000000e+00 : f32
          %max3A_629 = vector.broadcast %max3A_628 : f32 to vector<16xf32>
          %max3A_630 = arith.maximumf %sub3A_627, %max3A_629 : vector<16xf32>
          %mul3A_631 = arith.mulf %max3A_624, %max3A_630 : vector<16xf32>
          %add3A_632 = arith.addf %get3A_409, %mul3A_618 : vector<16xf32>
          %sub3A_633 = arith.subf %add3A_632, %mul3A_631 : vector<16xf32>
          %div3A_634 = arith.divf %mul3A_631, %sub3A_633 : vector<16xf32>
          %gt3A = arith.constant 3.000000e-01 : f32
          %gt3A_635 = vector.broadcast %gt3A : f32 to vector<16xf32>
          %gt3A_636 = arith.cmpf ogt, %div3A_634, %gt3A_635 : vector<16xf32>
          %gt3A_637 = arith.cmpi sgt, %add3A_620, %get3A_412 : vector<16xi32>
          %and3A_638 = arith.andi %gt3A_636, %gt3A_637 : vector<16xi1>
          %jit3A_639 = arith.constant 1.000000e+00 : f32
          %jit3A_640 = arith.constant 0.000000e+00 : f32
          %broadcast_in_dim3A_641 = vector.broadcast %jit3A_639 : f32 to vector<16xf32>
          %broadcast_in_dim3A_642 = vector.broadcast %jit3A_640 : f32 to vector<16xf32>
          %select_n3A_643 = arith.select %and3A_638, %broadcast_in_dim3A_641, %broadcast_in_dim3A_642 : vector<16xi1>, vector<16xf32>
          %max3A_644 = arith.maximumf %broadcast_in_dim3A_2, %select_n3A_643 : vector<16xf32>
          %min3A_645 = arith.minimumf %get3A_428, %get3A_612 : vector<16xf32>
          %max3A_646 = arith.maximumf %get3A_422, %get3A_606 : vector<16xf32>
          %sub3A_647 = arith.subf %min3A_645, %max3A_646 : vector<16xf32>
          %max3A_648 = arith.constant 0.000000e+00 : f32
          %max3A_649 = vector.broadcast %max3A_648 : f32 to vector<16xf32>
          %max3A_650 = arith.maximumf %sub3A_647, %max3A_649 : vector<16xf32>
          %min3A_651 = arith.minimumf %get3A_431, %get3A_615 : vector<16xf32>
          %max3A_652 = arith.maximumf %get3A_425, %get3A_609 : vector<16xf32>
          %sub3A_653 = arith.subf %min3A_651, %max3A_652 : vector<16xf32>
          %max3A_654 = arith.constant 0.000000e+00 : f32
          %max3A_655 = vector.broadcast %max3A_654 : f32 to vector<16xf32>
          %max3A_656 = arith.maximumf %sub3A_653, %max3A_655 : vector<16xf32>
          %mul3A_657 = arith.mulf %max3A_650, %max3A_656 : vector<16xf32>
          %add3A_658 = arith.addf %get3A_434, %mul3A_618 : vector<16xf32>
          %sub3A_659 = arith.subf %add3A_658, %mul3A_657 : vector<16xf32>
          %div3A_660 = arith.divf %mul3A_657, %sub3A_659 : vector<16xf32>
          %gt3A_661 = arith.constant 3.000000e-01 : f32
          %gt3A_662 = vector.broadcast %gt3A_661 : f32 to vector<16xf32>
          %gt3A_663 = arith.cmpf ogt, %div3A_660, %gt3A_662 : vector<16xf32>
          %gt3A_664 = arith.cmpi sgt, %add3A_620, %get3A_437 : vector<16xi32>
          %and3A_665 = arith.andi %gt3A_663, %gt3A_664 : vector<16xi1>
          %jit3A_666 = arith.constant 1.000000e+00 : f32
          %jit3A_667 = arith.constant 0.000000e+00 : f32
          %broadcast_in_dim3A_668 = vector.broadcast %jit3A_666 : f32 to vector<16xf32>
          %broadcast_in_dim3A_669 = vector.broadcast %jit3A_667 : f32 to vector<16xf32>
          %select_n3A_670 = arith.select %and3A_665, %broadcast_in_dim3A_668, %broadcast_in_dim3A_669 : vector<16xi1>, vector<16xf32>
          %max3A_671 = arith.maximumf %max3A_644, %select_n3A_670 : vector<16xf32>
          %min3A_672 = arith.minimumf %get3A_453, %get3A_612 : vector<16xf32>
          %max3A_673 = arith.maximumf %get3A_447, %get3A_606 : vector<16xf32>
          %sub3A_674 = arith.subf %min3A_672, %max3A_673 : vector<16xf32>
          %max3A_675 = arith.constant 0.000000e+00 : f32
          %max3A_676 = vector.broadcast %max3A_675 : f32 to vector<16xf32>
          %max3A_677 = arith.maximumf %sub3A_674, %max3A_676 : vector<16xf32>
          %min3A_678 = arith.minimumf %get3A_456, %get3A_615 : vector<16xf32>
          %max3A_679 = arith.maximumf %get3A_450, %get3A_609 : vector<16xf32>
          %sub3A_680 = arith.subf %min3A_678, %max3A_679 : vector<16xf32>
          %max3A_681 = arith.constant 0.000000e+00 : f32
          %max3A_682 = vector.broadcast %max3A_681 : f32 to vector<16xf32>
          %max3A_683 = arith.maximumf %sub3A_680, %max3A_682 : vector<16xf32>
          %mul3A_684 = arith.mulf %max3A_677, %max3A_683 : vector<16xf32>
          %add3A_685 = arith.addf %get3A_459, %mul3A_618 : vector<16xf32>
          %sub3A_686 = arith.subf %add3A_685, %mul3A_684 : vector<16xf32>
          %div3A_687 = arith.divf %mul3A_684, %sub3A_686 : vector<16xf32>
          %gt3A_688 = arith.constant 3.000000e-01 : f32
          %gt3A_689 = vector.broadcast %gt3A_688 : f32 to vector<16xf32>
          %gt3A_690 = arith.cmpf ogt, %div3A_687, %gt3A_689 : vector<16xf32>
          %gt3A_691 = arith.cmpi sgt, %add3A_620, %get3A_462 : vector<16xi32>
          %and3A_692 = arith.andi %gt3A_690, %gt3A_691 : vector<16xi1>
          %jit3A_693 = arith.constant 1.000000e+00 : f32
          %jit3A_694 = arith.constant 0.000000e+00 : f32
          %broadcast_in_dim3A_695 = vector.broadcast %jit3A_693 : f32 to vector<16xf32>
          %broadcast_in_dim3A_696 = vector.broadcast %jit3A_694 : f32 to vector<16xf32>
          %select_n3A_697 = arith.select %and3A_692, %broadcast_in_dim3A_695, %broadcast_in_dim3A_696 : vector<16xi1>, vector<16xf32>
          %max3A_698 = arith.maximumf %max3A_671, %select_n3A_697 : vector<16xf32>
          %min3A_699 = arith.minimumf %get3A_478, %get3A_612 : vector<16xf32>
          %max3A_700 = arith.maximumf %get3A_472, %get3A_606 : vector<16xf32>
          %sub3A_701 = arith.subf %min3A_699, %max3A_700 : vector<16xf32>
          %max3A_702 = arith.constant 0.000000e+00 : f32
          %max3A_703 = vector.broadcast %max3A_702 : f32 to vector<16xf32>
          %max3A_704 = arith.maximumf %sub3A_701, %max3A_703 : vector<16xf32>
          %min3A_705 = arith.minimumf %get3A_481, %get3A_615 : vector<16xf32>
          %max3A_706 = arith.maximumf %get3A_475, %get3A_609 : vector<16xf32>
          %sub3A_707 = arith.subf %min3A_705, %max3A_706 : vector<16xf32>
          %max3A_708 = arith.constant 0.000000e+00 : f32
          %max3A_709 = vector.broadcast %max3A_708 : f32 to vector<16xf32>
          %max3A_710 = arith.maximumf %sub3A_707, %max3A_709 : vector<16xf32>
          %mul3A_711 = arith.mulf %max3A_704, %max3A_710 : vector<16xf32>
          %add3A_712 = arith.addf %get3A_484, %mul3A_618 : vector<16xf32>
          %sub3A_713 = arith.subf %add3A_712, %mul3A_711 : vector<16xf32>
          %div3A_714 = arith.divf %mul3A_711, %sub3A_713 : vector<16xf32>
          %gt3A_715 = arith.constant 3.000000e-01 : f32
          %gt3A_716 = vector.broadcast %gt3A_715 : f32 to vector<16xf32>
          %gt3A_717 = arith.cmpf ogt, %div3A_714, %gt3A_716 : vector<16xf32>
          %gt3A_718 = arith.cmpi sgt, %add3A_620, %get3A_487 : vector<16xi32>
          %and3A_719 = arith.andi %gt3A_717, %gt3A_718 : vector<16xi1>
          %jit3A_720 = arith.constant 1.000000e+00 : f32
          %jit3A_721 = arith.constant 0.000000e+00 : f32
          %broadcast_in_dim3A_722 = vector.broadcast %jit3A_720 : f32 to vector<16xf32>
          %broadcast_in_dim3A_723 = vector.broadcast %jit3A_721 : f32 to vector<16xf32>
          %select_n3A_724 = arith.select %and3A_719, %broadcast_in_dim3A_722, %broadcast_in_dim3A_723 : vector<16xi1>, vector<16xf32>
          %max3A_725 = arith.maximumf %max3A_698, %select_n3A_724 : vector<16xf32>
          %min3A_726 = arith.minimumf %get3A_503, %get3A_612 : vector<16xf32>
          %max3A_727 = arith.maximumf %get3A_497, %get3A_606 : vector<16xf32>
          %sub3A_728 = arith.subf %min3A_726, %max3A_727 : vector<16xf32>
          %max3A_729 = arith.constant 0.000000e+00 : f32
          %max3A_730 = vector.broadcast %max3A_729 : f32 to vector<16xf32>
          %max3A_731 = arith.maximumf %sub3A_728, %max3A_730 : vector<16xf32>
          %min3A_732 = arith.minimumf %get3A_506, %get3A_615 : vector<16xf32>
          %max3A_733 = arith.maximumf %get3A_500, %get3A_609 : vector<16xf32>
          %sub3A_734 = arith.subf %min3A_732, %max3A_733 : vector<16xf32>
          %max3A_735 = arith.constant 0.000000e+00 : f32
          %max3A_736 = vector.broadcast %max3A_735 : f32 to vector<16xf32>
          %max3A_737 = arith.maximumf %sub3A_734, %max3A_736 : vector<16xf32>
          %mul3A_738 = arith.mulf %max3A_731, %max3A_737 : vector<16xf32>
          %add3A_739 = arith.addf %get3A_509, %mul3A_618 : vector<16xf32>
          %sub3A_740 = arith.subf %add3A_739, %mul3A_738 : vector<16xf32>
          %div3A_741 = arith.divf %mul3A_738, %sub3A_740 : vector<16xf32>
          %gt3A_742 = arith.constant 3.000000e-01 : f32
          %gt3A_743 = vector.broadcast %gt3A_742 : f32 to vector<16xf32>
          %gt3A_744 = arith.cmpf ogt, %div3A_741, %gt3A_743 : vector<16xf32>
          %gt3A_745 = arith.cmpi sgt, %add3A_620, %get3A_512 : vector<16xi32>
          %and3A_746 = arith.andi %gt3A_744, %gt3A_745 : vector<16xi1>
          %jit3A_747 = arith.constant 1.000000e+00 : f32
          %jit3A_748 = arith.constant 0.000000e+00 : f32
          %broadcast_in_dim3A_749 = vector.broadcast %jit3A_747 : f32 to vector<16xf32>
          %broadcast_in_dim3A_750 = vector.broadcast %jit3A_748 : f32 to vector<16xf32>
          %select_n3A_751 = arith.select %and3A_746, %broadcast_in_dim3A_749, %broadcast_in_dim3A_750 : vector<16xi1>, vector<16xf32>
          %max3A_752 = arith.maximumf %max3A_725, %select_n3A_751 : vector<16xf32>
          %min3A_753 = arith.minimumf %get3A_528, %get3A_612 : vector<16xf32>
          %max3A_754 = arith.maximumf %get3A_522, %get3A_606 : vector<16xf32>
          %sub3A_755 = arith.subf %min3A_753, %max3A_754 : vector<16xf32>
          %max3A_756 = arith.constant 0.000000e+00 : f32
          %max3A_757 = vector.broadcast %max3A_756 : f32 to vector<16xf32>
          %max3A_758 = arith.maximumf %sub3A_755, %max3A_757 : vector<16xf32>
          %min3A_759 = arith.minimumf %get3A_531, %get3A_615 : vector<16xf32>
          %max3A_760 = arith.maximumf %get3A_525, %get3A_609 : vector<16xf32>
          %sub3A_761 = arith.subf %min3A_759, %max3A_760 : vector<16xf32>
          %max3A_762 = arith.constant 0.000000e+00 : f32
          %max3A_763 = vector.broadcast %max3A_762 : f32 to vector<16xf32>
          %max3A_764 = arith.maximumf %sub3A_761, %max3A_763 : vector<16xf32>
          %mul3A_765 = arith.mulf %max3A_758, %max3A_764 : vector<16xf32>
          %add3A_766 = arith.addf %get3A_534, %mul3A_618 : vector<16xf32>
          %sub3A_767 = arith.subf %add3A_766, %mul3A_765 : vector<16xf32>
          %div3A_768 = arith.divf %mul3A_765, %sub3A_767 : vector<16xf32>
          %gt3A_769 = arith.constant 3.000000e-01 : f32
          %gt3A_770 = vector.broadcast %gt3A_769 : f32 to vector<16xf32>
          %gt3A_771 = arith.cmpf ogt, %div3A_768, %gt3A_770 : vector<16xf32>
          %gt3A_772 = arith.cmpi sgt, %add3A_620, %get3A_537 : vector<16xi32>
          %and3A_773 = arith.andi %gt3A_771, %gt3A_772 : vector<16xi1>
          %jit3A_774 = arith.constant 1.000000e+00 : f32
          %jit3A_775 = arith.constant 0.000000e+00 : f32
          %broadcast_in_dim3A_776 = vector.broadcast %jit3A_774 : f32 to vector<16xf32>
          %broadcast_in_dim3A_777 = vector.broadcast %jit3A_775 : f32 to vector<16xf32>
          %select_n3A_778 = arith.select %and3A_773, %broadcast_in_dim3A_776, %broadcast_in_dim3A_777 : vector<16xi1>, vector<16xf32>
          %max3A_779 = arith.maximumf %max3A_752, %select_n3A_778 : vector<16xf32>
          %min3A_780 = arith.minimumf %get3A_553, %get3A_612 : vector<16xf32>
          %max3A_781 = arith.maximumf %get3A_547, %get3A_606 : vector<16xf32>
          %sub3A_782 = arith.subf %min3A_780, %max3A_781 : vector<16xf32>
          %max3A_783 = arith.constant 0.000000e+00 : f32
          %max3A_784 = vector.broadcast %max3A_783 : f32 to vector<16xf32>
          %max3A_785 = arith.maximumf %sub3A_782, %max3A_784 : vector<16xf32>
          %min3A_786 = arith.minimumf %get3A_556, %get3A_615 : vector<16xf32>
          %max3A_787 = arith.maximumf %get3A_550, %get3A_609 : vector<16xf32>
          %sub3A_788 = arith.subf %min3A_786, %max3A_787 : vector<16xf32>
          %max3A_789 = arith.constant 0.000000e+00 : f32
          %max3A_790 = vector.broadcast %max3A_789 : f32 to vector<16xf32>
          %max3A_791 = arith.maximumf %sub3A_788, %max3A_790 : vector<16xf32>
          %mul3A_792 = arith.mulf %max3A_785, %max3A_791 : vector<16xf32>
          %add3A_793 = arith.addf %get3A_559, %mul3A_618 : vector<16xf32>
          %sub3A_794 = arith.subf %add3A_793, %mul3A_792 : vector<16xf32>
          %div3A_795 = arith.divf %mul3A_792, %sub3A_794 : vector<16xf32>
          %gt3A_796 = arith.constant 3.000000e-01 : f32
          %gt3A_797 = vector.broadcast %gt3A_796 : f32 to vector<16xf32>
          %gt3A_798 = arith.cmpf ogt, %div3A_795, %gt3A_797 : vector<16xf32>
          %gt3A_799 = arith.cmpi sgt, %add3A_620, %get3A_562 : vector<16xi32>
          %and3A_800 = arith.andi %gt3A_798, %gt3A_799 : vector<16xi1>
          %jit3A_801 = arith.constant 1.000000e+00 : f32
          %jit3A_802 = arith.constant 0.000000e+00 : f32
          %broadcast_in_dim3A_803 = vector.broadcast %jit3A_801 : f32 to vector<16xf32>
          %broadcast_in_dim3A_804 = vector.broadcast %jit3A_802 : f32 to vector<16xf32>
          %select_n3A_805 = arith.select %and3A_800, %broadcast_in_dim3A_803, %broadcast_in_dim3A_804 : vector<16xi1>, vector<16xf32>
          %max3A_806 = arith.maximumf %max3A_779, %select_n3A_805 : vector<16xf32>
          %min3A_807 = arith.minimumf %get3A_578, %get3A_612 : vector<16xf32>
          %max3A_808 = arith.maximumf %get3A_572, %get3A_606 : vector<16xf32>
          %sub3A_809 = arith.subf %min3A_807, %max3A_808 : vector<16xf32>
          %max3A_810 = arith.constant 0.000000e+00 : f32
          %max3A_811 = vector.broadcast %max3A_810 : f32 to vector<16xf32>
          %max3A_812 = arith.maximumf %sub3A_809, %max3A_811 : vector<16xf32>
          %min3A_813 = arith.minimumf %get3A_581, %get3A_615 : vector<16xf32>
          %max3A_814 = arith.maximumf %get3A_575, %get3A_609 : vector<16xf32>
          %sub3A_815 = arith.subf %min3A_813, %max3A_814 : vector<16xf32>
          %max3A_816 = arith.constant 0.000000e+00 : f32
          %max3A_817 = vector.broadcast %max3A_816 : f32 to vector<16xf32>
          %max3A_818 = arith.maximumf %sub3A_815, %max3A_817 : vector<16xf32>
          %mul3A_819 = arith.mulf %max3A_812, %max3A_818 : vector<16xf32>
          %add3A_820 = arith.addf %get3A_584, %mul3A_618 : vector<16xf32>
          %sub3A_821 = arith.subf %add3A_820, %mul3A_819 : vector<16xf32>
          %div3A_822 = arith.divf %mul3A_819, %sub3A_821 : vector<16xf32>
          %gt3A_823 = arith.constant 3.000000e-01 : f32
          %gt3A_824 = vector.broadcast %gt3A_823 : f32 to vector<16xf32>
          %gt3A_825 = arith.cmpf ogt, %div3A_822, %gt3A_824 : vector<16xf32>
          %gt3A_826 = arith.cmpi sgt, %add3A_620, %get3A_587 : vector<16xi32>
          %and3A_827 = arith.andi %gt3A_825, %gt3A_826 : vector<16xi1>
          %jit3A_828 = arith.constant 1.000000e+00 : f32
          %jit3A_829 = arith.constant 0.000000e+00 : f32
          %broadcast_in_dim3A_830 = vector.broadcast %jit3A_828 : f32 to vector<16xf32>
          %broadcast_in_dim3A_831 = vector.broadcast %jit3A_829 : f32 to vector<16xf32>
          %select_n3A_832 = arith.select %and3A_827, %broadcast_in_dim3A_830, %broadcast_in_dim3A_831 : vector<16xi1>, vector<16xf32>
          %max3A_833 = arith.maximumf %max3A_806, %select_n3A_832 : vector<16xf32>
          %mul3A_834 = arith.constant 16 : i32
          %mul3A_835 = arith.muli %while3A_598, %mul3A_834 : i32
          %get3A_836 = arith.index_cast %mul3A_835 : i32 to index
          %get3A_837 = tpu.vector_load %arg11[%get3A_836] {strides = array<i32>} : memref<1280xf32, #tpu.memory_space<vmem>>, vector<16xf32>,
          %get3A_838 = vector.shape_cast %get3A_837 : vector<16xf32> to vector<16xf32>
          %gt3A_839 = arith.constant 0.000000e+00 : f32
          %gt3A_840 = vector.broadcast %gt3A_839 : f32 to vector<16xf32>
          %gt3A_841 = arith.cmpf ogt, %max3A_833, %gt3A_840 : vector<16xf32>
          %jit3A_842 = arith.constant 0.000000e+00 : f32
          %broadcast_in_dim3A_843 = vector.broadcast %jit3A_842 : f32 to vector<16xf32>
          %select_n3A_844 = arith.select %gt3A_841, %broadcast_in_dim3A_843, %get3A_838 : vector<16xi1>, vector<16xf32>
          %mul3A_845 = arith.constant 16 : i32
          %mul3A_846 = arith.muli %while3A_598, %mul3A_845 : i32
          %swap3A_847 = arith.index_cast %mul3A_846 : i32 to index
          %swap3A_848 = tpu.vector_load %arg11[%swap3A_847] {strides = array<i32>} : memref<1280xf32, #tpu.memory_space<vmem>>, vector<16xf32>,
          %swap3A_849 = vector.shape_cast %swap3A_848 : vector<16xf32> to vector<16xf32>
          %swap3A_850 = vector.shape_cast %select_n3A_844 : vector<16xf32> to vector<16xf32>
          tpu.vector_store %arg11[%swap3A_847], %swap3A_850 {strides = array<i32>} : memref<1280xf32, #tpu.memory_space<vmem>>, vector<16xf32>,
        }
      }
      %while3A_385 = arith.constant 1 : i32
      scf.for %while3A_387 = %while3A_383 to %while3A_379 step %while3A_385  : i32 {
        %mul3A_388 = arith.constant 8 : i32
        %mul3A_389 = arith.muli %while3A_387, %mul3A_388 : i32
        %add3A_390 = arith.constant 0 : i32
        %add3A_391 = arith.addi %mul3A_389, %add3A_390 : i32
        %mul3A_392 = arith.constant 16 : i32
        %mul3A_393 = arith.muli %add3A_391, %mul3A_392 : i32
        %multiple_of3A_394 = tpu.assume_multiple %mul3A_393, 16 : i32
        %get3A_395 = arith.index_cast %multiple_of3A_394 : i32 to index
        %get3A_396 = tpu.vector_load %arg13[%get3A_395] {strides = array<i32>} : memref<2176xf32, #tpu.memory_space<vmem>>, vector<16xf32>,
        %get3A_397 = vector.shape_cast %get3A_396 : vector<16xf32> to vector<16xf32>
        %get3A_398 = arith.index_cast %multiple_of3A_394 : i32 to index
        %get3A_399 = tpu.vector_load %arg14[%get3A_398] {strides = array<i32>} : memref<2176xf32, #tpu.memory_space<vmem>>, vector<16xf32>,
        %get3A_400 = vector.shape_cast %get3A_399 : vector<16xf32> to vector<16xf32>
        %get3A_401 = arith.index_cast %multiple_of3A_394 : i32 to index
        %get3A_402 = tpu.vector_load %arg15[%get3A_401] {strides = array<i32>} : memref<2176xf32, #tpu.memory_space<vmem>>, vector<16xf32>,
        %get3A_403 = vector.shape_cast %get3A_402 : vector<16xf32> to vector<16xf32>
        %get3A_404 = arith.index_cast %multiple_of3A_394 : i32 to index
        %get3A_405 = tpu.vector_load %arg16[%get3A_404] {strides = array<i32>} : memref<2176xf32, #tpu.memory_space<vmem>>, vector<16xf32>,
        %get3A_406 = vector.shape_cast %get3A_405 : vector<16xf32> to vector<16xf32>
        %get3A_407 = arith.index_cast %multiple_of3A_394 : i32 to index
        %get3A_408 = tpu.vector_load %arg17[%get3A_407] {strides = array<i32>} : memref<2176xf32, #tpu.memory_space<vmem>>, vector<16xf32>,
        %get3A_409 = vector.shape_cast %get3A_408 : vector<16xf32> to vector<16xf32>
        %get3A_410 = arith.index_cast %multiple_of3A_394 : i32 to index
        %get3A_411 = tpu.vector_load %arg18[%get3A_410] {strides = array<i32>} : memref<2176xi32, #tpu.memory_space<vmem>>, vector<16xi32>,
        %get3A_412 = vector.shape_cast %get3A_411 : vector<16xi32> to vector<16xi32>
        %mul3A_413 = arith.constant 8 : i32
        %mul3A_414 = arith.muli %while3A_387, %mul3A_413 : i32
        %add3A_415 = arith.constant 1 : i32
        %add3A_416 = arith.addi %mul3A_414, %add3A_415 : i32
        %mul3A_417 = arith.constant 16 : i32
        %mul3A_418 = arith.muli %add3A_416, %mul3A_417 : i32
        %multiple_of3A_419 = tpu.assume_multiple %mul3A_418, 16 : i32
        %get3A_420 = arith.index_cast %multiple_of3A_419 : i32 to index
        %get3A_421 = tpu.vector_load %arg13[%get3A_420] {strides = array<i32>} : memref<2176xf32, #tpu.memory_space<vmem>>, vector<16xf32>,
        %get3A_422 = vector.shape_cast %get3A_421 : vector<16xf32> to vector<16xf32>
        %get3A_423 = arith.index_cast %multiple_of3A_419 : i32 to index
        %get3A_424 = tpu.vector_load %arg14[%get3A_423] {strides = array<i32>} : memref<2176xf32, #tpu.memory_space<vmem>>, vector<16xf32>,
        %get3A_425 = vector.shape_cast %get3A_424 : vector<16xf32> to vector<16xf32>
        %get3A_426 = arith.index_cast %multiple_of3A_419 : i32 to index
        %get3A_427 = tpu.vector_load %arg15[%get3A_426] {strides = array<i32>} : memref<2176xf32, #tpu.memory_space<vmem>>, vector<16xf32>,
        %get3A_428 = vector.shape_cast %get3A_427 : vector<16xf32> to vector<16xf32>
        %get3A_429 = arith.index_cast %multiple_of3A_419 : i32 to index
        %get3A_430 = tpu.vector_load %arg16[%get3A_429] {strides = array<i32>} : memref<2176xf32, #tpu.memory_space<vmem>>, vector<16xf32>,
        %get3A_431 = vector.shape_cast %get3A_430 : vector<16xf32> to vector<16xf32>
        %get3A_432 = arith.index_cast %multiple_of3A_419 : i32 to index
        %get3A_433 = tpu.vector_load %arg17[%get3A_432] {strides = array<i32>} : memref<2176xf32, #tpu.memory_space<vmem>>, vector<16xf32>,
        %get3A_434 = vector.shape_cast %get3A_433 : vector<16xf32> to vector<16xf32>
        %get3A_435 = arith.index_cast %multiple_of3A_419 : i32 to index
        %get3A_436 = tpu.vector_load %arg18[%get3A_435] {strides = array<i32>} : memref<2176xi32, #tpu.memory_space<vmem>>, vector<16xi32>,
        %get3A_437 = vector.shape_cast %get3A_436 : vector<16xi32> to vector<16xi32>
        %mul3A_438 = arith.constant 8 : i32
        %mul3A_439 = arith.muli %while3A_387, %mul3A_438 : i32
        %add3A_440 = arith.constant 2 : i32
        %add3A_441 = arith.addi %mul3A_439, %add3A_440 : i32
        %mul3A_442 = arith.constant 16 : i32
        %mul3A_443 = arith.muli %add3A_441, %mul3A_442 : i32
        %multiple_of3A_444 = tpu.assume_multiple %mul3A_443, 16 : i32
        %get3A_445 = arith.index_cast %multiple_of3A_444 : i32 to index
        %get3A_446 = tpu.vector_load %arg13[%get3A_445] {strides = array<i32>} : memref<2176xf32, #tpu.memory_space<vmem>>, vector<16xf32>,
        %get3A_447 = vector.shape_cast %get3A_446 : vector<16xf32> to vector<16xf32>
        %get3A_448 = arith.index_cast %multiple_of3A_444 : i32 to index
        %get3A_449 = tpu.vector_load %arg14[%get3A_448] {strides = array<i32>} : memref<2176xf32, #tpu.memory_space<vmem>>, vector<16xf32>,
        %get3A_450 = vector.shape_cast %get3A_449 : vector<16xf32> to vector<16xf32>
        %get3A_451 = arith.index_cast %multiple_of3A_444 : i32 to index
        %get3A_452 = tpu.vector_load %arg15[%get3A_451] {strides = array<i32>} : memref<2176xf32, #tpu.memory_space<vmem>>, vector<16xf32>,
        %get3A_453 = vector.shape_cast %get3A_452 : vector<16xf32> to vector<16xf32>
        %get3A_454 = arith.index_cast %multiple_of3A_444 : i32 to index
        %get3A_455 = tpu.vector_load %arg16[%get3A_454] {strides = array<i32>} : memref<2176xf32, #tpu.memory_space<vmem>>, vector<16xf32>,
        %get3A_456 = vector.shape_cast %get3A_455 : vector<16xf32> to vector<16xf32>
        %get3A_457 = arith.index_cast %multiple_of3A_444 : i32 to index
        %get3A_458 = tpu.vector_load %arg17[%get3A_457] {strides = array<i32>} : memref<2176xf32, #tpu.memory_space<vmem>>, vector<16xf32>,
        %get3A_459 = vector.shape_cast %get3A_458 : vector<16xf32> to vector<16xf32>
        %get3A_460 = arith.index_cast %multiple_of3A_444 : i32 to index
        %get3A_461 = tpu.vector_load %arg18[%get3A_460] {strides = array<i32>} : memref<2176xi32, #tpu.memory_space<vmem>>, vector<16xi32>,
        %get3A_462 = vector.shape_cast %get3A_461 : vector<16xi32> to vector<16xi32>
        %mul3A_463 = arith.constant 8 : i32
        %mul3A_464 = arith.muli %while3A_387, %mul3A_463 : i32
        %add3A_465 = arith.constant 3 : i32
        %add3A_466 = arith.addi %mul3A_464, %add3A_465 : i32
        %mul3A_467 = arith.constant 16 : i32
        %mul3A_468 = arith.muli %add3A_466, %mul3A_467 : i32
        %multiple_of3A_469 = tpu.assume_multiple %mul3A_468, 16 : i32
        %get3A_470 = arith.index_cast %multiple_of3A_469 : i32 to index
        %get3A_471 = tpu.vector_load %arg13[%get3A_470] {strides = array<i32>} : memref<2176xf32, #tpu.memory_space<vmem>>, vector<16xf32>,
        %get3A_472 = vector.shape_cast %get3A_471 : vector<16xf32> to vector<16xf32>
        %get3A_473 = arith.index_cast %multiple_of3A_469 : i32 to index
        %get3A_474 = tpu.vector_load %arg14[%get3A_473] {strides = array<i32>} : memref<2176xf32, #tpu.memory_space<vmem>>, vector<16xf32>,
        %get3A_475 = vector.shape_cast %get3A_474 : vector<16xf32> to vector<16xf32>
        %get3A_476 = arith.index_cast %multiple_of3A_469 : i32 to index
        %get3A_477 = tpu.vector_load %arg15[%get3A_476] {strides = array<i32>} : memref<2176xf32, #tpu.memory_space<vmem>>, vector<16xf32>,
        %get3A_478 = vector.shape_cast %get3A_477 : vector<16xf32> to vector<16xf32>
        %get3A_479 = arith.index_cast %multiple_of3A_469 : i32 to index
        %get3A_480 = tpu.vector_load %arg16[%get3A_479] {strides = array<i32>} : memref<2176xf32, #tpu.memory_space<vmem>>, vector<16xf32>,
        %get3A_481 = vector.shape_cast %get3A_480 : vector<16xf32> to vector<16xf32>
        %get3A_482 = arith.index_cast %multiple_of3A_469 : i32 to index
        %get3A_483 = tpu.vector_load %arg17[%get3A_482] {strides = array<i32>} : memref<2176xf32, #tpu.memory_space<vmem>>, vector<16xf32>,
        %get3A_484 = vector.shape_cast %get3A_483 : vector<16xf32> to vector<16xf32>
        %get3A_485 = arith.index_cast %multiple_of3A_469 : i32 to index
        %get3A_486 = tpu.vector_load %arg18[%get3A_485] {strides = array<i32>} : memref<2176xi32, #tpu.memory_space<vmem>>, vector<16xi32>,
        %get3A_487 = vector.shape_cast %get3A_486 : vector<16xi32> to vector<16xi32>
        %mul3A_488 = arith.constant 8 : i32
        %mul3A_489 = arith.muli %while3A_387, %mul3A_488 : i32
        %add3A_490 = arith.constant 4 : i32
        %add3A_491 = arith.addi %mul3A_489, %add3A_490 : i32
        %mul3A_492 = arith.constant 16 : i32
        %mul3A_493 = arith.muli %add3A_491, %mul3A_492 : i32
        %multiple_of3A_494 = tpu.assume_multiple %mul3A_493, 16 : i32
        %get3A_495 = arith.index_cast %multiple_of3A_494 : i32 to index
        %get3A_496 = tpu.vector_load %arg13[%get3A_495] {strides = array<i32>} : memref<2176xf32, #tpu.memory_space<vmem>>, vector<16xf32>,
        %get3A_497 = vector.shape_cast %get3A_496 : vector<16xf32> to vector<16xf32>
        %get3A_498 = arith.index_cast %multiple_of3A_494 : i32 to index
        %get3A_499 = tpu.vector_load %arg14[%get3A_498] {strides = array<i32>} : memref<2176xf32, #tpu.memory_space<vmem>>, vector<16xf32>,
        %get3A_500 = vector.shape_cast %get3A_499 : vector<16xf32> to vector<16xf32>
        %get3A_501 = arith.index_cast %multiple_of3A_494 : i32 to index
        %get3A_502 = tpu.vector_load %arg15[%get3A_501] {strides = array<i32>} : memref<2176xf32, #tpu.memory_space<vmem>>, vector<16xf32>,
        %get3A_503 = vector.shape_cast %get3A_502 : vector<16xf32> to vector<16xf32>
        %get3A_504 = arith.index_cast %multiple_of3A_494 : i32 to index
        %get3A_505 = tpu.vector_load %arg16[%get3A_504] {strides = array<i32>} : memref<2176xf32, #tpu.memory_space<vmem>>, vector<16xf32>,
        %get3A_506 = vector.shape_cast %get3A_505 : vector<16xf32> to vector<16xf32>
        %get3A_507 = arith.index_cast %multiple_of3A_494 : i32 to index
        %get3A_508 = tpu.vector_load %arg17[%get3A_507] {strides = array<i32>} : memref<2176xf32, #tpu.memory_space<vmem>>, vector<16xf32>,
        %get3A_509 = vector.shape_cast %get3A_508 : vector<16xf32> to vector<16xf32>
        %get3A_510 = arith.index_cast %multiple_of3A_494 : i32 to index
        %get3A_511 = tpu.vector_load %arg18[%get3A_510] {strides = array<i32>} : memref<2176xi32, #tpu.memory_space<vmem>>, vector<16xi32>,
        %get3A_512 = vector.shape_cast %get3A_511 : vector<16xi32> to vector<16xi32>
        %mul3A_513 = arith.constant 8 : i32
        %mul3A_514 = arith.muli %while3A_387, %mul3A_513 : i32
        %add3A_515 = arith.constant 5 : i32
        %add3A_516 = arith.addi %mul3A_514, %add3A_515 : i32
        %mul3A_517 = arith.constant 16 : i32
        %mul3A_518 = arith.muli %add3A_516, %mul3A_517 : i32
        %multiple_of3A_519 = tpu.assume_multiple %mul3A_518, 16 : i32
        %get3A_520 = arith.index_cast %multiple_of3A_519 : i32 to index
        %get3A_521 = tpu.vector_load %arg13[%get3A_520] {strides = array<i32>} : memref<2176xf32, #tpu.memory_space<vmem>>, vector<16xf32>,
        %get3A_522 = vector.shape_cast %get3A_521 : vector<16xf32> to vector<16xf32>
        %get3A_523 = arith.index_cast %multiple_of3A_519 : i32 to index
        %get3A_524 = tpu.vector_load %arg14[%get3A_523] {strides = array<i32>} : memref<2176xf32, #tpu.memory_space<vmem>>, vector<16xf32>,
        %get3A_525 = vector.shape_cast %get3A_524 : vector<16xf32> to vector<16xf32>
        %get3A_526 = arith.index_cast %multiple_of3A_519 : i32 to index
        %get3A_527 = tpu.vector_load %arg15[%get3A_526] {strides = array<i32>} : memref<2176xf32, #tpu.memory_space<vmem>>, vector<16xf32>,
        %get3A_528 = vector.shape_cast %get3A_527 : vector<16xf32> to vector<16xf32>
        %get3A_529 = arith.index_cast %multiple_of3A_519 : i32 to index
        %get3A_530 = tpu.vector_load %arg16[%get3A_529] {strides = array<i32>} : memref<2176xf32, #tpu.memory_space<vmem>>, vector<16xf32>,
        %get3A_531 = vector.shape_cast %get3A_530 : vector<16xf32> to vector<16xf32>
        %get3A_532 = arith.index_cast %multiple_of3A_519 : i32 to index
        %get3A_533 = tpu.vector_load %arg17[%get3A_532] {strides = array<i32>} : memref<2176xf32, #tpu.memory_space<vmem>>, vector<16xf32>,
        %get3A_534 = vector.shape_cast %get3A_533 : vector<16xf32> to vector<16xf32>
        %get3A_535 = arith.index_cast %multiple_of3A_519 : i32 to index
        %get3A_536 = tpu.vector_load %arg18[%get3A_535] {strides = array<i32>} : memref<2176xi32, #tpu.memory_space<vmem>>, vector<16xi32>,
        %get3A_537 = vector.shape_cast %get3A_536 : vector<16xi32> to vector<16xi32>
        %mul3A_538 = arith.constant 8 : i32
        %mul3A_539 = arith.muli %while3A_387, %mul3A_538 : i32
        %add3A_540 = arith.constant 6 : i32
        %add3A_541 = arith.addi %mul3A_539, %add3A_540 : i32
        %mul3A_542 = arith.constant 16 : i32
        %mul3A_543 = arith.muli %add3A_541, %mul3A_542 : i32
        %multiple_of3A_544 = tpu.assume_multiple %mul3A_543, 16 : i32
        %get3A_545 = arith.index_cast %multiple_of3A_544 : i32 to index
        %get3A_546 = tpu.vector_load %arg13[%get3A_545] {strides = array<i32>} : memref<2176xf32, #tpu.memory_space<vmem>>, vector<16xf32>,
        %get3A_547 = vector.shape_cast %get3A_546 : vector<16xf32> to vector<16xf32>
        %get3A_548 = arith.index_cast %multiple_of3A_544 : i32 to index
        %get3A_549 = tpu.vector_load %arg14[%get3A_548] {strides = array<i32>} : memref<2176xf32, #tpu.memory_space<vmem>>, vector<16xf32>,
        %get3A_550 = vector.shape_cast %get3A_549 : vector<16xf32> to vector<16xf32>
        %get3A_551 = arith.index_cast %multiple_of3A_544 : i32 to index
        %get3A_552 = tpu.vector_load %arg15[%get3A_551] {strides = array<i32>} : memref<2176xf32, #tpu.memory_space<vmem>>, vector<16xf32>,
        %get3A_553 = vector.shape_cast %get3A_552 : vector<16xf32> to vector<16xf32>
        %get3A_554 = arith.index_cast %multiple_of3A_544 : i32 to index
        %get3A_555 = tpu.vector_load %arg16[%get3A_554] {strides = array<i32>} : memref<2176xf32, #tpu.memory_space<vmem>>, vector<16xf32>,
        %get3A_556 = vector.shape_cast %get3A_555 : vector<16xf32> to vector<16xf32>
        %get3A_557 = arith.index_cast %multiple_of3A_544 : i32 to index
        %get3A_558 = tpu.vector_load %arg17[%get3A_557] {strides = array<i32>} : memref<2176xf32, #tpu.memory_space<vmem>>, vector<16xf32>,
        %get3A_559 = vector.shape_cast %get3A_558 : vector<16xf32> to vector<16xf32>
        %get3A_560 = arith.index_cast %multiple_of3A_544 : i32 to index
        %get3A_561 = tpu.vector_load %arg18[%get3A_560] {strides = array<i32>} : memref<2176xi32, #tpu.memory_space<vmem>>, vector<16xi32>,
        %get3A_562 = vector.shape_cast %get3A_561 : vector<16xi32> to vector<16xi32>
        %mul3A_563 = arith.constant 8 : i32
        %mul3A_564 = arith.muli %while3A_387, %mul3A_563 : i32
        %add3A_565 = arith.constant 7 : i32
        %add3A_566 = arith.addi %mul3A_564, %add3A_565 : i32
        %mul3A_567 = arith.constant 16 : i32
        %mul3A_568 = arith.muli %add3A_566, %mul3A_567 : i32
        %multiple_of3A_569 = tpu.assume_multiple %mul3A_568, 16 : i32
        %get3A_570 = arith.index_cast %multiple_of3A_569 : i32 to index
        %get3A_571 = tpu.vector_load %arg13[%get3A_570] {strides = array<i32>} : memref<2176xf32, #tpu.memory_space<vmem>>, vector<16xf32>,
        %get3A_572 = vector.shape_cast %get3A_571 : vector<16xf32> to vector<16xf32>
        %get3A_573 = arith.index_cast %multiple_of3A_569 : i32 to index
        %get3A_574 = tpu.vector_load %arg14[%get3A_573] {strides = array<i32>} : memref<2176xf32, #tpu.memory_space<vmem>>, vector<16xf32>,
        %get3A_575 = vector.shape_cast %get3A_574 : vector<16xf32> to vector<16xf32>
        %get3A_576 = arith.index_cast %multiple_of3A_569 : i32 to index
        %get3A_577 = tpu.vector_load %arg15[%get3A_576] {strides = array<i32>} : memref<2176xf32, #tpu.memory_space<vmem>>, vector<16xf32>,
        %get3A_578 = vector.shape_cast %get3A_577 : vector<16xf32> to vector<16xf32>
        %get3A_579 = arith.index_cast %multiple_of3A_569 : i32 to index
        %get3A_580 = tpu.vector_load %arg16[%get3A_579] {strides = array<i32>} : memref<2176xf32, #tpu.memory_space<vmem>>, vector<16xf32>,
        %get3A_581 = vector.shape_cast %get3A_580 : vector<16xf32> to vector<16xf32>
        %get3A_582 = arith.index_cast %multiple_of3A_569 : i32 to index
        %get3A_583 = tpu.vector_load %arg17[%get3A_582] {strides = array<i32>} : memref<2176xf32, #tpu.memory_space<vmem>>, vector<16xf32>,
        %get3A_584 = vector.shape_cast %get3A_583 : vector<16xf32> to vector<16xf32>
        %get3A_585 = arith.index_cast %multiple_of3A_569 : i32 to index
        %get3A_586 = tpu.vector_load %arg18[%get3A_585] {strides = array<i32>} : memref<2176xi32, #tpu.memory_space<vmem>>, vector<16xi32>,
        %get3A_587 = vector.shape_cast %get3A_586 : vector<16xi32> to vector<16xi32>
        %while3A_588 = arith.constant 0 : i32
        %while3A_589 = arith.constant 80 : i32
        %while3A_590 = arith.subi %while3A_589, %select_n3A : i32
        %while3A_591 = arith.addi %select_n3A, %while3A_590 : i32
        %while3A_592 = arith.constant 1 : i32
        %while3A_593 = arith.divsi %while3A_590, %while3A_592 : i32
        %while3A_594 = arith.muli %while3A_593, %while3A_592 : i32
        %while3A_595 = arith.addi %select_n3A, %while3A_594 : i32
        %while3A_596 = arith.constant 1 : i32
        scf.for %while3A_598 = %select_n3A to %while3A_595 step %while3A_596  : i32 {
          %mul3A_599 = arith.constant 16 : i32
          %mul3A_600 = arith.muli %while3A_598, %mul3A_599 : i32
          %add3A_601 = arith.addi %mul3A_600, %arg1 : i32
          %mul3A_602 = arith.constant 16 : i32
          %mul3A_603 = arith.muli %add3A_601, %mul3A_602 : i32
          %get3A_604 = arith.index_cast %mul3A_603 : i32 to index
          %get3A_605 = tpu.vector_load %arg7[%get3A_604] {strides = array<i32>} : memref<20496xf32, #tpu.memory_space<vmem>>, vector<16xf32>,
          %get3A_606 = vector.shape_cast %get3A_605 : vector<16xf32> to vector<16xf32>
          %get3A_607 = arith.index_cast %mul3A_603 : i32 to index
          %get3A_608 = tpu.vector_load %arg8[%get3A_607] {strides = array<i32>} : memref<20496xf32, #tpu.memory_space<vmem>>, vector<16xf32>,
          %get3A_609 = vector.shape_cast %get3A_608 : vector<16xf32> to vector<16xf32>
          %get3A_610 = arith.index_cast %mul3A_603 : i32 to index
          %get3A_611 = tpu.vector_load %arg9[%get3A_610] {strides = array<i32>} : memref<20496xf32, #tpu.memory_space<vmem>>, vector<16xf32>,
          %get3A_612 = vector.shape_cast %get3A_611 : vector<16xf32> to vector<16xf32>
          %get3A_613 = arith.index_cast %mul3A_603 : i32 to index
          %get3A_614 = tpu.vector_load %arg10[%get3A_613] {strides = array<i32>} : memref<20496xf32, #tpu.memory_space<vmem>>, vector<16xf32>,
          %get3A_615 = vector.shape_cast %get3A_614 : vector<16xf32> to vector<16xf32>
          %sub3A_616 = arith.subf %get3A_612, %get3A_606 : vector<16xf32>
          %sub3A_617 = arith.subf %get3A_615, %get3A_609 : vector<16xf32>
          %mul3A_618 = arith.mulf %sub3A_616, %sub3A_617 : vector<16xf32>
          %add3A_619 = vector.broadcast %mul3A_603 : i32 to vector<16xi32>
          %add3A_620 = arith.addi %iota3A, %add3A_619 : vector<16xi32>
          %min3A = arith.minimumf %get3A_403, %get3A_612 : vector<16xf32>
          %max3A = arith.maximumf %get3A_397, %get3A_606 : vector<16xf32>
          %sub3A_621 = arith.subf %min3A, %max3A : vector<16xf32>
          %max3A_622 = arith.constant 0.000000e+00 : f32
          %max3A_623 = vector.broadcast %max3A_622 : f32 to vector<16xf32>
          %max3A_624 = arith.maximumf %sub3A_621, %max3A_623 : vector<16xf32>
          %min3A_625 = arith.minimumf %get3A_406, %get3A_615 : vector<16xf32>
          %max3A_626 = arith.maximumf %get3A_400, %get3A_609 : vector<16xf32>
          %sub3A_627 = arith.subf %min3A_625, %max3A_626 : vector<16xf32>
          %max3A_628 = arith.constant 0.000000e+00 : f32
          %max3A_629 = vector.broadcast %max3A_628 : f32 to vector<16xf32>
          %max3A_630 = arith.maximumf %sub3A_627, %max3A_629 : vector<16xf32>
          %mul3A_631 = arith.mulf %max3A_624, %max3A_630 : vector<16xf32>
          %add3A_632 = arith.addf %get3A_409, %mul3A_618 : vector<16xf32>
          %sub3A_633 = arith.subf %add3A_632, %mul3A_631 : vector<16xf32>
          %div3A_634 = arith.divf %mul3A_631, %sub3A_633 : vector<16xf32>
          %gt3A = arith.constant 3.000000e-01 : f32
          %gt3A_635 = vector.broadcast %gt3A : f32 to vector<16xf32>
          %gt3A_636 = arith.cmpf ogt, %div3A_634, %gt3A_635 : vector<16xf32>
          %gt3A_637 = arith.cmpi sgt, %add3A_620, %get3A_412 : vector<16xi32>
          %and3A_638 = arith.andi %gt3A_636, %gt3A_637 : vector<16xi1>
          %jit3A_639 = arith.constant 1.000000e+00 : f32
          %jit3A_640 = arith.constant 0.000000e+00 : f32
          %broadcast_in_dim3A_641 = vector.broadcast %jit3A_639 : f32 to vector<16xf32>
          %broadcast_in_dim3A_642 = vector.broadcast %jit3A_640 : f32 to vector<16xf32>
          %select_n3A_643 = arith.select %and3A_638, %broadcast_in_dim3A_641, %broadcast_in_dim3A_642 : vector<16xi1>, vector<16xf32>
          %max3A_644 = arith.maximumf %broadcast_in_dim3A_2, %select_n3A_643 : vector<16xf32>
          %min3A_645 = arith.minimumf %get3A_428, %get3A_612 : vector<16xf32>
          %max3A_646 = arith.maximumf %get3A_422, %get3A_606 : vector<16xf32>
          %sub3A_647 = arith.subf %min3A_645, %max3A_646 : vector<16xf32>
          %max3A_648 = arith.constant 0.000000e+00 : f32
          %max3A_649 = vector.broadcast %max3A_648 : f32 to vector<16xf32>
          %max3A_650 = arith.maximumf %sub3A_647, %max3A_649 : vector<16xf32>
          %min3A_651 = arith.minimumf %get3A_431, %get3A_615 : vector<16xf32>
          %max3A_652 = arith.maximumf %get3A_425, %get3A_609 : vector<16xf32>
          %sub3A_653 = arith.subf %min3A_651, %max3A_652 : vector<16xf32>
          %max3A_654 = arith.constant 0.000000e+00 : f32
          %max3A_655 = vector.broadcast %max3A_654 : f32 to vector<16xf32>
          %max3A_656 = arith.maximumf %sub3A_653, %max3A_655 : vector<16xf32>
          %mul3A_657 = arith.mulf %max3A_650, %max3A_656 : vector<16xf32>
          %add3A_658 = arith.addf %get3A_434, %mul3A_618 : vector<16xf32>
          %sub3A_659 = arith.subf %add3A_658, %mul3A_657 : vector<16xf32>
          %div3A_660 = arith.divf %mul3A_657, %sub3A_659 : vector<16xf32>
          %gt3A_661 = arith.constant 3.000000e-01 : f32
          %gt3A_662 = vector.broadcast %gt3A_661 : f32 to vector<16xf32>
          %gt3A_663 = arith.cmpf ogt, %div3A_660, %gt3A_662 : vector<16xf32>
          %gt3A_664 = arith.cmpi sgt, %add3A_620, %get3A_437 : vector<16xi32>
          %and3A_665 = arith.andi %gt3A_663, %gt3A_664 : vector<16xi1>
          %jit3A_666 = arith.constant 1.000000e+00 : f32
          %jit3A_667 = arith.constant 0.000000e+00 : f32
          %broadcast_in_dim3A_668 = vector.broadcast %jit3A_666 : f32 to vector<16xf32>
          %broadcast_in_dim3A_669 = vector.broadcast %jit3A_667 : f32 to vector<16xf32>
          %select_n3A_670 = arith.select %and3A_665, %broadcast_in_dim3A_668, %broadcast_in_dim3A_669 : vector<16xi1>, vector<16xf32>
          %max3A_671 = arith.maximumf %max3A_644, %select_n3A_670 : vector<16xf32>
          %min3A_672 = arith.minimumf %get3A_453, %get3A_612 : vector<16xf32>
          %max3A_673 = arith.maximumf %get3A_447, %get3A_606 : vector<16xf32>
          %sub3A_674 = arith.subf %min3A_672, %max3A_673 : vector<16xf32>
          %max3A_675 = arith.constant 0.000000e+00 : f32
          %max3A_676 = vector.broadcast %max3A_675 : f32 to vector<16xf32>
          %max3A_677 = arith.maximumf %sub3A_674, %max3A_676 : vector<16xf32>
          %min3A_678 = arith.minimumf %get3A_456, %get3A_615 : vector<16xf32>
          %max3A_679 = arith.maximumf %get3A_450, %get3A_609 : vector<16xf32>
          %sub3A_680 = arith.subf %min3A_678, %max3A_679 : vector<16xf32>
          %max3A_681 = arith.constant 0.000000e+00 : f32
          %max3A_682 = vector.broadcast %max3A_681 : f32 to vector<16xf32>
          %max3A_683 = arith.maximumf %sub3A_680, %max3A_682 : vector<16xf32>
          %mul3A_684 = arith.mulf %max3A_677, %max3A_683 : vector<16xf32>
          %add3A_685 = arith.addf %get3A_459, %mul3A_618 : vector<16xf32>
          %sub3A_686 = arith.subf %add3A_685, %mul3A_684 : vector<16xf32>
          %div3A_687 = arith.divf %mul3A_684, %sub3A_686 : vector<16xf32>
          %gt3A_688 = arith.constant 3.000000e-01 : f32
          %gt3A_689 = vector.broadcast %gt3A_688 : f32 to vector<16xf32>
          %gt3A_690 = arith.cmpf ogt, %div3A_687, %gt3A_689 : vector<16xf32>
          %gt3A_691 = arith.cmpi sgt, %add3A_620, %get3A_462 : vector<16xi32>
          %and3A_692 = arith.andi %gt3A_690, %gt3A_691 : vector<16xi1>
          %jit3A_693 = arith.constant 1.000000e+00 : f32
          %jit3A_694 = arith.constant 0.000000e+00 : f32
          %broadcast_in_dim3A_695 = vector.broadcast %jit3A_693 : f32 to vector<16xf32>
          %broadcast_in_dim3A_696 = vector.broadcast %jit3A_694 : f32 to vector<16xf32>
          %select_n3A_697 = arith.select %and3A_692, %broadcast_in_dim3A_695, %broadcast_in_dim3A_696 : vector<16xi1>, vector<16xf32>
          %max3A_698 = arith.maximumf %max3A_671, %select_n3A_697 : vector<16xf32>
          %min3A_699 = arith.minimumf %get3A_478, %get3A_612 : vector<16xf32>
          %max3A_700 = arith.maximumf %get3A_472, %get3A_606 : vector<16xf32>
          %sub3A_701 = arith.subf %min3A_699, %max3A_700 : vector<16xf32>
          %max3A_702 = arith.constant 0.000000e+00 : f32
          %max3A_703 = vector.broadcast %max3A_702 : f32 to vector<16xf32>
          %max3A_704 = arith.maximumf %sub3A_701, %max3A_703 : vector<16xf32>
          %min3A_705 = arith.minimumf %get3A_481, %get3A_615 : vector<16xf32>
          %max3A_706 = arith.maximumf %get3A_475, %get3A_609 : vector<16xf32>
          %sub3A_707 = arith.subf %min3A_705, %max3A_706 : vector<16xf32>
          %max3A_708 = arith.constant 0.000000e+00 : f32
          %max3A_709 = vector.broadcast %max3A_708 : f32 to vector<16xf32>
          %max3A_710 = arith.maximumf %sub3A_707, %max3A_709 : vector<16xf32>
          %mul3A_711 = arith.mulf %max3A_704, %max3A_710 : vector<16xf32>
          %add3A_712 = arith.addf %get3A_484, %mul3A_618 : vector<16xf32>
          %sub3A_713 = arith.subf %add3A_712, %mul3A_711 : vector<16xf32>
          %div3A_714 = arith.divf %mul3A_711, %sub3A_713 : vector<16xf32>
          %gt3A_715 = arith.constant 3.000000e-01 : f32
          %gt3A_716 = vector.broadcast %gt3A_715 : f32 to vector<16xf32>
          %gt3A_717 = arith.cmpf ogt, %div3A_714, %gt3A_716 : vector<16xf32>
          %gt3A_718 = arith.cmpi sgt, %add3A_620, %get3A_487 : vector<16xi32>
          %and3A_719 = arith.andi %gt3A_717, %gt3A_718 : vector<16xi1>
          %jit3A_720 = arith.constant 1.000000e+00 : f32
          %jit3A_721 = arith.constant 0.000000e+00 : f32
          %broadcast_in_dim3A_722 = vector.broadcast %jit3A_720 : f32 to vector<16xf32>
          %broadcast_in_dim3A_723 = vector.broadcast %jit3A_721 : f32 to vector<16xf32>
          %select_n3A_724 = arith.select %and3A_719, %broadcast_in_dim3A_722, %broadcast_in_dim3A_723 : vector<16xi1>, vector<16xf32>
          %max3A_725 = arith.maximumf %max3A_698, %select_n3A_724 : vector<16xf32>
          %min3A_726 = arith.minimumf %get3A_503, %get3A_612 : vector<16xf32>
          %max3A_727 = arith.maximumf %get3A_497, %get3A_606 : vector<16xf32>
          %sub3A_728 = arith.subf %min3A_726, %max3A_727 : vector<16xf32>
          %max3A_729 = arith.constant 0.000000e+00 : f32
          %max3A_730 = vector.broadcast %max3A_729 : f32 to vector<16xf32>
          %max3A_731 = arith.maximumf %sub3A_728, %max3A_730 : vector<16xf32>
          %min3A_732 = arith.minimumf %get3A_506, %get3A_615 : vector<16xf32>
          %max3A_733 = arith.maximumf %get3A_500, %get3A_609 : vector<16xf32>
          %sub3A_734 = arith.subf %min3A_732, %max3A_733 : vector<16xf32>
          %max3A_735 = arith.constant 0.000000e+00 : f32
          %max3A_736 = vector.broadcast %max3A_735 : f32 to vector<16xf32>
          %max3A_737 = arith.maximumf %sub3A_734, %max3A_736 : vector<16xf32>
          %mul3A_738 = arith.mulf %max3A_731, %max3A_737 : vector<16xf32>
          %add3A_739 = arith.addf %get3A_509, %mul3A_618 : vector<16xf32>
          %sub3A_740 = arith.subf %add3A_739, %mul3A_738 : vector<16xf32>
          %div3A_741 = arith.divf %mul3A_738, %sub3A_740 : vector<16xf32>
          %gt3A_742 = arith.constant 3.000000e-01 : f32
          %gt3A_743 = vector.broadcast %gt3A_742 : f32 to vector<16xf32>
          %gt3A_744 = arith.cmpf ogt, %div3A_741, %gt3A_743 : vector<16xf32>
          %gt3A_745 = arith.cmpi sgt, %add3A_620, %get3A_512 : vector<16xi32>
          %and3A_746 = arith.andi %gt3A_744, %gt3A_745 : vector<16xi1>
          %jit3A_747 = arith.constant 1.000000e+00 : f32
          %jit3A_748 = arith.constant 0.000000e+00 : f32
          %broadcast_in_dim3A_749 = vector.broadcast %jit3A_747 : f32 to vector<16xf32>
          %broadcast_in_dim3A_750 = vector.broadcast %jit3A_748 : f32 to vector<16xf32>
          %select_n3A_751 = arith.select %and3A_746, %broadcast_in_dim3A_749, %broadcast_in_dim3A_750 : vector<16xi1>, vector<16xf32>
          %max3A_752 = arith.maximumf %max3A_725, %select_n3A_751 : vector<16xf32>
          %min3A_753 = arith.minimumf %get3A_528, %get3A_612 : vector<16xf32>
          %max3A_754 = arith.maximumf %get3A_522, %get3A_606 : vector<16xf32>
          %sub3A_755 = arith.subf %min3A_753, %max3A_754 : vector<16xf32>
          %max3A_756 = arith.constant 0.000000e+00 : f32
          %max3A_757 = vector.broadcast %max3A_756 : f32 to vector<16xf32>
          %max3A_758 = arith.maximumf %sub3A_755, %max3A_757 : vector<16xf32>
          %min3A_759 = arith.minimumf %get3A_531, %get3A_615 : vector<16xf32>
          %max3A_760 = arith.maximumf %get3A_525, %get3A_609 : vector<16xf32>
          %sub3A_761 = arith.subf %min3A_759, %max3A_760 : vector<16xf32>
          %max3A_762 = arith.constant 0.000000e+00 : f32
          %max3A_763 = vector.broadcast %max3A_762 : f32 to vector<16xf32>
          %max3A_764 = arith.maximumf %sub3A_761, %max3A_763 : vector<16xf32>
          %mul3A_765 = arith.mulf %max3A_758, %max3A_764 : vector<16xf32>
          %add3A_766 = arith.addf %get3A_534, %mul3A_618 : vector<16xf32>
          %sub3A_767 = arith.subf %add3A_766, %mul3A_765 : vector<16xf32>
          %div3A_768 = arith.divf %mul3A_765, %sub3A_767 : vector<16xf32>
          %gt3A_769 = arith.constant 3.000000e-01 : f32
          %gt3A_770 = vector.broadcast %gt3A_769 : f32 to vector<16xf32>
          %gt3A_771 = arith.cmpf ogt, %div3A_768, %gt3A_770 : vector<16xf32>
          %gt3A_772 = arith.cmpi sgt, %add3A_620, %get3A_537 : vector<16xi32>
          %and3A_773 = arith.andi %gt3A_771, %gt3A_772 : vector<16xi1>
          %jit3A_774 = arith.constant 1.000000e+00 : f32
          %jit3A_775 = arith.constant 0.000000e+00 : f32
          %broadcast_in_dim3A_776 = vector.broadcast %jit3A_774 : f32 to vector<16xf32>
          %broadcast_in_dim3A_777 = vector.broadcast %jit3A_775 : f32 to vector<16xf32>
          %select_n3A_778 = arith.select %and3A_773, %broadcast_in_dim3A_776, %broadcast_in_dim3A_777 : vector<16xi1>, vector<16xf32>
          %max3A_779 = arith.maximumf %max3A_752, %select_n3A_778 : vector<16xf32>
          %min3A_780 = arith.minimumf %get3A_553, %get3A_612 : vector<16xf32>
          %max3A_781 = arith.maximumf %get3A_547, %get3A_606 : vector<16xf32>
          %sub3A_782 = arith.subf %min3A_780, %max3A_781 : vector<16xf32>
          %max3A_783 = arith.constant 0.000000e+00 : f32
          %max3A_784 = vector.broadcast %max3A_783 : f32 to vector<16xf32>
          %max3A_785 = arith.maximumf %sub3A_782, %max3A_784 : vector<16xf32>
          %min3A_786 = arith.minimumf %get3A_556, %get3A_615 : vector<16xf32>
          %max3A_787 = arith.maximumf %get3A_550, %get3A_609 : vector<16xf32>
          %sub3A_788 = arith.subf %min3A_786, %max3A_787 : vector<16xf32>
          %max3A_789 = arith.constant 0.000000e+00 : f32
          %max3A_790 = vector.broadcast %max3A_789 : f32 to vector<16xf32>
          %max3A_791 = arith.maximumf %sub3A_788, %max3A_790 : vector<16xf32>
          %mul3A_792 = arith.mulf %max3A_785, %max3A_791 : vector<16xf32>
          %add3A_793 = arith.addf %get3A_559, %mul3A_618 : vector<16xf32>
          %sub3A_794 = arith.subf %add3A_793, %mul3A_792 : vector<16xf32>
          %div3A_795 = arith.divf %mul3A_792, %sub3A_794 : vector<16xf32>
          %gt3A_796 = arith.constant 3.000000e-01 : f32
          %gt3A_797 = vector.broadcast %gt3A_796 : f32 to vector<16xf32>
          %gt3A_798 = arith.cmpf ogt, %div3A_795, %gt3A_797 : vector<16xf32>
          %gt3A_799 = arith.cmpi sgt, %add3A_620, %get3A_562 : vector<16xi32>
          %and3A_800 = arith.andi %gt3A_798, %gt3A_799 : vector<16xi1>
          %jit3A_801 = arith.constant 1.000000e+00 : f32
          %jit3A_802 = arith.constant 0.000000e+00 : f32
          %broadcast_in_dim3A_803 = vector.broadcast %jit3A_801 : f32 to vector<16xf32>
          %broadcast_in_dim3A_804 = vector.broadcast %jit3A_802 : f32 to vector<16xf32>
          %select_n3A_805 = arith.select %and3A_800, %broadcast_in_dim3A_803, %broadcast_in_dim3A_804 : vector<16xi1>, vector<16xf32>
          %max3A_806 = arith.maximumf %max3A_779, %select_n3A_805 : vector<16xf32>
          %min3A_807 = arith.minimumf %get3A_578, %get3A_612 : vector<16xf32>
          %max3A_808 = arith.maximumf %get3A_572, %get3A_606 : vector<16xf32>
          %sub3A_809 = arith.subf %min3A_807, %max3A_808 : vector<16xf32>
          %max3A_810 = arith.constant 0.000000e+00 : f32
          %max3A_811 = vector.broadcast %max3A_810 : f32 to vector<16xf32>
          %max3A_812 = arith.maximumf %sub3A_809, %max3A_811 : vector<16xf32>
          %min3A_813 = arith.minimumf %get3A_581, %get3A_615 : vector<16xf32>
          %max3A_814 = arith.maximumf %get3A_575, %get3A_609 : vector<16xf32>
          %sub3A_815 = arith.subf %min3A_813, %max3A_814 : vector<16xf32>
          %max3A_816 = arith.constant 0.000000e+00 : f32
          %max3A_817 = vector.broadcast %max3A_816 : f32 to vector<16xf32>
          %max3A_818 = arith.maximumf %sub3A_815, %max3A_817 : vector<16xf32>
          %mul3A_819 = arith.mulf %max3A_812, %max3A_818 : vector<16xf32>
          %add3A_820 = arith.addf %get3A_584, %mul3A_618 : vector<16xf32>
          %sub3A_821 = arith.subf %add3A_820, %mul3A_819 : vector<16xf32>
          %div3A_822 = arith.divf %mul3A_819, %sub3A_821 : vector<16xf32>
          %gt3A_823 = arith.constant 3.000000e-01 : f32
          %gt3A_824 = vector.broadcast %gt3A_823 : f32 to vector<16xf32>
          %gt3A_825 = arith.cmpf ogt, %div3A_822, %gt3A_824 : vector<16xf32>
          %gt3A_826 = arith.cmpi sgt, %add3A_620, %get3A_587 : vector<16xi32>
          %and3A_827 = arith.andi %gt3A_825, %gt3A_826 : vector<16xi1>
          %jit3A_828 = arith.constant 1.000000e+00 : f32
          %jit3A_829 = arith.constant 0.000000e+00 : f32
          %broadcast_in_dim3A_830 = vector.broadcast %jit3A_828 : f32 to vector<16xf32>
          %broadcast_in_dim3A_831 = vector.broadcast %jit3A_829 : f32 to vector<16xf32>
          %select_n3A_832 = arith.select %and3A_827, %broadcast_in_dim3A_830, %broadcast_in_dim3A_831 : vector<16xi1>, vector<16xf32>
          %max3A_833 = arith.maximumf %max3A_806, %select_n3A_832 : vector<16xf32>
          %mul3A_834 = arith.constant 16 : i32
          %mul3A_835 = arith.muli %while3A_598, %mul3A_834 : i32
          %get3A_836 = arith.index_cast %mul3A_835 : i32 to index
          %get3A_837 = tpu.vector_load %arg11[%get3A_836] {strides = array<i32>} : memref<1280xf32, #tpu.memory_space<vmem>>, vector<16xf32>,
          %get3A_838 = vector.shape_cast %get3A_837 : vector<16xf32> to vector<16xf32>
          %gt3A_839 = arith.constant 0.000000e+00 : f32
          %gt3A_840 = vector.broadcast %gt3A_839 : f32 to vector<16xf32>
          %gt3A_841 = arith.cmpf ogt, %max3A_833, %gt3A_840 : vector<16xf32>
          %jit3A_842 = arith.constant 0.000000e+00 : f32
          %broadcast_in_dim3A_843 = vector.broadcast %jit3A_842 : f32 to vector<16xf32>
          %select_n3A_844 = arith.select %gt3A_841, %broadcast_in_dim3A_843, %get3A_838 : vector<16xi1>, vector<16xf32>
          %mul3A_845 = arith.constant 16 : i32
          %mul3A_846 = arith.muli %while3A_598, %mul3A_845 : i32
          %swap3A_847 = arith.index_cast %mul3A_846 : i32 to index
          %swap3A_848 = tpu.vector_load %arg11[%swap3A_847] {strides = array<i32>} : memref<1280xf32, #tpu.memory_space<vmem>>, vector<16xf32>,
          %swap3A_849 = vector.shape_cast %swap3A_848 : vector<16xf32> to vector<16xf32>
          %swap3A_850 = vector.shape_cast %select_n3A_844 : vector<16xf32> to vector<16xf32>
          tpu.vector_store %arg11[%swap3A_847], %swap3A_850 {strides = array<i32>} : memref<1280xf32, #tpu.memory_space<vmem>>, vector<16xf32>,
        }
        %while3A_597 = arith.constant 1 : i32
        scf.for %while3A_598 = %while3A_595 to %while3A_591 step %while3A_597  : i32 {
          %mul3A_599 = arith.constant 16 : i32
          %mul3A_600 = arith.muli %while3A_598, %mul3A_599 : i32
          %add3A_601 = arith.addi %mul3A_600, %arg1 : i32
          %mul3A_602 = arith.constant 16 : i32
          %mul3A_603 = arith.muli %add3A_601, %mul3A_602 : i32
          %get3A_604 = arith.index_cast %mul3A_603 : i32 to index
          %get3A_605 = tpu.vector_load %arg7[%get3A_604] {strides = array<i32>} : memref<20496xf32, #tpu.memory_space<vmem>>, vector<16xf32>,
          %get3A_606 = vector.shape_cast %get3A_605 : vector<16xf32> to vector<16xf32>
          %get3A_607 = arith.index_cast %mul3A_603 : i32 to index
          %get3A_608 = tpu.vector_load %arg8[%get3A_607] {strides = array<i32>} : memref<20496xf32, #tpu.memory_space<vmem>>, vector<16xf32>,
          %get3A_609 = vector.shape_cast %get3A_608 : vector<16xf32> to vector<16xf32>
          %get3A_610 = arith.index_cast %mul3A_603 : i32 to index
          %get3A_611 = tpu.vector_load %arg9[%get3A_610] {strides = array<i32>} : memref<20496xf32, #tpu.memory_space<vmem>>, vector<16xf32>,
          %get3A_612 = vector.shape_cast %get3A_611 : vector<16xf32> to vector<16xf32>
          %get3A_613 = arith.index_cast %mul3A_603 : i32 to index
          %get3A_614 = tpu.vector_load %arg10[%get3A_613] {strides = array<i32>} : memref<20496xf32, #tpu.memory_space<vmem>>, vector<16xf32>,
          %get3A_615 = vector.shape_cast %get3A_614 : vector<16xf32> to vector<16xf32>
          %sub3A_616 = arith.subf %get3A_612, %get3A_606 : vector<16xf32>
          %sub3A_617 = arith.subf %get3A_615, %get3A_609 : vector<16xf32>
          %mul3A_618 = arith.mulf %sub3A_616, %sub3A_617 : vector<16xf32>
          %add3A_619 = vector.broadcast %mul3A_603 : i32 to vector<16xi32>
          %add3A_620 = arith.addi %iota3A, %add3A_619 : vector<16xi32>
          %min3A = arith.minimumf %get3A_403, %get3A_612 : vector<16xf32>
          %max3A = arith.maximumf %get3A_397, %get3A_606 : vector<16xf32>
          %sub3A_621 = arith.subf %min3A, %max3A : vector<16xf32>
          %max3A_622 = arith.constant 0.000000e+00 : f32
          %max3A_623 = vector.broadcast %max3A_622 : f32 to vector<16xf32>
          %max3A_624 = arith.maximumf %sub3A_621, %max3A_623 : vector<16xf32>
          %min3A_625 = arith.minimumf %get3A_406, %get3A_615 : vector<16xf32>
          %max3A_626 = arith.maximumf %get3A_400, %get3A_609 : vector<16xf32>
          %sub3A_627 = arith.subf %min3A_625, %max3A_626 : vector<16xf32>
          %max3A_628 = arith.constant 0.000000e+00 : f32
          %max3A_629 = vector.broadcast %max3A_628 : f32 to vector<16xf32>
          %max3A_630 = arith.maximumf %sub3A_627, %max3A_629 : vector<16xf32>
          %mul3A_631 = arith.mulf %max3A_624, %max3A_630 : vector<16xf32>
          %add3A_632 = arith.addf %get3A_409, %mul3A_618 : vector<16xf32>
          %sub3A_633 = arith.subf %add3A_632, %mul3A_631 : vector<16xf32>
          %div3A_634 = arith.divf %mul3A_631, %sub3A_633 : vector<16xf32>
          %gt3A = arith.constant 3.000000e-01 : f32
          %gt3A_635 = vector.broadcast %gt3A : f32 to vector<16xf32>
          %gt3A_636 = arith.cmpf ogt, %div3A_634, %gt3A_635 : vector<16xf32>
          %gt3A_637 = arith.cmpi sgt, %add3A_620, %get3A_412 : vector<16xi32>
          %and3A_638 = arith.andi %gt3A_636, %gt3A_637 : vector<16xi1>
          %jit3A_639 = arith.constant 1.000000e+00 : f32
          %jit3A_640 = arith.constant 0.000000e+00 : f32
          %broadcast_in_dim3A_641 = vector.broadcast %jit3A_639 : f32 to vector<16xf32>
          %broadcast_in_dim3A_642 = vector.broadcast %jit3A_640 : f32 to vector<16xf32>
          %select_n3A_643 = arith.select %and3A_638, %broadcast_in_dim3A_641, %broadcast_in_dim3A_642 : vector<16xi1>, vector<16xf32>
          %max3A_644 = arith.maximumf %broadcast_in_dim3A_2, %select_n3A_643 : vector<16xf32>
          %min3A_645 = arith.minimumf %get3A_428, %get3A_612 : vector<16xf32>
          %max3A_646 = arith.maximumf %get3A_422, %get3A_606 : vector<16xf32>
          %sub3A_647 = arith.subf %min3A_645, %max3A_646 : vector<16xf32>
          %max3A_648 = arith.constant 0.000000e+00 : f32
          %max3A_649 = vector.broadcast %max3A_648 : f32 to vector<16xf32>
          %max3A_650 = arith.maximumf %sub3A_647, %max3A_649 : vector<16xf32>
          %min3A_651 = arith.minimumf %get3A_431, %get3A_615 : vector<16xf32>
          %max3A_652 = arith.maximumf %get3A_425, %get3A_609 : vector<16xf32>
          %sub3A_653 = arith.subf %min3A_651, %max3A_652 : vector<16xf32>
          %max3A_654 = arith.constant 0.000000e+00 : f32
          %max3A_655 = vector.broadcast %max3A_654 : f32 to vector<16xf32>
          %max3A_656 = arith.maximumf %sub3A_653, %max3A_655 : vector<16xf32>
          %mul3A_657 = arith.mulf %max3A_650, %max3A_656 : vector<16xf32>
          %add3A_658 = arith.addf %get3A_434, %mul3A_618 : vector<16xf32>
          %sub3A_659 = arith.subf %add3A_658, %mul3A_657 : vector<16xf32>
          %div3A_660 = arith.divf %mul3A_657, %sub3A_659 : vector<16xf32>
          %gt3A_661 = arith.constant 3.000000e-01 : f32
          %gt3A_662 = vector.broadcast %gt3A_661 : f32 to vector<16xf32>
          %gt3A_663 = arith.cmpf ogt, %div3A_660, %gt3A_662 : vector<16xf32>
          %gt3A_664 = arith.cmpi sgt, %add3A_620, %get3A_437 : vector<16xi32>
          %and3A_665 = arith.andi %gt3A_663, %gt3A_664 : vector<16xi1>
          %jit3A_666 = arith.constant 1.000000e+00 : f32
          %jit3A_667 = arith.constant 0.000000e+00 : f32
          %broadcast_in_dim3A_668 = vector.broadcast %jit3A_666 : f32 to vector<16xf32>
          %broadcast_in_dim3A_669 = vector.broadcast %jit3A_667 : f32 to vector<16xf32>
          %select_n3A_670 = arith.select %and3A_665, %broadcast_in_dim3A_668, %broadcast_in_dim3A_669 : vector<16xi1>, vector<16xf32>
          %max3A_671 = arith.maximumf %max3A_644, %select_n3A_670 : vector<16xf32>
          %min3A_672 = arith.minimumf %get3A_453, %get3A_612 : vector<16xf32>
          %max3A_673 = arith.maximumf %get3A_447, %get3A_606 : vector<16xf32>
          %sub3A_674 = arith.subf %min3A_672, %max3A_673 : vector<16xf32>
          %max3A_675 = arith.constant 0.000000e+00 : f32
          %max3A_676 = vector.broadcast %max3A_675 : f32 to vector<16xf32>
          %max3A_677 = arith.maximumf %sub3A_674, %max3A_676 : vector<16xf32>
          %min3A_678 = arith.minimumf %get3A_456, %get3A_615 : vector<16xf32>
          %max3A_679 = arith.maximumf %get3A_450, %get3A_609 : vector<16xf32>
          %sub3A_680 = arith.subf %min3A_678, %max3A_679 : vector<16xf32>
          %max3A_681 = arith.constant 0.000000e+00 : f32
          %max3A_682 = vector.broadcast %max3A_681 : f32 to vector<16xf32>
          %max3A_683 = arith.maximumf %sub3A_680, %max3A_682 : vector<16xf32>
          %mul3A_684 = arith.mulf %max3A_677, %max3A_683 : vector<16xf32>
          %add3A_685 = arith.addf %get3A_459, %mul3A_618 : vector<16xf32>
          %sub3A_686 = arith.subf %add3A_685, %mul3A_684 : vector<16xf32>
          %div3A_687 = arith.divf %mul3A_684, %sub3A_686 : vector<16xf32>
          %gt3A_688 = arith.constant 3.000000e-01 : f32
          %gt3A_689 = vector.broadcast %gt3A_688 : f32 to vector<16xf32>
          %gt3A_690 = arith.cmpf ogt, %div3A_687, %gt3A_689 : vector<16xf32>
          %gt3A_691 = arith.cmpi sgt, %add3A_620, %get3A_462 : vector<16xi32>
          %and3A_692 = arith.andi %gt3A_690, %gt3A_691 : vector<16xi1>
          %jit3A_693 = arith.constant 1.000000e+00 : f32
          %jit3A_694 = arith.constant 0.000000e+00 : f32
          %broadcast_in_dim3A_695 = vector.broadcast %jit3A_693 : f32 to vector<16xf32>
          %broadcast_in_dim3A_696 = vector.broadcast %jit3A_694 : f32 to vector<16xf32>
          %select_n3A_697 = arith.select %and3A_692, %broadcast_in_dim3A_695, %broadcast_in_dim3A_696 : vector<16xi1>, vector<16xf32>
          %max3A_698 = arith.maximumf %max3A_671, %select_n3A_697 : vector<16xf32>
          %min3A_699 = arith.minimumf %get3A_478, %get3A_612 : vector<16xf32>
          %max3A_700 = arith.maximumf %get3A_472, %get3A_606 : vector<16xf32>
          %sub3A_701 = arith.subf %min3A_699, %max3A_700 : vector<16xf32>
          %max3A_702 = arith.constant 0.000000e+00 : f32
          %max3A_703 = vector.broadcast %max3A_702 : f32 to vector<16xf32>
          %max3A_704 = arith.maximumf %sub3A_701, %max3A_703 : vector<16xf32>
          %min3A_705 = arith.minimumf %get3A_481, %get3A_615 : vector<16xf32>
          %max3A_706 = arith.maximumf %get3A_475, %get3A_609 : vector<16xf32>
          %sub3A_707 = arith.subf %min3A_705, %max3A_706 : vector<16xf32>
          %max3A_708 = arith.constant 0.000000e+00 : f32
          %max3A_709 = vector.broadcast %max3A_708 : f32 to vector<16xf32>
          %max3A_710 = arith.maximumf %sub3A_707, %max3A_709 : vector<16xf32>
          %mul3A_711 = arith.mulf %max3A_704, %max3A_710 : vector<16xf32>
          %add3A_712 = arith.addf %get3A_484, %mul3A_618 : vector<16xf32>
          %sub3A_713 = arith.subf %add3A_712, %mul3A_711 : vector<16xf32>
          %div3A_714 = arith.divf %mul3A_711, %sub3A_713 : vector<16xf32>
          %gt3A_715 = arith.constant 3.000000e-01 : f32
          %gt3A_716 = vector.broadcast %gt3A_715 : f32 to vector<16xf32>
          %gt3A_717 = arith.cmpf ogt, %div3A_714, %gt3A_716 : vector<16xf32>
          %gt3A_718 = arith.cmpi sgt, %add3A_620, %get3A_487 : vector<16xi32>
          %and3A_719 = arith.andi %gt3A_717, %gt3A_718 : vector<16xi1>
          %jit3A_720 = arith.constant 1.000000e+00 : f32
          %jit3A_721 = arith.constant 0.000000e+00 : f32
          %broadcast_in_dim3A_722 = vector.broadcast %jit3A_720 : f32 to vector<16xf32>
          %broadcast_in_dim3A_723 = vector.broadcast %jit3A_721 : f32 to vector<16xf32>
          %select_n3A_724 = arith.select %and3A_719, %broadcast_in_dim3A_722, %broadcast_in_dim3A_723 : vector<16xi1>, vector<16xf32>
          %max3A_725 = arith.maximumf %max3A_698, %select_n3A_724 : vector<16xf32>
          %min3A_726 = arith.minimumf %get3A_503, %get3A_612 : vector<16xf32>
          %max3A_727 = arith.maximumf %get3A_497, %get3A_606 : vector<16xf32>
          %sub3A_728 = arith.subf %min3A_726, %max3A_727 : vector<16xf32>
          %max3A_729 = arith.constant 0.000000e+00 : f32
          %max3A_730 = vector.broadcast %max3A_729 : f32 to vector<16xf32>
          %max3A_731 = arith.maximumf %sub3A_728, %max3A_730 : vector<16xf32>
          %min3A_732 = arith.minimumf %get3A_506, %get3A_615 : vector<16xf32>
          %max3A_733 = arith.maximumf %get3A_500, %get3A_609 : vector<16xf32>
          %sub3A_734 = arith.subf %min3A_732, %max3A_733 : vector<16xf32>
          %max3A_735 = arith.constant 0.000000e+00 : f32
          %max3A_736 = vector.broadcast %max3A_735 : f32 to vector<16xf32>
          %max3A_737 = arith.maximumf %sub3A_734, %max3A_736 : vector<16xf32>
          %mul3A_738 = arith.mulf %max3A_731, %max3A_737 : vector<16xf32>
          %add3A_739 = arith.addf %get3A_509, %mul3A_618 : vector<16xf32>
          %sub3A_740 = arith.subf %add3A_739, %mul3A_738 : vector<16xf32>
          %div3A_741 = arith.divf %mul3A_738, %sub3A_740 : vector<16xf32>
          %gt3A_742 = arith.constant 3.000000e-01 : f32
          %gt3A_743 = vector.broadcast %gt3A_742 : f32 to vector<16xf32>
          %gt3A_744 = arith.cmpf ogt, %div3A_741, %gt3A_743 : vector<16xf32>
          %gt3A_745 = arith.cmpi sgt, %add3A_620, %get3A_512 : vector<16xi32>
          %and3A_746 = arith.andi %gt3A_744, %gt3A_745 : vector<16xi1>
          %jit3A_747 = arith.constant 1.000000e+00 : f32
          %jit3A_748 = arith.constant 0.000000e+00 : f32
          %broadcast_in_dim3A_749 = vector.broadcast %jit3A_747 : f32 to vector<16xf32>
          %broadcast_in_dim3A_750 = vector.broadcast %jit3A_748 : f32 to vector<16xf32>
          %select_n3A_751 = arith.select %and3A_746, %broadcast_in_dim3A_749, %broadcast_in_dim3A_750 : vector<16xi1>, vector<16xf32>
          %max3A_752 = arith.maximumf %max3A_725, %select_n3A_751 : vector<16xf32>
          %min3A_753 = arith.minimumf %get3A_528, %get3A_612 : vector<16xf32>
          %max3A_754 = arith.maximumf %get3A_522, %get3A_606 : vector<16xf32>
          %sub3A_755 = arith.subf %min3A_753, %max3A_754 : vector<16xf32>
          %max3A_756 = arith.constant 0.000000e+00 : f32
          %max3A_757 = vector.broadcast %max3A_756 : f32 to vector<16xf32>
          %max3A_758 = arith.maximumf %sub3A_755, %max3A_757 : vector<16xf32>
          %min3A_759 = arith.minimumf %get3A_531, %get3A_615 : vector<16xf32>
          %max3A_760 = arith.maximumf %get3A_525, %get3A_609 : vector<16xf32>
          %sub3A_761 = arith.subf %min3A_759, %max3A_760 : vector<16xf32>
          %max3A_762 = arith.constant 0.000000e+00 : f32
          %max3A_763 = vector.broadcast %max3A_762 : f32 to vector<16xf32>
          %max3A_764 = arith.maximumf %sub3A_761, %max3A_763 : vector<16xf32>
          %mul3A_765 = arith.mulf %max3A_758, %max3A_764 : vector<16xf32>
          %add3A_766 = arith.addf %get3A_534, %mul3A_618 : vector<16xf32>
          %sub3A_767 = arith.subf %add3A_766, %mul3A_765 : vector<16xf32>
          %div3A_768 = arith.divf %mul3A_765, %sub3A_767 : vector<16xf32>
          %gt3A_769 = arith.constant 3.000000e-01 : f32
          %gt3A_770 = vector.broadcast %gt3A_769 : f32 to vector<16xf32>
          %gt3A_771 = arith.cmpf ogt, %div3A_768, %gt3A_770 : vector<16xf32>
          %gt3A_772 = arith.cmpi sgt, %add3A_620, %get3A_537 : vector<16xi32>
          %and3A_773 = arith.andi %gt3A_771, %gt3A_772 : vector<16xi1>
          %jit3A_774 = arith.constant 1.000000e+00 : f32
          %jit3A_775 = arith.constant 0.000000e+00 : f32
          %broadcast_in_dim3A_776 = vector.broadcast %jit3A_774 : f32 to vector<16xf32>
          %broadcast_in_dim3A_777 = vector.broadcast %jit3A_775 : f32 to vector<16xf32>
          %select_n3A_778 = arith.select %and3A_773, %broadcast_in_dim3A_776, %broadcast_in_dim3A_777 : vector<16xi1>, vector<16xf32>
          %max3A_779 = arith.maximumf %max3A_752, %select_n3A_778 : vector<16xf32>
          %min3A_780 = arith.minimumf %get3A_553, %get3A_612 : vector<16xf32>
          %max3A_781 = arith.maximumf %get3A_547, %get3A_606 : vector<16xf32>
          %sub3A_782 = arith.subf %min3A_780, %max3A_781 : vector<16xf32>
          %max3A_783 = arith.constant 0.000000e+00 : f32
          %max3A_784 = vector.broadcast %max3A_783 : f32 to vector<16xf32>
          %max3A_785 = arith.maximumf %sub3A_782, %max3A_784 : vector<16xf32>
          %min3A_786 = arith.minimumf %get3A_556, %get3A_615 : vector<16xf32>
          %max3A_787 = arith.maximumf %get3A_550, %get3A_609 : vector<16xf32>
          %sub3A_788 = arith.subf %min3A_786, %max3A_787 : vector<16xf32>
          %max3A_789 = arith.constant 0.000000e+00 : f32
          %max3A_790 = vector.broadcast %max3A_789 : f32 to vector<16xf32>
          %max3A_791 = arith.maximumf %sub3A_788, %max3A_790 : vector<16xf32>
          %mul3A_792 = arith.mulf %max3A_785, %max3A_791 : vector<16xf32>
          %add3A_793 = arith.addf %get3A_559, %mul3A_618 : vector<16xf32>
          %sub3A_794 = arith.subf %add3A_793, %mul3A_792 : vector<16xf32>
          %div3A_795 = arith.divf %mul3A_792, %sub3A_794 : vector<16xf32>
          %gt3A_796 = arith.constant 3.000000e-01 : f32
          %gt3A_797 = vector.broadcast %gt3A_796 : f32 to vector<16xf32>
          %gt3A_798 = arith.cmpf ogt, %div3A_795, %gt3A_797 : vector<16xf32>
          %gt3A_799 = arith.cmpi sgt, %add3A_620, %get3A_562 : vector<16xi32>
          %and3A_800 = arith.andi %gt3A_798, %gt3A_799 : vector<16xi1>
          %jit3A_801 = arith.constant 1.000000e+00 : f32
          %jit3A_802 = arith.constant 0.000000e+00 : f32
          %broadcast_in_dim3A_803 = vector.broadcast %jit3A_801 : f32 to vector<16xf32>
          %broadcast_in_dim3A_804 = vector.broadcast %jit3A_802 : f32 to vector<16xf32>
          %select_n3A_805 = arith.select %and3A_800, %broadcast_in_dim3A_803, %broadcast_in_dim3A_804 : vector<16xi1>, vector<16xf32>
          %max3A_806 = arith.maximumf %max3A_779, %select_n3A_805 : vector<16xf32>
          %min3A_807 = arith.minimumf %get3A_578, %get3A_612 : vector<16xf32>
          %max3A_808 = arith.maximumf %get3A_572, %get3A_606 : vector<16xf32>
          %sub3A_809 = arith.subf %min3A_807, %max3A_808 : vector<16xf32>
          %max3A_810 = arith.constant 0.000000e+00 : f32
          %max3A_811 = vector.broadcast %max3A_810 : f32 to vector<16xf32>
          %max3A_812 = arith.maximumf %sub3A_809, %max3A_811 : vector<16xf32>
          %min3A_813 = arith.minimumf %get3A_581, %get3A_615 : vector<16xf32>
          %max3A_814 = arith.maximumf %get3A_575, %get3A_609 : vector<16xf32>
          %sub3A_815 = arith.subf %min3A_813, %max3A_814 : vector<16xf32>
          %max3A_816 = arith.constant 0.000000e+00 : f32
          %max3A_817 = vector.broadcast %max3A_816 : f32 to vector<16xf32>
          %max3A_818 = arith.maximumf %sub3A_815, %max3A_817 : vector<16xf32>
          %mul3A_819 = arith.mulf %max3A_812, %max3A_818 : vector<16xf32>
          %add3A_820 = arith.addf %get3A_584, %mul3A_618 : vector<16xf32>
          %sub3A_821 = arith.subf %add3A_820, %mul3A_819 : vector<16xf32>
          %div3A_822 = arith.divf %mul3A_819, %sub3A_821 : vector<16xf32>
          %gt3A_823 = arith.constant 3.000000e-01 : f32
          %gt3A_824 = vector.broadcast %gt3A_823 : f32 to vector<16xf32>
          %gt3A_825 = arith.cmpf ogt, %div3A_822, %gt3A_824 : vector<16xf32>
          %gt3A_826 = arith.cmpi sgt, %add3A_620, %get3A_587 : vector<16xi32>
          %and3A_827 = arith.andi %gt3A_825, %gt3A_826 : vector<16xi1>
          %jit3A_828 = arith.constant 1.000000e+00 : f32
          %jit3A_829 = arith.constant 0.000000e+00 : f32
          %broadcast_in_dim3A_830 = vector.broadcast %jit3A_828 : f32 to vector<16xf32>
          %broadcast_in_dim3A_831 = vector.broadcast %jit3A_829 : f32 to vector<16xf32>
          %select_n3A_832 = arith.select %and3A_827, %broadcast_in_dim3A_830, %broadcast_in_dim3A_831 : vector<16xi1>, vector<16xf32>
          %max3A_833 = arith.maximumf %max3A_806, %select_n3A_832 : vector<16xf32>
          %mul3A_834 = arith.constant 16 : i32
          %mul3A_835 = arith.muli %while3A_598, %mul3A_834 : i32
          %get3A_836 = arith.index_cast %mul3A_835 : i32 to index
          %get3A_837 = tpu.vector_load %arg11[%get3A_836] {strides = array<i32>} : memref<1280xf32, #tpu.memory_space<vmem>>, vector<16xf32>,
          %get3A_838 = vector.shape_cast %get3A_837 : vector<16xf32> to vector<16xf32>
          %gt3A_839 = arith.constant 0.000000e+00 : f32
          %gt3A_840 = vector.broadcast %gt3A_839 : f32 to vector<16xf32>
          %gt3A_841 = arith.cmpf ogt, %max3A_833, %gt3A_840 : vector<16xf32>
          %jit3A_842 = arith.constant 0.000000e+00 : f32
          %broadcast_in_dim3A_843 = vector.broadcast %jit3A_842 : f32 to vector<16xf32>
          %select_n3A_844 = arith.select %gt3A_841, %broadcast_in_dim3A_843, %get3A_838 : vector<16xi1>, vector<16xf32>
          %mul3A_845 = arith.constant 16 : i32
          %mul3A_846 = arith.muli %while3A_598, %mul3A_845 : i32
          %swap3A_847 = arith.index_cast %mul3A_846 : i32 to index
          %swap3A_848 = tpu.vector_load %arg11[%swap3A_847] {strides = array<i32>} : memref<1280xf32, #tpu.memory_space<vmem>>, vector<16xf32>,
          %swap3A_849 = vector.shape_cast %swap3A_848 : vector<16xf32> to vector<16xf32>
          %swap3A_850 = vector.shape_cast %select_n3A_844 : vector<16xf32> to vector<16xf32>
          tpu.vector_store %arg11[%swap3A_847], %swap3A_850 {strides = array<i32>} : memref<1280xf32, #tpu.memory_space<vmem>>, vector<16xf32>,
        }
      }
      %barrier3A_386 = arith.constant 0 : index
      tpu.barrier barrier_id(%barrier3A_386)
    }
    %scan3A_28 = arith.constant 160 : i32
    %eq3A = arith.constant 0 : i32
    %eq3A_29 = arith.cmpi eq, %arg0, %eq3A : i32
    %convert_element_type3A = arith.extui %eq3A_29 : i1 to i32
    %cond3A = arith.constant 0 : i32
    %cond3A_30 = arith.cmpi ne, %convert_element_type3A, %cond3A : i32
    scf.if %cond3A_30 {
      %mul3A = arith.constant 1280 : i32
      %mul3A_31 = arith.muli %arg1, %mul3A : i32
      "tpu.region"() ({
        %run_scoped3A = tpu.sem_alloc : memref<!tpu.dma_semaphore, #tpu.memory_space<semaphore_mem>>
        %dma_start3A = tpu.memref_slice %arg6[%mul3A_31] : memref<20480xf32, #tpu.memory_space<hbm>> -> memref<1280xf32, #tpu.memory_space<hbm>>
        %dma_start3A_32 = tpu.memref_slice %arg6[%mul3A_31] : memref<20480xf32, #tpu.memory_space<hbm>> -> memref<1280xf32, #tpu.memory_space<hbm>>
        tpu.enqueue_dma source(%arg11 : memref<1280xf32, #tpu.memory_space<vmem>>) target(%dma_start3A_32 : memref<1280xf32, #tpu.memory_space<hbm>>) target_semaphore(%run_scoped3A : memref<!tpu.dma_semaphore, #tpu.memory_space<semaphore_mem>>)
        %dma_wait3A = tpu.memref_slice %arg6[%mul3A_31] : memref<20480xf32, #tpu.memory_space<hbm>> -> memref<1280xf32, #tpu.memory_space<hbm>>
        %dma_wait3A_33 = tpu.memref_slice %arg6[%mul3A_31] : memref<20480xf32, #tpu.memory_space<hbm>> -> memref<1280xf32, #tpu.memory_space<hbm>>
        tpu.wait_dma2 semaphore(%run_scoped3A : memref<!tpu.dma_semaphore, #tpu.memory_space<semaphore_mem>>) src(%arg11 : memref<1280xf32, #tpu.memory_space<vmem>>) dst(%dma_wait3A_33 : memref<1280xf32, #tpu.memory_space<hbm>>)
        tpu.yield
      }) : () -> ()
    } else {
    }
    return
  }
}

</mosaic_0001>

<sc_bundles>
// kernel: _sc_nms.3.cloned.1.call-start
scs
__scs_entry_jumppad:
0x0: {  	(pc) =	sbr.rel $0x88, $3  }
0x1: {  	(tag) =	ssettag $0x0;
	lr =	simm.s32 $0x1  }
0x2: {  	[smem:$0x3F9D] =	sst lr;
	_ =	strace $0xD0000000  }
0x3: {  	_ = 	snop  }
0x4: {  	_ = 	snop  }
0x5: {  	_ = 	snop  }
0x6: {  	_ = 	snop  }
0x7: {  	_ = 	snop  }
__scs_overlays_trampoline_lowered:
0x8: {  	[smem:$0x3FAC] =	sst s0  }
0x9: {  	[smem:$0x3FAD] =	sst s1  }
0xa: {  	[smem:$0x3FAE] =	sst s2  }
0xb: {  	[smem:$0x3FAF] =	sst s3  }
0xc: {  	[smem:$0x3FB0] =	sst s4  }
0xd: {  	[smem:$0x3FB1] =	sst s5  }
0xe: {  	[smem:$0x3FB2] =	sst s6  }
0xf: {  	[smem:$0x3FB3] =	sst s7  }
0x10: {  	[smem:$0x3FB4] =	sst s8  }
0x11: {  	[smem:$0x3FB5] =	sst s9;
	s0 =	simm.s32 @!p0 $0x0  }
0x12: {  	s1 =	sld [smem:$0x3F9B];
	s0 =	simm.s32 @p0 $0x1  }
0x13: {  	[smem:$0x3FB6] =	sst s0;
	s0 =	simm.s32 @!p1 $0x0  }
0x14: {  	s2 =	sld [smem:$0x3F9A];
	s0 =	simm.s32 @p1 $0x1  }
0x15: {  	[smem:$0x3FB7] =	sst s0;
	s0 =	simm.s32 @!p2 $0x0  }
0x16: {  	s3 =	sld [smem:$0x3FDB];
	s0 =	simm.s32 @p2 $0x1  }
0x17: {  	s4 =	simm.s32 $0x1BF5;
	[smem:$0x3FB9] =	sst s0  }
0x18: {  	s0 =	sld [smem:$0x3F9C];
	_ =	swait.ge [sflag:s4], $0x0  }
0x19: {  	s7 =	sld [smem:$0x3F9D]  }
0x1a: {  	s8 =	sadd.s32 $0xFFFFE003, lr  }
0x1b: {  	s9 =	sadd.s32 $0xFFFFFEF7, lr;
	s5 =	simm.s32 $0xFFFFFFFF;
	p2 =	slt.u32 s8, $0xFFFFF086  }
0x1c: {  	p1 =	slt.u32 s9, $0xF7A;
	s5 =	simm.s32 @!p2 $0x0  }
0x1d: {  	s5 =	simm.s32 @p1 $0x1;
	p0 =	seq.s32 s7, s2  }
0x1e: {  	s7 =	smul.u32 @!p0 $0xF7A, s2;
	p2 =	seq.s32 @!p0 s5, $0x0  }
0x1f: {  	s9 =	smul.u32 $0xF7A, s1;
	s8 =	simm.s32 @!p0 $0x1BF5;
	p2 =	por !p2, p0  }
0x20: {  	[sflag:s8] =	ssyncset.s32 @!p0 $0xFFFFF086;
	s6 =	sadd.s32 @!p0 s3, s7;
	s7 =	simm.s32 @!p0 $0x108  }
0x21: {  	s3 =	sadd.s32 s3, s9;
	s6 =	sadd.s32 @!p0 $0x88, s6;
	s7 =	simm.s32 @p2 $0x1082  }
0x22: {  	[simem:s7], [sflag:s8] =	dma.local @!p0 [hbm:s6], $0xF7A  }
0x23: {  	s9 =	sor.u32 $0xD0000000, s2;
	s6 =	simm.s32 $0x108;
	_ =	swait.ge @!p0 [sflag:s8], $0x0  }
0x24: {  	s3 =	sadd.s32 $0x88, s3;
	s6 =	simm.s32 @!p1 $0x1082;
	[sflag:s4] =	ssyncset.s32 $0xFFFFF086  }
0x25: {  	[simem:s6], [sflag:s4] =	dma.local [hbm:s3], $0xF7A  }
0x26: {  	[smem:$0x3F9D] =	sst s1;
	(tag) =	ssettag s2;
	_ =	strace s9  }
0x27: {  	s1 =	sld [smem:$0x3FAD]  }
0x28: {  	s2 =	sld [smem:$0x3FAE]  }
0x29: {  	s4 =	sld [smem:$0x3FB0]  }
0x2a: {  	p0 =	seq.s32 s5, $0x0;
	s5 =	sld [smem:$0x3FB1]  }
0x2b: {  	s6 =	sld [smem:$0x3FB2]  }
0x2c: {  	s7 =	sld [smem:$0x3FB3]  }
0x2d: {  	s3 =	simm.s32 $0x108;
	s8 =	sld [smem:$0x3FB4]  }
0x2e: {  	s3 =	simm.s32 @!p0 $0x1082;
	s9 =	sld [smem:$0x3FB5]  }
0x2f: {  	lr =	sadd.s32 s0, s3;
	s0 =	sld [smem:$0x3FAC]  }
0x30: {  	s3 =	sld [smem:$0x3FAF]  }
0x31: {  	[smem:$0x3FB8] =	sst s10  }
0x32: {  	s10 =	sld [smem:$0x3FB6];
	_ =	sdelay $0x3  }
0x33: {  	p0 =	seq.s32 s10, $0x1;
	s10 =	sld [smem:$0x3FB8];
	_ =	sdelay $0x3  }
0x34: {  	[smem:$0x3FB8] =	sst s10  }
0x35: {  	s10 =	sld [smem:$0x3FB7];
	_ =	sdelay $0x3  }
0x36: {  	p1 =	seq.s32 s10, $0x1;
	s10 =	sld [smem:$0x3FB8];
	_ =	sdelay $0x3  }
0x37: {  	[smem:$0x3FB8] =	sst s10  }
0x38: {  	s10 =	sld [smem:$0x3FB9]  }
0x39: {  	_ = 	snop;
	(pc) =	sbr.ind lr, $3  }
0x3a: {  	_ = 	snop  }
0x3b: {  	_ = 	snop  }
0x3c: {  	p2 =	seq.s32 s10, $0x1;
	s10 =	sld [smem:$0x3FB8]  }
0x3d: {  	_ =	shalt  }
0x3e: {  	_ =	shalt  }
0x3f: {  	_ =	shalt  }
0x40: {  	_ =	shalt  }
0x41: {  	_ =	shalt  }
0x42: {  	_ =	shalt  }
0x43: {  	_ =	shalt  }
0x44: {  	_ =	shalt  }
0x45: {  	_ =	shalt  }
0x46: {  	_ =	shalt  }
0x47: {  	_ =	shalt  }
0x48: {  	_ =	shalt  }
0x49: {  	_ =	shalt  }
0x4a: {  	_ =	shalt  }
0x4b: {  	_ =	shalt  }
0x4c: {  	_ =	shalt  }
0x4d: {  	_ =	shalt  }
0x4e: {  	_ =	shalt  }
0x4f: {  	_ =	shalt  }
0x50: {  	_ =	shalt  }
0x51: {  	_ =	shalt  }
0x52: {  	_ =	shalt  }
0x53: {  	_ =	shalt  }
0x54: {  	_ =	shalt  }
0x55: {  	_ =	shalt  }
0x56: {  	_ =	shalt  }
0x57: {  	_ =	shalt  }
0x58: {  	_ =	shalt  }
0x59: {  	_ =	shalt  }
0x5a: {  	_ =	shalt  }
0x5b: {  	_ =	shalt  }
0x5c: {  	_ =	shalt  }
0x5d: {  	_ =	shalt  }
0x5e: {  	_ =	shalt  }
0x5f: {  	_ =	shalt  }
0x60: {  	_ =	shalt  }
0x61: {  	_ =	shalt  }
0x62: {  	_ =	shalt  }
0x63: {  	_ =	shalt  }
0x64: {  	_ =	shalt  }
0x65: {  	_ =	shalt  }
0x66: {  	_ =	shalt  }
0x67: {  	_ =	shalt  }
0x68: {  	_ =	shalt  }
0x69: {  	_ =	shalt  }
0x6a: {  	_ =	shalt  }
0x6b: {  	_ =	shalt  }
0x6c: {  	_ =	shalt  }
0x6d: {  	_ =	shalt  }
0x6e: {  	_ =	shalt  }
0x6f: {  	_ =	shalt  }
0x70: {  	_ =	shalt  }
0x71: {  	_ =	shalt  }
0x72: {  	_ =	shalt  }
0x73: {  	_ =	shalt  }
0x74: {  	_ =	shalt  }
0x75: {  	_ =	shalt  }
0x76: {  	_ =	shalt  }
0x77: {  	_ =	shalt  }
0x78: {  	_ =	shalt  }
0x79: {  	_ =	shalt  }
0x7a: {  	_ =	shalt  }
0x7b: {  	_ =	shalt  }
0x7c: {  	_ =	shalt  }
0x7d: {  	_ =	shalt  }
0x7e: {  	_ =	shalt  }
0x7f: {  	_ =	shalt  }
0x80: {  	_ =	shalt  }
0x81: {  	_ =	shalt  }
0x82: {  	_ =	shalt  }
0x83: {  	_ =	shalt  }
0x84: {  	_ =	shalt  }
0x85: {  	_ =	shalt  }
0x86: {  	_ =	shalt  }
0x87: {  	_ =	shalt  }
.Lfunc_end0:
.L_simem_size_0:
called_computation_lowered:
.L_overlay_start_0:
0x88: {  	s2 =	sld [smem:$0x3FD9]  }
0x89: {  	s3 =	sld [smem:$0x3FFE];
	_ =	sdelay $0x1  }
0x8a: {  	s1 =	srdreg.scid  }
0x8b: {  	s0 =	sand.u32 $0x1, s1  }
0x8c: {  	s18 =	sshll.u32 s0, $0xA;
	s2 =	sadd.s32 s3, s2  }
0x8d: {  	s2 =	sadd.s32 s2, s18  }
0x8e: {  	[smem:$0x3FC4] =	sst s2  }
0x8f: {  	_ = 	snop  }
0x90: {  	s2 =	sld [smem:$0x3FC9]  }
0x91: {  	s19 =	sld [smem:$0x3FC8]  }
0x92: {  	s4 =	sld [smem:$0x3FC7]  }
0x93: {  	s5 =	sld [smem:$0x3FC6]  }
0x94: {  	s6 =	sld [smem:$0x3FD0];
	(tm) =	ssettm $0x1  }
0x95: {  	s7 =	sld [smem:$0x3FFB];
	_ =	sdelay $0x3  }
0x96: {  	_ =	strace s7  }
0x97: {  	s7 =	sld [smem:$0x3FFC];
	_ =	sdelay $0x3  }
0x98: {  	_ =	strace s7  }
0x99: {  	s7 =	sld [smem:$0x3FFD];
	_ =	sdelay $0x3  }
0x9a: {  	_ =	strace s7  }
0x9b: {  	_ =	strace $0x8FFFFFFF  }
0x9c: {  	s20 =	sld [smem:$0x3FDB];
	_ =	sdelay $0x1  }
0x9d: {  	s8 =	simm.s32 $_scs_section_size  }
0x9e: {  	s9 =	simm.s32 $_size__tile_overlayer_lowered;
	s10 =	simm.s32 $_tile_overlayer_lowered  }
0x9f: {  	s23 =	simm.s32 $0x1BFF;
	s22 =	sshll.u32 s10, $0x1;
	s7 =	sadd.s32 s8, s20  }
0xa0: {  	s11 =	simm.s32 $0x0;
	s21 =	sshll.u32 s9, $0x1;
	s9 =	sadd.s32 s22, s7  }
0xa1: {  	[timem:s11], [sflag:s23] =	dma.local [hbm:s9], s21  }
0xa2: {  	_ =	swait.ge [sflag:s23], s21  }
0xa3: {  	s8 =	ssub.s32 $0x0, s21;
	[sflag:s23] =	ssyncset.done $0x0  }
0xa4: {  	[sflag:s23] =	ssyncadd.s32 s8;
	_ =	sdelay $0x1  }
0xa5: {  	s24 =	simm.s32 $0x1B8B  }
0xa6: {  	_ =	swait.ge [sflag:s24], $0x1  }
0xa7: {  	[sflag:s24] =	ssyncset.done $0x0  }
0xa8: {  	s25 =	simm.s32 $0x1B8E;
	[sflag:s24] =	ssyncadd.s32 $0xFFFFFFFF  }
0xa9: {  	s26 =	simm.s32 $execute0_lowered;
	[smem:$0x3FD2] =	sst s25  }
0xaa: {  	s8 =	sshll.u32 s26, $0x1;
	_ =	strace $0x80000046;
	[dreg:$0x1] =	wrdreg $0xFFFFFFFF  }
0xab: {  	s28 =	simm.s32 $_size_execute0_lowered;
	s7 =	sadd.s32 s7, s8;
	[dreg:$0x0] =	wrdreg $0x0  }
0xac: {  	s8 =	sshll.u32 s28, $0x1;
	[dreg:$0x2] =	wrdreg s7  }
0xad: {  	[dreg:$0x3] =	wrdreg s8  }
0xae: {  	[dreg:$0x4] =	wrdreg $0xC0  }
0xaf: {  	_ =	task [dreg:s11], $0x5FFFF  }
0xb0: {  	[dreg:$0x1] =	wrdreg $0xFFFFFFFF  }
0xb1: {  	[dreg:$0x0] =	wrdreg $0x60  }
0xb2: {  	[dreg:$0x2] =	wrdreg s2  }
0xb3: {  	[dreg:$0x3] =	wrdreg s19  }
0xb4: {  	[dreg:$0x4] =	wrdreg s4  }
0xb5: {  	[dreg:$0x5] =	wrdreg s5  }
0xb6: {  	[dreg:$0x6] =	wrdreg s6  }
0xb7: {  	[dreg:$0x7] =	wrdreg $0x17B800  }
0xb8: {  	[dreg:$0x8] =	wrdreg $0x9  }
0xb9: {  	_ =	task.clear_ibuf [dreg:s11], $0x9FFFF;
	_ =	strace $0x90000046  }
0xba: {  	s29 =	simm.s32 $0x9;
	_ =	strace $0x80000048  }
0xbb: {  	_ =	swait.ge [sflag:s29], $0x1  }
0xbc: {  	[sflag:s29] =	ssyncadd.s32 $0xFFFFFFFF  }
0xbd: {  	_ =	strace $0x90000048  }
0xbe: {  	_ =	sfence  }
0xbf: {  	s30 =	sld [smem:$0x0];
	_ =	sdelay $0x2  }
0xc0: {  	s31 =	sshll.u32 s1, $0xD;
	s1 =	sshrl.u32 s1, $0x2  }
0xc1: {  	s3 =	sand.u32 $0x4000, s31;
	s1 =	sadd.s32 s1, s30  }
0xc2: {  	s0 =	sor.u32 s3, s0;
	s1 =	sshll.u32 s1, $0x11  }
0xc3: {  	s0 =	sor.u32 s1, s0  }
0xc4: {  	s0 =	sadd.s32 $0x8F2B, s0  }
0xc5: {  	[sflag:s0] =	ssyncadd.remote.s32 $0x1  }
0xc6: {  	_ =	sfence.sel $0xFFFF  }
0xc7: {  	[dreg:$0x0] =	wrdreg $0xFFFFFFFF;
	(pc) =	sbr.abs _section_cstart, $3  }
0xc8: {  	[dreg:$0x1] =	wrdreg $0xFFFFFFFF  }
0xc9: {  	_ =	task.clear_ibuf [dreg:s11], $0x2FFFF;
	_ =	strace $0x9FFFFFFF  }
0xca: {  	(tm) =	ssettm $0x7FFFFFFF  }
0xcb: {  	_ =	shalt  }
tec
execute0_lowered:
.L_overlay_start_1:
0x0: {  	(tag) =	ssettag $0x1  }
0x1: {  	s0 =	rddreg [dreg:$0x4]  }
0x2: {  	s4 =	rddreg [dreg:$0x5]  }
0x3: {  	s1 =	srdreg.scid;
	s2 =	simm.s32 $0x0;
	s7 =	stileid.u32  }
0x4: {  	s1 =	sand.u32 $0x1, s1;
	[smem:$0x7FF] =	sst s2;
	s23 =	sadd.s32 $0x10, s4  }
0x5: {  	s24 =	sadd.s32 $0x20, s4;
	s10 =	sadd.s32 $0x30, s4;
	s25 =	smul.u32 $0xA0, s7  }
0x6: {  	s11 =	sadd.s32 $0x40, s4;
	s12 =	sadd.s32 $0x50, s4;
	s13 =	sadd.s32 $0x60, s4  }
0x7: {  	s14 =	sadd.s32 $0x70, s4;
	_ =	strace $0x80000047;
	[dreg:$0x7] =	wrdreg s23  }
0x8: {  	s16 =	sshll.u32 s7, $0x4;
	s28 =	sxor.u32 $0xF, s7;
	[dreg:$0x8] =	wrdreg s24  }
0x9: {  	s22 =	ssub.s32 $0x2, s1;
	[dreg:$0xb] =	wrdreg s28;
	s29 =	sadd.s32 $0x5080, s16  }
.Ltmp0:
0xa: {  	s30 =	sor.u32 $0xA100, s16;
	[dreg:$0xc] =	wrdreg s29;
	(pc) =	sbr.rel .LBB2_1-.Ltmp0, $4  }
0xb: {  	s31 =	sadd.s32 $0xF180, s16;
	s3 =	sshrl.u32 s22, $0x1;
	[dreg:$0xd] =	wrdreg s30  }
0xc: {  	s0 =	sadd.s32 s0, s25;
	[dreg:$0xe] =	wrdreg s31;
	s2 =	ssub.s32 s22, s3  }
0xd: {  	p0 =	sne.s32 s1, $0x0;
	[dreg:$0x9] =	wrdreg s0;
	s26 =	smax.u32 s2, $0x1  }
0xe: {  	v0 =	vimm.f32 $1.000000000e+00;
	v1 =	vimm.f32 $0.0e+00;
	v17 =	vlaneseq.u32;
	s22 =	simm.s32 $0x1;
	s2 =	simm.s32 $0x0;
	[dreg:$0xa] =	wrdreg s26  }
.LBB2_15:
0xf: {  	s0 =	simm.s32 @!p0 $0x0;
	s1 =	simm.s32 @!p0 $0x14200;
	s2 =	rddreg [dreg:$0x9]  }
0x10: {  	[hbm4b:s2+s0] =	stream.linear.scatter @!p0 [tilespmem:s1], [sflag:$0x1], $0x500, $0x38;
	[tilespmem:$0x17B88] =	vst v63  }
0x11: {  	s0 =	simm.s32 @!p0 $0x1  }
0x12: {  	_ =	swait.ge @!p0 [sflag:s0], $0x500  }
0x13: {  	s30 =	rddreg [dreg:$0xf]  }
0x14: {  	s31 =	rddreg [dreg:$0xa];
	s2 =	sadd.s32 $0x1, s30  }
0x15: {  	p1 =	sne.s32 s2, s31  }
.Ltmp1:
0x16: {  	_ = 	snop;
	(pc) =	sbr.rel @!p1 .LBB2_16-.Ltmp1, $3  }
0x17: {  	_ =	sdelay $0x1  }
0x18: {  	[sflag:s0] =	ssyncset.done @!p0 $0x0  }
0x19: {  	v0 =	vimm.f32 $1.000000000e+00;
	[sflag:s0] =	ssyncadd.s32 @!p0 $0xFFFFFB00  }
.LBB2_1:
0x1a: {  	[dreg:$0xf] =	wrdreg s2  }
0x1b: {  	s0 =	rddreg [dreg:$0x0];
	s1 =	simm.s32 $0x0  }
0x1c: {  	[tilespmem:s1], [sflag:$0x1] =	stream.linear.gather [hbm4b:s0+s1], $0x5000, $0x38;
	[tilespmem:$0x17B88] =	vst v63  }
0x1d: {  	_ =	swait.ge [sflag:s22], $0x5000  }
0x1e: {  	[sflag:s22] =	ssyncset.done $0x0  }
0x1f: {  	[sflag:s22] =	ssyncadd.s32 $0xFFFFB000  }
0x20: {  	s26 =	simm.s32 $0x5080;
	s25 =	rddreg [dreg:$0x1]  }
0x21: {  	[tilespmem:s26], [sflag:$0x1] =	stream.linear.gather [hbm4b:s25+s1], $0x5000, $0x38;
	[tilespmem:$0x17B88] =	vst v63  }
0x22: {  	_ =	swait.ge [sflag:s22], $0x5000  }
0x23: {  	[sflag:s22] =	ssyncset.done $0x0  }
0x24: {  	[sflag:s22] =	ssyncadd.s32 $0xFFFFB000  }
0x25: {  	s29 =	simm.s32 $0xA100;
	s28 =	rddreg [dreg:$0x2]  }
0x26: {  	[tilespmem:s29], [sflag:$0x1] =	stream.linear.gather [hbm4b:s28+s1], $0x5000, $0x38;
	[tilespmem:$0x17B88] =	vst v63  }
0x27: {  	_ =	swait.ge [sflag:s22], $0x5000  }
0x28: {  	[sflag:s22] =	ssyncset.done $0x0  }
0x29: {  	[sflag:s22] =	ssyncadd.s32 $0xFFFFB000  }
0x2a: {  	s31 =	simm.s32 $0xF180;
	s30 =	rddreg [dreg:$0x3]  }
0x2b: {  	[tilespmem:s31], [sflag:$0x1] =	stream.linear.gather [hbm4b:s30+s1], $0x5000, $0x38;
	[tilespmem:$0x17B88] =	vst v63  }
0x2c: {  	_ =	swait.ge [sflag:s22], $0x5000  }
0x2d: {  	[sflag:s22] =	ssyncset.done $0x0  }
0x2e: {  	s0 =	simm.s32 $0x40;
	s1 =	simm.s32 $0x0;
	[sflag:s22] =	ssyncadd.s32 $0xFFFFB000  }
.LBB2_2:
0x2f: {  	p1 =	sne.s32 s0, $0x13C0;
	[tilespmem:s1+$0x14200] =	vst v0;
	s1 =	smov.u32 s0;
	s0 =	sadd.s32 $0x40, s0  }
.Ltmp2:
0x30: {  	(pc) =	sbr.rel @p1 .LBB2_2-.Ltmp2, $2  }
0x31: {  	_ =	sdelay $0x2  }
0x32: {  	s1 =	sshra.s32 s1, $0x2  }
.Ltmp3:
0x33: {  	[tilespmem:s1+$0x14200] =	vst v0;
	(pc) =	sbr.rel .LBB2_4-.Ltmp3, $4  }
0x34: {  	[tilespmem:$0x5000] =	vst v1  }
0x35: {  	[tilespmem:$0xA080] =	vst v1  }
0x36: {  	s29 =	simm.s32 $0x0;
	s30 =	simm.s32 $0x5080;
	s31 =	simm.s32 $0xA100;
	[tilespmem:$0xF100] =	vst v1  }
0x37: {  	s1 =	simm.s32 $0xF180;
	s18 =	rddreg [dreg:$0xb];
	s2 =	simm.s32 $0x0;
	[tilespmem:$0x14180] =	vst v1  }
.LBB2_14:
0x38: {  	s2 =	sadd.s32 $0x1, s2  }
0x39: {  	p1 =	sne.s32 s2, $0xA0  }
.Ltmp4:
0x3a: {  	_ = 	snop;
	(pc) =	sbr.rel @!p1 .LBB2_15-.Ltmp4, $3  }
0x3b: {  	_ =	sdelay $0x1  }
0x3c: {  	[bflag:$0x0] =	sbarrier.arrive $0xFFFF;
	s29 =	sadd.s32 $0x80, s29;
	s30 =	sadd.s32 $0x80, s30  }
0x3d: {  	s31 =	sadd.s32 $0x80, s31;
	s1 =	sadd.s32 $0x80, s1;
	s18 =	sadd.s32 $0x8, s18  }
.LBB2_4:
0x3e: {  	s0 =	sshll.u32 s2, $0x3  }
0x3f: {  	s3 =	sand.u32 $0x8, s0  }
0x40: {  	p2 =	sne.s32 s7, s3  }
0x41: {  	s4 =	sshll.u32 @!p2 s2, $0x3  }
0x42: {  	s20 =	sor.u32 $0x1, s3;
	s4 =	sand.u32 @!p2 $0x7F0, s4  }
0x43: {  	s6 =	rddreg [dreg:$0x5];
	p1 =	sne.s32 s7, s20;
	s4 =	sadd.s32 @!p2 $0x14200, s4  }
0x44: {  	[spmem:s6] =	stream.linear.scatter @!p2 [tilespmem:s4], [sflag:$0x1], $0x10, $0x38;
	[tilespmem:$0x17B88] =	vst v63  }
0x45: {  	s5 =	simm.s32 @!p2 $0x1;
	s4 =	sshll.u32 @!p1 s2, $0x3  }
0x46: {  	_ =	swait.ge @!p2 [sflag:s5], $0x10;
	s4 =	sand.u32 @!p1 $0x7F0, s4  }
0x47: {  	s21 =	sor.u32 $0x2, s3;
	[sflag:s5] =	ssyncset.done @!p2 $0x0;
	s4 =	sadd.s32 @!p1 $0x14200, s4  }
0x48: {  	[sflag:s5] =	ssyncadd.s32 @!p2 $0xFFFFFFF0;
	s5 =	rddreg [dreg:$0x7];
	p2 =	sne.s32 s7, s21  }
0x49: {  	[spmem:s5] =	stream.linear.scatter @!p1 [tilespmem:s4], [sflag:$0x1], $0x10, $0x38;
	[tilespmem:$0x17B88] =	vst v63  }
0x4a: {  	s5 =	simm.s32 @!p1 $0x1;
	s4 =	sshll.u32 @!p2 s2, $0x3  }
0x4b: {  	_ =	swait.ge @!p1 [sflag:s5], $0x10;
	s4 =	sand.u32 @!p2 $0x7F0, s4  }
0x4c: {  	s23 =	sor.u32 $0x3, s3;
	[sflag:s5] =	ssyncset.done @!p1 $0x0;
	s4 =	sadd.s32 @!p2 $0x14200, s4  }
0x4d: {  	[sflag:s5] =	ssyncadd.s32 @!p1 $0xFFFFFFF0;
	s5 =	rddreg [dreg:$0x8];
	p1 =	sne.s32 s7, s23  }
0x4e: {  	[spmem:s5] =	stream.linear.scatter @!p2 [tilespmem:s4], [sflag:$0x1], $0x10, $0x38;
	[tilespmem:$0x17B88] =	vst v63  }
0x4f: {  	s5 =	simm.s32 @!p2 $0x1;
	s4 =	sshll.u32 @!p1 s2, $0x3  }
0x50: {  	_ =	swait.ge @!p2 [sflag:s5], $0x10;
	s4 =	sand.u32 @!p1 $0x7F0, s4  }
0x51: {  	s24 =	sor.u32 $0x4, s3;
	[sflag:s5] =	ssyncset.done @!p2 $0x0;
	s4 =	sadd.s32 @!p1 $0x14200, s4  }
0x52: {  	[sflag:s5] =	ssyncadd.s32 @!p2 $0xFFFFFFF0;
	s5 =	simm.s32 @!p1 $0x1;
	p2 =	sne.s32 s7, s24  }
0x53: {  	[spmem:s10] =	stream.linear.scatter @!p1 [tilespmem:s4], [sflag:$0x1], $0x10, $0x38;
	[tilespmem:$0x17B88] =	vst v63  }
0x54: {  	s4 =	sshll.u32 @!p2 s2, $0x3;
	_ =	swait.ge @!p1 [sflag:s5], $0x10  }
0x55: {  	s25 =	sor.u32 $0x5, s3;
	s4 =	sand.u32 @!p2 $0x7F0, s4;
	[sflag:s5] =	ssyncset.done @!p1 $0x0  }
0x56: {  	s4 =	sadd.s32 @!p2 $0x14200, s4;
	[sflag:s5] =	ssyncadd.s32 @!p1 $0xFFFFFFF0;
	p1 =	sne.s32 s7, s25  }
0x57: {  	[spmem:s11] =	stream.linear.scatter @!p2 [tilespmem:s4], [sflag:$0x1], $0x10, $0x38;
	[tilespmem:$0x17B88] =	vst v63  }
0x58: {  	s5 =	simm.s32 @!p2 $0x1;
	s4 =	sshll.u32 @!p1 s2, $0x3  }
0x59: {  	_ =	swait.ge @!p2 [sflag:s5], $0x10;
	s4 =	sand.u32 @!p1 $0x7F0, s4  }
0x5a: {  	s26 =	sor.u32 $0x6, s3;
	[sflag:s5] =	ssyncset.done @!p2 $0x0;
	s4 =	sadd.s32 @!p1 $0x14200, s4  }
0x5b: {  	[sflag:s5] =	ssyncadd.s32 @!p2 $0xFFFFFFF0;
	s5 =	simm.s32 @!p1 $0x1;
	p2 =	sne.s32 s7, s26  }
0x5c: {  	[spmem:s12] =	stream.linear.scatter @!p1 [tilespmem:s4], [sflag:$0x1], $0x10, $0x38;
	[tilespmem:$0x17B88] =	vst v63  }
0x5d: {  	s4 =	sshll.u32 @!p2 s2, $0x3;
	_ =	swait.ge @!p1 [sflag:s5], $0x10  }
0x5e: {  	s4 =	sand.u32 @!p2 $0x7F0, s4;
	[sflag:s5] =	ssyncset.done @!p1 $0x0  }
0x5f: {  	s3 =	sor.u32 $0x7, s3;
	s4 =	sadd.s32 @!p2 $0x14200, s4;
	[sflag:s5] =	ssyncadd.s32 @!p1 $0xFFFFFFF0  }
0x60: {  	[spmem:s13] =	stream.linear.scatter @!p2 [tilespmem:s4], [sflag:$0x1], $0x10, $0x38;
	[tilespmem:$0x17B88] =	vst v63  }
0x61: {  	p1 =	sne.s32 s7, s3;
	s4 =	simm.s32 @!p2 $0x1  }
0x62: {  	s3 =	sshll.u32 @!p1 s2, $0x3;
	_ =	swait.ge @!p2 [sflag:s4], $0x10  }
0x63: {  	s3 =	sand.u32 @!p1 $0x7F0, s3;
	[sflag:s4] =	ssyncset.done @!p2 $0x0  }
0x64: {  	s3 =	sadd.s32 @!p1 $0x14200, s3;
	[sflag:s4] =	ssyncadd.s32 @!p2 $0xFFFFFFF0  }
0x65: {  	[spmem:s14] =	stream.linear.scatter @!p1 [tilespmem:s3], [sflag:$0x1], $0x10, $0x38;
	[tilespmem:$0x17B88] =	vst v63  }
0x66: {  	s3 =	simm.s32 @!p1 $0x1  }
0x67: {  	_ =	swait.ge @!p1 [sflag:s3], $0x10  }
0x68: {  	[sflag:s3] =	ssyncset.done @!p1 $0x0  }
0x69: {  	[sflag:s3] =	ssyncadd.s32 @!p1 $0xFFFFFFF0  }
0x6a: {  	s28 =	simm.s32 $0x14700;
	[bflag:$0x0] =	sbarrier.arrive $0xFFFF  }
0x6b: {  	[tilespmem:s28], [sflag:$0x1] =	stream.linear.gather [spmem:s6], $0x80, $0x38;
	[tilespmem:$0x17B88] =	vst v63  }
.Ltmp5:
0x6c: {  	_ = 	snop;
	(pc) =	sbr.rel .LBB2_5-.Ltmp5, $4  }
0x6d: {  	_ =	swait.ge [sflag:s22], $0x80  }
0x6e: {  	[sflag:s22] =	ssyncset.done $0x0  }
0x6f: {  	v0 =	vimm.s32 $0x0;
	[sflag:s22] =	ssyncadd.s32 $0xFFFFFF80  }
0x70: {  	s5 =	simm.s32 $0x0;
	s4 =	sshrl.u32 s18, $0x4;
	s3 =	sshll.u32 s2, $0x7;
	[tilespmem:$0x17B00] =	vst v0  }
.LBB2_8:
0x71: {  	s5 =	sadd.s32 $0x1, s5  }
0x72: {  	p1 =	sne.s32 s5, $0x80  }
.Ltmp6:
0x73: {  	_ = 	snop;
	(pc) =	sbr.rel @!p1 .LBB2_9-.Ltmp6, $1  }
0x74: {  	_ =	sdelay $0x3  }
.LBB2_5:
0x75: {  	v5 =	vld [tilespmem:s5+$0x14700];
	_ =	sdelay $0x4  }
0x76: {  	(v2sf) =	vpush v5, $0x0;
	_ =	sdelay $0xe  }
0x77: {  	s6 =	spop (v2sf)  }
0x78: {  	p1 =	sgt.f32 s6, $0.0e+00  }
.Ltmp7:
0x79: {  	_ = 	snop;
	(pc) =	sbr.rel @!p1 .LBB2_8-.Ltmp7, $1  }
0x7a: {  	_ =	sdelay $0x3  }
0x7b: {  	v5 =	vld [tilespmem:$0x17B00];
	_ =	sdelay $0x4  }
0x7c: {  	(v2sf) =	vpush v5, $0x0;
	_ =	sdelay $0x7  }
0x7d: {  	s6 =	sor.u32 s3, s5  }
0x7e: {  	v6 =	vld.msk [tilespmem:s6+$0x5080 ss:$0x0], $0xffff  }
0x7f: {  	v7 =	vld.msk [tilespmem:s6+$0xA100 ss:$0x0], $0xffff  }
0x80: {  	v8 =	vld.msk [tilespmem:s6+$0xF180 ss:$0x0], $0xffff  }
0x81: {  	v5 =	vld.msk [tilespmem:s6+$0x0 ss:$0x0], $0xffff;
	_ =	sdelay $0x2  }
0x82: {  	s8 =	spop (v2sf)  }
0x83: {  	s9 =	sshll.u32 s8, $0x4  }
0x84: {  	v10 =	vsub.f32 v8, v6;
	v9 =	vsub.f32 v7, v5;
	[tilespmem:s9+$0x14800] =	vst v5  }
0x85: {  	[tilespmem:s9+$0x15080] =	vst v6  }
0x86: {  	v9 =	vmul.f32 v10, v9;
	[tilespmem:s9+$0x15900] =	vst v7  }
0x87: {  	[tilespmem:s9+$0x16180] =	vst v8  }
0x88: {  	v10 =	vmov s6;
	s28 =	sadd.s32 $0x1, s8;
	[tilespmem:s9+$0x16A00] =	vst v9  }
0x89: {  	s15 =	sand.u32 $0x3FFFFFF0, s5;
	[tilespmem:s9+$0x17280] =	vst v10;
	v10 =	vmov s28  }
0x8a: {  	s20 =	sadd.s32 s15, s31;
	[tilespmem:$0x17B00] =	vst v10  }
0x8b: {  	s6 =	sadd.s32 s15, s29;
	v10 =	vld [tilespmem:s20+$0x0]  }
0x8c: {  	s8 =	sadd.s32 s15, s1;
	v11 =	vld [tilespmem:s6+$0x0]  }
0x8d: {  	s9 =	sadd.s32 s15, s30;
	v12 =	vld [tilespmem:s8+$0x0]  }
0x8e: {  	v13 =	vld [tilespmem:s9+$0x0];
	_ =	sdelay $0x3  }
0x8f: {  	v14 =	vsub.f32 v10, v11;
	v10 =	vmin.f32 v7, v10;
	v11 =	vmax.f32 v5, v11  }
0x90: {  	v15 =	vsub.f32 v12, v13;
	v12 =	vmin.f32 v8, v12;
	v13 =	vmax.f32 v6, v13  }
0x91: {  	v10 =	vsub.f32 v10, v11;
	v11 =	vsub.f32 v12, v13  }
0x92: {  	v61 =	vmul.f32 v15, v14  }
0x93: {  	v10 =	vmax.f32 v10, $0.0e+00;
	v11 =	vmax.f32 v11, $0.0e+00  }
0x94: {  	v10 =	vmul.f32 v11, v10;
	v11 =	vadd.f32 v61, v9;
	_ =	sdelay $0x1  }
0x95: {  	v11 =	vsub.f32 v11, v10;
	_ =	sdelay $0x1  }
0x96: {  	(erf) = vrcp.f32 v11;
	_ =	sdelay $0x6  }
0x97: {  	s19 =	sshrl.u32 s5, $0x4  }
0x98: {  	s19 =	sadd.s32 $0xFFFFFFFF, s19;
	s15 =	sadd.s32 $0x14700, s15  }
0x99: {  	s19 =	sadd.s32 $0x1, s19;
	v11 =	vld [tilespmem:s15+$0x0];
	v62 =	vpop (erf)  }
0x9a: {  	s17 =	sand.u32 $0xFFFFFFF0, s5;
	p1 =	slt.u32 s19, $0x7;
	v12 =	vmul.f32 v62, v10  }
.Ltmp8:
0x9b: {  	v63 =	vor.u32 s17, v17;
	v10 =	vmov s5;
	(pc) =	sbr.rel @!p1 .LBB2_8-.Ltmp8, $4  }
0x9c: {  	vm1 =	vgt.u32 v63, v10;
	vm0 =	vgt.f32 v12, $3.000000120e-01  }
0x9d: {  	vm0 =	vmand vm1, vm0  }
0x9e: {  	v11 =	vsel vm0, $0x0, v11  }
0x9f: {  	s20 =	sadd.s32 $0x10, s20;
	[tilespmem:s15+$0x0] =	vst v11  }
.LBB2_7:
0xa0: {  	v11 =	vld [tilespmem:s20+$0x0];
	s6 =	sadd.s32 $0x10, s6  }
0xa1: {  	s8 =	sadd.s32 $0x10, s8;
	v12 =	vld [tilespmem:s6+$0x0]  }
0xa2: {  	s9 =	sadd.s32 $0x10, s9;
	v13 =	vld [tilespmem:s8+$0x0]  }
0xa3: {  	s19 =	sadd.s32 $0x1, s19;
	v14 =	vld [tilespmem:s9+$0x0]  }
0xa4: {  	p1 =	slt.u32 s19, $0x7;
	_ =	sdelay $0x2  }
0xa5: {  	v15 =	vsub.f32 v11, v12;
	v11 =	vmin.f32 v7, v11;
	v12 =	vmax.f32 v5, v12  }
0xa6: {  	v16 =	vsub.f32 v13, v14;
	v13 =	vmin.f32 v8, v13;
	v14 =	vmax.f32 v6, v14  }
0xa7: {  	v11 =	vsub.f32 v11, v12;
	v12 =	vsub.f32 v13, v14  }
0xa8: {  	v13 =	vmul.f32 v16, v15  }
0xa9: {  	v11 =	vmax.f32 v11, $0.0e+00;
	v12 =	vmax.f32 v12, $0.0e+00  }
0xaa: {  	v11 =	vmul.f32 v12, v11;
	v12 =	vadd.f32 v13, v9;
	_ =	sdelay $0x1  }
0xab: {  	v12 =	vsub.f32 v12, v11;
	_ =	sdelay $0x1  }
0xac: {  	(erf) = vrcp.f32 v12;
	_ =	sdelay $0x7  }
0xad: {  	s15 =	sadd.s32 $0x10, s15  }
0xae: {  	v12 =	vld [tilespmem:s15+$0x0];
	v13 =	vpop (erf)  }
0xaf: {  	s17 =	sadd.s32 $0x10, s17;
	v11 =	vmul.f32 v13, v11  }
.Ltmp9:
0xb0: {  	v13 =	vor.u32 s17, v17;
	(pc) =	sbr.rel @p1 .LBB2_7-.Ltmp9, $4  }
0xb1: {  	vm1 =	vgt.u32 v13, v10;
	vm0 =	vgt.f32 v11, $3.000000120e-01  }
0xb2: {  	vm0 =	vmand vm1, vm0  }
0xb3: {  	v11 =	vsel vm0, $0x0, v12  }
0xb4: {  	s20 =	sadd.s32 $0x10, s20;
	[tilespmem:s15+$0x0] =	vst v11  }
.Ltmp10:
0xb5: {  	_ = 	snop;
	(pc) =	sbr.rel .LBB2_8-.Ltmp10, $1  }
0xb6: {  	_ =	sdelay $0x3  }
.LBB2_9:
0xb7: {  	v5 =	vld [tilespmem:$0x17B00];
	_ =	sdelay $0x4  }
0xb8: {  	(v2sf) =	vpush v5, $0x0;
	_ =	sdelay $0xe  }
0xb9: {  	s3 =	spop (v2sf)  }
0xba: {  	s5 =	sshll.u32 s3, $0x4  }
0xbb: {  	[tilespmem:s5+$0x14800] =	vst v1  }
0xbc: {  	[tilespmem:s5+$0x15080] =	vst v1  }
0xbd: {  	[tilespmem:s5+$0x15900] =	vst v1  }
0xbe: {  	[tilespmem:s5+$0x16180] =	vst v1  }
0xbf: {  	v0 =	vimm.s32 $0x5000;
	[tilespmem:s5+$0x16A00] =	vst v1  }
0xc0: {  	[tilespmem:s5+$0x17280] =	vst v0  }
0xc1: {  	[tilespmem:s5+$0x14810] =	vst v1  }
0xc2: {  	[tilespmem:s5+$0x15090] =	vst v1  }
0xc3: {  	[tilespmem:s5+$0x15910] =	vst v1  }
0xc4: {  	[tilespmem:s5+$0x16190] =	vst v1  }
0xc5: {  	[tilespmem:s5+$0x16A10] =	vst v1  }
0xc6: {  	[tilespmem:s5+$0x17290] =	vst v0  }
0xc7: {  	[tilespmem:s5+$0x14820] =	vst v1  }
0xc8: {  	[tilespmem:s5+$0x150A0] =	vst v1  }
0xc9: {  	[tilespmem:s5+$0x15920] =	vst v1  }
0xca: {  	[tilespmem:s5+$0x161A0] =	vst v1  }
0xcb: {  	[tilespmem:s5+$0x16A20] =	vst v1  }
0xcc: {  	[tilespmem:s5+$0x172A0] =	vst v0  }
0xcd: {  	[tilespmem:s5+$0x14830] =	vst v1  }
0xce: {  	[tilespmem:s5+$0x150B0] =	vst v1  }
0xcf: {  	[tilespmem:s5+$0x15930] =	vst v1  }
0xd0: {  	[tilespmem:s5+$0x161B0] =	vst v1  }
0xd1: {  	[tilespmem:s5+$0x16A30] =	vst v1  }
0xd2: {  	[tilespmem:s5+$0x172B0] =	vst v0  }
0xd3: {  	[tilespmem:s5+$0x14840] =	vst v1  }
0xd4: {  	s0 =	ssub.s32 s0, s7;
	[tilespmem:s5+$0x150C0] =	vst v1  }
0xd5: {  	s6 =	sadd.s32 $0xF, s0;
	[tilespmem:s5+$0x15940] =	vst v1  }
0xd6: {  	p1 =	slt.s32 s0, $0xFFFFFFF2;
	s8 =	sand.u32 $0xF, s6;
	s24 =	sadd.s32 $0x7, s3;
	[tilespmem:s5+$0x161C0] =	vst v1  }
0xd7: {  	p2 =	sne.s32 s8, $0x0;
	s8 =	simm.s32 $0x1;
	[tilespmem:s5+$0x16A40] =	vst v1;
	s3 =	sand.u32 $0x7, s24  }
0xd8: {  	[tilespmem:s5+$0x172C0] =	vst v0;
	s25 =	sshra.s32 s24, $0x1F;
	p6 =	slt.s32 s24, $0x1;
	p3 =	sne.s32 s3, $0x0  }
0xd9: {  	p1 =	por !p1, !p2;
	[tilespmem:s5+$0x14850] =	vst v1;
	s26 =	sshrl.u32 s25, $0x1D;
	p2 =	por !p6, !p3  }
0xda: {  	[tilespmem:s5+$0x150D0] =	vst v1;
	s3 =	simm.s32 $0x1;
	s0 =	sadd.s32 s26, s24;
	p2 =	por !p2, !p2  }
0xdb: {  	p1 =	por !p1, !p1;
	[tilespmem:s5+$0x15950] =	vst v1;
	s0 =	sshra.s32 s0, $0x3;
	s3 =	simm.s32 @!p2 $0x0  }
0xdc: {  	s28 =	sshrl.u32 s6, $0x4;
	s8 =	simm.s32 @!p1 $0x0;
	[tilespmem:s5+$0x161D0] =	vst v1;
	s3 =	ssub.s32 s0, s3  }
0xdd: {  	[tilespmem:s5+$0x16A50] =	vst v1;
	s0 =	ssub.s32 s28, s8;
	p2 =	slt.s32 s3, $0x1  }
0xde: {  	[tilespmem:s5+$0x172D0] =	vst v0;
	p3 =	sgt.s32 @!p2 s0, $0x4F  }
0xdf: {  	[tilespmem:s5+$0x14860] =	vst v1;
	p2 =	por p2, p3  }
.Ltmp11:
0xe0: {  	[tilespmem:s5+$0x150E0] =	vst v1;
	(pc) =	sbr.rel @p2 .LBB2_14-.Ltmp11, $4  }
0xe1: {  	[tilespmem:s5+$0x15960] =	vst v1  }
0xe2: {  	[tilespmem:s5+$0x161E0] =	vst v1  }
0xe3: {  	[tilespmem:s5+$0x16A60] =	vst v1  }
0xe4: {  	[tilespmem:s5+$0x172E0] =	vst v0  }
0xe5: {  	s0 =	simm.s32 $0xFFFFFFFF  }
0xe6: {  	s6 =	rddreg [dreg:$0xc];
	s0 =	simm.s32 @!p1 $0x0  }
0xe7: {  	s23 =	rddreg [dreg:$0xd];
	s0 =	sadd.s32 s0, s4  }
0xe8: {  	s15 =	rddreg [dreg:$0xe];
	s4 =	sshll.u32 s0, $0xA  }
0xe9: {  	s24 =	sshll.u32 s0, $0x6;
	s5 =	sshra.s32 s4, $0x2;
	s4 =	sadd.s32 $0xFFFFFFFF, s0  }
0xea: {  	s0 =	sshll.u32 s0, $0x8;
	s26 =	sshra.s32 s24, $0x2;
	s8 =	sor.u32 s5, s16  }
0xeb: {  	s9 =	sadd.s32 s5, s6;
	s25 =	sadd.s32 s5, s23;
	s15 =	sadd.s32 s5, s15  }
0xec: {  	s17 =	sor.u32 s0, s16;
	s28 =	sadd.s32 $0x14200, s26;
	s6 =	simm.s32 $0x0  }
.LBB2_11:
0xed: {  	v36 =	vld [tilespmem:s8+$0x0]  }
0xee: {  	v42 =	vld [tilespmem:s15+$0x0]  }
0xef: {  	v40 =	vld [tilespmem:s25+$0x0]  }
0xf0: {  	s0 =	sshll.u32 s6, $0x7;
	v44 =	vld [tilespmem:s9+$0x0]  }
0xf1: {  	v0 =	vld [tilespmem:s0+$0x14800]  }
0xf2: {  	v2 =	vld [tilespmem:s0+$0x15080]  }
0xf3: {  	v3 =	vld [tilespmem:s0+$0x15900]  }
0xf4: {  	v4 =	vld [tilespmem:s0+$0x16180]  }
0xf5: {  	v5 =	vld [tilespmem:s0+$0x14810]  }
0xf6: {  	v6 =	vld [tilespmem:s0+$0x15090]  }
0xf7: {  	v7 =	vld [tilespmem:s0+$0x15910]  }
0xf8: {  	v8 =	vld [tilespmem:s0+$0x16190]  }
0xf9: {  	v9 =	vld [tilespmem:s0+$0x14820]  }
0xfa: {  	v10 =	vld [tilespmem:s0+$0x150A0]  }
0xfb: {  	v12 =	vld [tilespmem:s0+$0x14830]  }
0xfc: {  	v13 =	vld [tilespmem:s0+$0x15930]  }
0xfd: {  	v14 =	vld [tilespmem:s0+$0x161B0]  }
0xfe: {  	v15 =	vld [tilespmem:s0+$0x14840]  }
0xff: {  	v16 =	vld [tilespmem:s0+$0x15950]  }
0x100: {  	v18 =	vld [tilespmem:s0+$0x150E0]  }
0x101: {  	v19 =	vld [tilespmem:s0+$0x14870]  }
0x102: {  	v21 =	vld [tilespmem:s0+$0x161F0]  }
0x103: {  	v22 =	vld [tilespmem:s0+$0x15960]  }
0x104: {  	v23 =	vld [tilespmem:s0+$0x161E0];
	v45 =	vsub.f32 v42, v44;
	v54 =	vsub.f32 v40, v36;
	v33 =	vmax.f32 v5, v36  }
0x105: {  	v63 =	vld [tilespmem:s0+$0x150B0];
	v34 =	vmax.f32 v12, v36;
	v37 =	vmax.f32 v0, v36;
	v43 =	vmin.f32 v14, v42  }
0x106: {  	v11 =	vld [tilespmem:s0+$0x15920];
	v38 =	vmax.f32 v19, v36;
	v29 =	vmin.f32 v4, v42;
	v39 =	vmin.f32 v8, v42  }
0x107: {  	v31 =	vld [tilespmem:s0+$0x15970];
	v41 =	vmin.f32 v16, v40;
	v30 =	vmax.f32 v2, v44;
	v46 =	vmin.f32 v21, v42  }
0x108: {  	[tilespmem:$0x1FF40] =	vst v0;
	v0 =	vld [tilespmem:s0+$0x161A0];
	v47 =	vmin.f32 v22, v40;
	v48 =	vmax.f32 v18, v44;
	v35 =	vmin.f32 v13, v40  }
0x109: {  	[tilespmem:$0x1FFA0] =	vst v2;
	v2 =	vld [tilespmem:s0+$0x14860];
	v49 =	vmax.f32 v15, v36;
	v50 =	vmin.f32 v23, v42;
	v51 =	vmin.f32 v3, v40  }
0x10a: {  	[tilespmem:$0x1FF30] =	vst v12;
	v12 =	vld [tilespmem:s0+$0x150C0];
	v53 =	vmax.f32 v6, v44;
	v55 =	vmin.f32 v7, v40;
	v56 =	vmax.f32 v63, v44  }
0x10b: {  	[tilespmem:$0x1FF50] =	vst v14;
	v14 =	vld [tilespmem:s0+$0x161C0];
	v57 =	vmin.f32 v11, v40;
	v60 =	vmax.f32 v9, v36;
	v32 =	vsub.f32 v29, v30  }
0x10c: {  	[tilespmem:$0x1FF80] =	vst v8;
	v8 =	vmin.f32 v31, v40;
	v55 =	vsub.f32 v55, v33;
	v57 =	vsub.f32 v57, v60;
	v33 =	vld [tilespmem:s0+$0x16A10]  }
0x10d: {  	[tilespmem:$0x1FF60] =	vst v19;
	v25 =	vmovc v7;
	v38 =	vsub.f32 v8, v38;
	v51 =	vsub.f32 v51, v37;
	v52 =	vmax.f32 v32, $0.0e+00;
	v32 =	vld [tilespmem:s0+$0x14850]  }
0x10e: {  	v19 =	vmovc v10;
	v7 =	vmax.f32 v10, v44;
	v39 =	vsub.f32 v39, v53;
	v37 =	vld [tilespmem:s0+$0x161D0];
	v10 =	vsub.f32 v50, v48  }
0x10f: {  	v27 =	vmovc v11;
	v30 =	vmovc v63;
	v63 =	vsub.f32 v35, v34;
	v34 =	vld [tilespmem:s0+$0x15940];
	v48 =	vmax.f32 v38, $0.0e+00;
	v11 =	vmax.f32 v57, $0.0e+00  }
0x110: {  	[tilespmem:$0x1FFC0] =	vst v22;
	v35 =	vld [tilespmem:s0+$0x16A40];
	v53 =	vmax.f32 v39, $0.0e+00;
	v57 =	vmax.f32 v10, $0.0e+00;
	v58 =	vmin.f32 v0, v42  }
0x111: {  	v20 =	vmovc v23;
	v39 =	vld [tilespmem:s0+$0x16A50];
	v59 =	vmax.f32 v2, v36;
	v61 =	vmax.f32 v12, v44;
	v62 =	vmin.f32 v14, v42  }
0x112: {  	v23 =	vmovc v9;
	v22 =	vmovc v12;
	v12 =	vmax.f32 v55, $0.0e+00;
	v61 =	vsub.f32 v62, v61;
	v9 =	vmax.f32 v32, v36;
	v36 =	vld [tilespmem:s0+$0x16A20]  }
0x113: {  	v38 =	vld [tilespmem:s0+$0x150D0];
	v26 =	vmovc v2;
	v58 =	vsub.f32 v58, v7;
	v62 =	vmul.f32 v45, v54;
	v2 =	vmul.f32 v53, v12  }
0x114: {  	v47 =	vsub.f32 v47, v59;
	v42 =	vmin.f32 v37, v42;
	v12 =	vmax.f32 v63, $0.0e+00  }
0x115: {  	[tilespmem:$0x1FFE0] =	vst v13;
	v28 =	vmovc v14;
	v61 =	vmax.f32 v61, $0.0e+00;
	v13 =	vmin.f32 v34, v40;
	v14 =	vadd.f32 v62, v33  }
0x116: {  	[tilespmem:$0x1FF70] =	vst v4;
	v24 =	vmovc v6;
	v4 =	vadd.f32 v62, v35;
	v6 =	vmax.f32 v58, $0.0e+00;
	v40 =	vld [tilespmem:s0+$0x16A00];
	v58 =	vadd.f32 v62, v39  }
0x117: {  	v60 =	vsub.f32 v41, v9;
	v59 =	vmul.f32 v6, v11;
	v41 =	vld [tilespmem:s0+$0x16A30];
	v7 =	vadd.f32 v62, v36  }
0x118: {  	v10 =	vmax.f32 v38, v44;
	v9 =	vsub.f32 v43, v56;
	v43 =	vld [tilespmem:s0+$0x150F0];
	v8 =	vsub.f32 v14, v2  }
0x119: {  	v42 =	vsub.f32 v42, v10;
	v11 =	vmax.f32 v51, $0.0e+00;
	v53 =	vsub.f32 v7, v59  }
0x11a: {  	v54 =	vmul.f32 v52, v11;
	v45 =	vmax.f32 v9, $0.0e+00;
	(erf) = vrcp.f32 v8  }
0x11b: {  	v13 =	vsub.f32 v13, v49;
	v55 =	vmul.f32 v45, v12;
	v45 =	vld [tilespmem:s0+$0x16A70];
	(erf) = vrcp.f32 v53  }
0x11c: {  	[tilespmem:$0x1FF20] =	vst v5;
	v63 =	vmax.f32 v60, $0.0e+00;
	v5 =	vmax.f32 v42, $0.0e+00;
	v9 =	vmax.f32 v47, $0.0e+00  }
0x11d: {  	v49 =	vld [tilespmem:s0+$0x16A60];
	v14 =	vadd.f32 v62, v40;
	v44 =	vmax.f32 v43, v44;
	v6 =	vadd.f32 v62, v41  }
0x11e: {  	v50 =	vld [tilespmem:s0+$0x17290];
	v57 =	vmul.f32 v57, v9;
	v7 =	vmax.f32 v13, $0.0e+00;
	v44 =	vsub.f32 v46, v44  }
0x11f: {  	s26 =	sadd.s32 $0x1, s4;
	v51 =	vld [tilespmem:s0+$0x172A0];
	v8 =	vsub.f32 v14, v54;
	v10 =	vsub.f32 v6, v55;
	v53 =	vmul.f32 v5, v63  }
0x120: {  	p1 =	slt.s32 s26, $0x4F;
	v52 =	vld [tilespmem:s0+$0x172F0];
	v56 =	vmul.f32 v61, v7;
	v44 =	vmax.f32 v44, $0.0e+00;
	v12 =	vadd.f32 v62, v45  }
.Ltmp12:
0x121: {  	v42 =	vld [tilespmem:s0+$0x17280];
	(erf) = vrcp.f32 v8;
	v11 =	vsub.f32 v58, v53;
	v58 =	vmul.f32 v44, v48;
	(pc) =	sbr.rel @!p1 .LBB2_13-.Ltmp12, $4  }
0x122: {  	[tilespmem:$0x1FF90] =	vst v16;
	v47 =	vld [tilespmem:s0+$0x172C0];
	v14 =	vadd.f32 v62, v49;
	v4 =	vsub.f32 v4, v56;
	(erf) = vrcp.f32 v10  }
0x123: {  	s19 =	sadd.s32 $0x10, s28;
	[tilespmem:$0x1FFB0] =	vst v21;
	v29 =	vmov v0;
	v46 =	vld [tilespmem:s0+$0x172B0];
	v13 =	vpop (erf);
	(erf) = vrcp.f32 v11;
	v0 =	vsub.f32 v12, v58  }
0x124: {  	s20 =	sadd.s32 $0x100, s25;
	s21 =	sadd.s32 $0x100, s15;
	s5 =	sadd.s32 $0x100, s17;
	[tilespmem:$0x1FFD0] =	vst v18;
	v60 =	vsub.f32 v14, v57;
	v48 =	vld [tilespmem:s0+$0x172D0];
	v61 =	vmul.f32 v13, v2;
	v2 =	vpop (erf);
	(erf) = vrcp.f32 v4  }
0x125: {  	s23 =	smov.u32 s8;
	s24 =	smov.u32 s9;
	[tilespmem:$0x1FFF0] =	vst v15;
	v21 =	vmovc v3;
	v44 =	vld [tilespmem:s0+$0x172E0];
	s0 =	smov.u32 s28;
	v62 =	vmul.f32 v2, v59;
	(erf) = vrcp.f32 v0;
	v59 =	vor.u32 s17, v17  }
.LBB2_12:
0x126: {  	_ = 	snop  }
0x127: {  	(erf) = vrcp.f32 v60  }
0x128: {  	vm1 =	vgt.s32 v59, v50;
	vm2 =	vgt.s32 v59, v51;
	vm14 =	vgt.s32 v59, v46  }
0x129: {  	vm15 =	vgt.s32 v59, v52;
	vm4 =	vgt.s32 v59, v42;
	vm9 =	vgt.s32 v59, v47  }
0x12a: {  	vm5 =	vgt.s32 v59, v48;
	vm0 =	vgt.f32 v61, $3.000000120e-01;
	vm12 =	vgt.f32 v62, $3.000000120e-01;
	v4 =	vpop (erf)  }
0x12b: {  	vm0 =	vmand vm1, vm0;
	vm13 =	vmand vm2, vm12;
	v3 =	vmul.f32 v4, v54;
	v61 =	vpop (erf)  }
0x12c: {  	vm12 =	vgt.s32 v59, v44;
	v0 =	vsel vm0, $0x3F800000, v1;
	v5 =	vmul.f32 v61, v55;
	v62 =	vpop (erf)  }
0x12d: {  	v2 =	vsel vm13, $0x3F800000, v1;
	vm3 =	vgt.f32 v3, $3.000000120e-01;
	v63 =	vpop (erf);
	v4 =	vmul.f32 v62, v53  }
0x12e: {  	vm3 =	vmand vm4, vm3;
	vm10 =	vgt.f32 v5, $3.000000120e-01;
	v54 =	vmul.f32 v63, v56  }
0x12f: {  	v6 =	vpop (erf);
	v3 =	vsel vm3, $0x3F800000, v1;
	vm1 =	vmand vm14, vm10;
	vm11 =	vgt.f32 v4, $3.000000120e-01  }
0x130: {  	v53 =	vmul.f32 v6, v58;
	v0 =	vmax.f32 v3, v0;
	v7 =	vpop (erf);
	vm3 =	vmand vm5, vm11  }
0x131: {  	vm6 =	vgt.f32 v54, $3.000000120e-01;
	v0 =	vmax.f32 v0, v2;
	v2 =	vmul.f32 v7, v57  }
0x132: {  	v9 =	vsel vm1, $0x3F800000, v1;
	vm13 =	vgt.f32 v53, $3.000000120e-01;
	vm0 =	vmand vm9, vm6  }
0x133: {  	v0 =	vmax.f32 v0, v9;
	v10 =	vsel vm0, $0x3F800000, v1;
	vm7 =	vgt.f32 v2, $3.000000120e-01  }
0x134: {  	v11 =	vld [tilespmem:s0+$0x0];
	v2 =	vsel vm3, $0x3F800000, v1;
	v0 =	vmax.f32 v0, v10;
	vm14 =	vmand vm12, vm7  }
0x135: {  	vm2 =	vmand vm15, vm13;
	v0 =	vmax.f32 v0, v2;
	v2 =	vsel vm14, $0x3F800000, v1  }
0x136: {  	v8 =	vsel vm2, $0x3F800000, v1;
	v0 =	vmax.f32 v0, v2  }
0x137: {  	v0 =	vmax.f32 v0, v8  }
0x138: {  	vm15 =	vgt.f32 v0, $0.0e+00  }
0x139: {  	v0 =	vsel vm15, $0x0, v11  }
0x13a: {  	s23 =	sadd.s32 $0x100, s23;
	v3 =	vld [tilespmem:$0x1FF20];
	[tilespmem:s0+$0x0] =	vst v0  }
0x13b: {  	v0 =	vld [tilespmem:s23+$0x0];
	_ =	sdelay $0x4  }
0x13c: {  	v54 =	vmax.f32 v3, v0;
	v3 =	vld [tilespmem:$0x1FF30];
	_ =	sdelay $0x4  }
0x13d: {  	v55 =	vmax.f32 v3, v0;
	v3 =	vld [tilespmem:$0x1FF40];
	_ =	sdelay $0x3  }
0x13e: {  	v2 =	vld [tilespmem:s21+$0x0]  }
0x13f: {  	v56 =	vmax.f32 v3, v0;
	v3 =	vld [tilespmem:$0x1FF50];
	_ =	sdelay $0x4  }
0x140: {  	v57 =	vmin.f32 v3, v2;
	v3 =	vld [tilespmem:$0x1FF60];
	_ =	sdelay $0x4  }
0x141: {  	v58 =	vmax.f32 v3, v0;
	v3 =	vld [tilespmem:$0x1FF70]  }
0x142: {  	v14 =	vld [tilespmem:$0x1FFD0]  }
0x143: {  	v6 =	vld [tilespmem:$0x1FFE0]  }
0x144: {  	s24 =	sadd.s32 $0x100, s24;
	v7 =	vld [tilespmem:$0x1FFF0]  }
0x145: {  	v53 =	vld [tilespmem:s24+$0x0]  }
0x146: {  	v12 =	vmin.f32 v3, v2;
	v3 =	vld [tilespmem:$0x1FF80]  }
0x147: {  	v4 =	vld [tilespmem:s20+$0x0];
	_ =	sdelay $0x3  }
0x148: {  	v62 =	vsub.f32 v2, v53;
	v5 =	vmax.f32 v14, v53;
	v60 =	vmin.f32 v3, v2;
	v3 =	vld [tilespmem:$0x1FF90]  }
0x149: {  	v6 =	vmin.f32 v6, v4;
	v7 =	vmax.f32 v7, v0;
	v8 =	vmin.f32 v20, v2  }
0x14a: {  	v9 =	vmin.f32 v21, v4;
	v10 =	vmax.f32 v24, v53;
	v11 =	vsub.f32 v4, v0  }
0x14b: {  	v14 =	vmin.f32 v27, v4;
	v17 =	vmax.f32 v22, v53;
	v18 =	vmin.f32 v28, v2  }
0x14c: {  	v15 =	vmin.f32 v29, v2;
	v16 =	vmax.f32 v26, v0;
	v17 =	vsub.f32 v18, v17  }
0x14d: {  	v18 =	vmin.f32 v31, v4;
	v5 =	vsub.f32 v8, v5;
	v61 =	vmin.f32 v3, v4;
	v3 =	vld [tilespmem:$0x1FFA0]  }
0x14e: {  	v11 =	vmul.f32 v62, v11;
	v6 =	vsub.f32 v6, v55;
	v9 =	vsub.f32 v9, v56  }
0x14f: {  	v13 =	vld [tilespmem:$0x1FFC0];
	v17 =	vmax.f32 v17, $0.0e+00;
	v5 =	vmax.f32 v5, $0.0e+00;
	v18 =	vsub.f32 v18, v58  }
0x150: {  	v55 =	vadd.f32 v11, v36;
	v6 =	vmax.f32 v6, $0.0e+00;
	v56 =	vmax.f32 v9, $0.0e+00  }
0x151: {  	v58 =	vadd.f32 v11, v39;
	v8 =	vmax.f32 v18, $0.0e+00;
	v10 =	vsub.f32 v60, v10  }
0x152: {  	v18 =	vadd.f32 v11, v35;
	v60 =	vadd.f32 v11, v49;
	v63 =	vmax.f32 v3, v53  }
0x153: {  	v10 =	vmax.f32 v10, $0.0e+00;
	v59 =	vsub.f32 v12, v63;
	v12 =	vmin.f32 v25, v4  }
0x154: {  	v63 =	vmin.f32 v13, v4;
	v12 =	vsub.f32 v12, v54;
	v54 =	vmax.f32 v23, v0  }
0x155: {  	v13 =	vmax.f32 v30, v53;
	v14 =	vsub.f32 v14, v54;
	v54 =	vmax.f32 v19, v53  }
0x156: {  	v3 =	vld [tilespmem:$0x1FFB0];
	v4 =	vmin.f32 v34, v4;
	v0 =	vmax.f32 v32, v0;
	v15 =	vsub.f32 v15, v54  }
0x157: {  	v13 =	vsub.f32 v57, v13;
	v54 =	vadd.f32 v11, v33;
	v12 =	vmax.f32 v12, $0.0e+00  }
0x158: {  	v14 =	vmax.f32 v14, $0.0e+00;
	v10 =	vmul.f32 v10, v12;
	v62 =	vmax.f32 v15, $0.0e+00  }
0x159: {  	v4 =	vsub.f32 v4, v7;
	v59 =	vmax.f32 v59, $0.0e+00;
	v12 =	vmul.f32 v62, v14  }
0x15a: {  	v0 =	vsub.f32 v61, v0;
	v13 =	vmax.f32 v13, $0.0e+00;
	v57 =	vsub.f32 v54, v10  }
0x15b: {  	v4 =	vmax.f32 v4, $0.0e+00;
	v3 =	vmin.f32 v3, v2;
	v61 =	vsub.f32 v55, v12  }
0x15c: {  	v2 =	vmin.f32 v37, v2;
	v62 =	vmax.f32 v38, v53;
	(erf) = vrcp.f32 v57  }
0x15d: {  	v0 =	vmax.f32 v0, $0.0e+00;
	v2 =	vsub.f32 v2, v62;
	(erf) = vrcp.f32 v61  }
0x15e: {  	v15 =	vsub.f32 v63, v16;
	v54 =	vmul.f32 v59, v56;
	v59 =	vadd.f32 v11, v40  }
0x15f: {  	v62 =	vadd.f32 v11, v41;
	v2 =	vmax.f32 v2, $0.0e+00;
	v61 =	vmax.f32 v43, v53  }
0x160: {  	v55 =	vmul.f32 v13, v6;
	v53 =	vmul.f32 v2, v0;
	v0 =	vsub.f32 v3, v61  }
0x161: {  	s26 =	sadd.s32 $0x1, s26;
	v56 =	vmul.f32 v17, v4;
	v63 =	vmax.f32 v15, $0.0e+00;
	v7 =	vsub.f32 v59, v54  }
0x162: {  	p1 =	slt.s32 s26, $0x4F;
	v2 =	vsub.f32 v62, v55;
	v3 =	vsub.f32 v58, v53;
	v0 =	vmax.f32 v0, $0.0e+00  }
.Ltmp13:
0x163: {  	(erf) = vrcp.f32 v7;
	v58 =	vmul.f32 v0, v8;
	v0 =	vadd.f32 v11, v45;
	(pc) =	sbr.rel @p1 .LBB2_12-.Ltmp13, $4  }
0x164: {  	v17 =	vlaneseq.u32;
	(erf) = vrcp.f32 v2;
	v2 =	vsub.f32 v18, v56  }
0x165: {  	v57 =	vmul.f32 v5, v63;
	v0 =	vsub.f32 v0, v58;
	v63 =	vpop (erf);
	(erf) = vrcp.f32 v3  }
0x166: {  	s0 =	smov.u32 s19;
	s19 =	sadd.s32 $0x10, s19;
	v59 =	vor.u32 s5, v17;
	v61 =	vmul.f32 v63, v10;
	v3 =	vpop (erf);
	(erf) = vrcp.f32 v2  }
0x167: {  	s20 =	sadd.s32 $0x100, s20;
	s21 =	sadd.s32 $0x100, s21;
	s5 =	sadd.s32 $0x100, s5;
	v60 =	vsub.f32 v60, v57;
	v62 =	vmul.f32 v3, v12;
	(erf) = vrcp.f32 v0  }
.LBB2_13:
0x168: {  	_ =	sdelay $0x2  }
0x169: {  	(erf) = vrcp.f32 v60  }
0x16a: {  	vm0 =	vgt.f32 v61, $3.000000120e-01;
	vm1 =	vgt.s32 v59, v50;
	vm3 =	vgt.s32 v59, v51;
	v0 =	vpop (erf)  }
0x16b: {  	vm15 =	vgt.s32 v59, v42;
	vm2 =	vgt.f32 v62, $3.000000120e-01;
	v0 =	vmul.f32 v0, v54  }
0x16c: {  	vm0 =	vmand vm1, vm0;
	vm4 =	vgt.s32 v59, v47;
	vm12 =	vmand vm3, vm2;
	v4 =	vpop (erf)  }
0x16d: {  	v2 =	vsel vm0, $0x3F800000, v1;
	vm13 =	vgt.s32 v59, v46;
	v4 =	vmul.f32 v4, v55  }
0x16e: {  	vm0 =	vgt.s32 v59, v52;
	v3 =	vsel vm12, $0x3F800000, v1;
	vm14 =	vgt.f32 v0, $3.000000120e-01  }
0x16f: {  	vm5 =	vgt.s32 v59, v48;
	vm2 =	vmand vm15, vm14;
	vm8 =	vgt.f32 v4, $3.000000120e-01;
	v0 =	vpop (erf)  }
0x170: {  	vm10 =	vgt.s32 v59, v44;
	v5 =	vsel vm2, $0x3F800000, v1;
	vm1 =	vmand vm13, vm8;
	v60 =	vpop (erf)  }
0x171: {  	v0 =	vmul.f32 v0, v53;
	v2 =	vmax.f32 v5, v2;
	v6 =	vpop (erf);
	v4 =	vmul.f32 v60, v56  }
0x172: {  	v2 =	vmax.f32 v2, v3;
	v3 =	vsel vm1, $0x3F800000, v1;
	v61 =	vmul.f32 v6, v58;
	v62 =	vpop (erf)  }
0x173: {  	vm9 =	vgt.f32 v0, $3.000000120e-01;
	v0 =	vmul.f32 v62, v57;
	vm11 =	vgt.f32 v4, $3.000000120e-01  }
0x174: {  	vm2 =	vmand vm5, vm9;
	vm6 =	vgt.f32 v61, $3.000000120e-01;
	vm12 =	vmand vm4, vm11  }
0x175: {  	vm13 =	vgt.f32 v0, $3.000000120e-01;
	v0 =	vmax.f32 v2, v3;
	v2 =	vsel vm12, $0x3F800000, v1  }
0x176: {  	s6 =	sadd.s32 $0x1, s6;
	v3 =	vsel vm2, $0x3F800000, v1;
	vm14 =	vmand vm10, vm13;
	v0 =	vmax.f32 v0, v2;
	v2 =	vld [tilespmem:s0+$0x0]  }
0x177: {  	p1 =	sne.s32 s6, s3;
	vm0 =	vmand vm0, vm6;
	v0 =	vmax.f32 v0, v3;
	v3 =	vsel vm14, $0x3F800000, v1  }
.Ltmp14:
0x178: {  	v63 =	vsel vm0, $0x3F800000, v1;
	v0 =	vmax.f32 v0, v3;
	(pc) =	sbr.rel @p1 .LBB2_11-.Ltmp14, $4  }
.Ltmp15:
0x179: {  	v0 =	vmax.f32 v0, v63;
	(pc) =	sbr.rel @!p1 .LBB2_14-.Ltmp15, $4  }
0x17a: {  	vm15 =	vgt.f32 v0, $0.0e+00  }
0x17b: {  	v0 =	vsel vm15, $0x0, v2  }
0x17c: {  	[tilespmem:s0+$0x0] =	vst v0  }
0x17d: {  	_ = 	snop  }
.LBB2_16:
0x17e: {  	_ =	sfence.sel $0x180000  }
0x17f: {  	[bflag:$0x0] =	sbarrier.arrive $0xFFFF  }
0x180: {  	_ =	strace $0x90000047  }
0x181: {  	[bflag:$0x2] =	sbarrier.arrive $0xFFFF  }
0x182: {  	p0 =	sne.s32 s7, $0x0;
	s0 =	rddreg [dreg:$0x6]  }
0x183: {  	s0 =	sadd.s32 @!p0 $0x100000, s0  }
0x184: {  	[sflag:s0] =	ssyncadd.tile.s32 @!p0 $0x1;
	_ =	shalt  }
.Lfunc_end2:
_tile_overlayer_lowered:
.L_overlay_start_2:
0x185: {  	(tag) =	ssettag $0x2  }
0x186: {  	s0 =	rddreg [dreg:$0x0];
	s2 =	stileid.u32  }
0x187: {  	s1 =	rddreg [dreg:$0x1];
	p0 =	sne.s32 s2, $0x0  }
0x188: {  	s3 =	rddreg [dreg:$0x2];
	[bflag:$0x3] =	sbarrier.arrive $0xFFFF;
	s2 =	simm.s32 @!p0 $0x1C01  }
0x189: {  	[timem:s3], [sflag:s2] =	dma.local @!p0 [hbm:s0], s1  }
0x18a: {  	s0 =	simm.s32 @!p0 $0x1  }
0x18b: {  	_ =	swait.ge @!p0 [sflag:s0], s1  }
0x18c: {  	s1 =	ssub.s32 @!p0 $0x0, s1;
	[sflag:s0] =	ssyncset.done @!p0 $0x0  }
0x18d: {  	[sflag:s0] =	ssyncadd.s32 @!p0 s1  }
0x18e: {  	[bflag:$0x3] =	sbarrier.arrive $0xFFFF  }
0x18f: {  	_ =	shalt  }

</sc_bundles>
